<compile_context>
chip_gen: v7x
topology: tpu7x:2x2x1
jax: 0.10.2.dev20260603
libtpu: 0.0.44.dev20260713+nightly
codegen_flags: <defaults>
</compile_context>

<pallas_src>
import functools

import jax
import jax.numpy as jnp
from jax import lax
from jax.experimental import pallas as pl
from jax.experimental.pallas import tpu as pltpu
from jax.experimental.pallas import tpu_sc as plsc

_NT = 25
_WIND_W = 4
_WIND_IDX = 10
_WSPM_MEAN = 2.5
_WSPM_SCALE = 1.8
_MAX_DELAY = 24.0
_N = 128
_F = 32
_BT = 24
_NB = 32 - _BT
_NSB = 32 // _NB
_RS = _N // _NSB


def _speed_rows(wind):
    wspm = jnp.clip(jnp.mean(wind, axis=0) * _WSPM_SCALE + _WSPM_MEAN, 0.0, None)
    return wspm * 3.6 + 0.001


def _tc_body(xs_ref, adj_ref, dist_ref, out_ref):
    wind = xs_ref[0, _NT - _WIND_W:, :, _WIND_IDX]
    speed = _speed_rows(wind)
    tau = jnp.clip(dist_ref[...] / speed[None, :], 0.0, _MAX_DELAY)
    tq = (_NT - 1.0) - tau
    adj = adj_ref[0]
    acc = jnp.zeros((_N, _F), dtype=jnp.float32)
    for t in range(_NT):
        w = adj * jnp.maximum(0.0, 1.0 - jnp.abs(t - tq))
        acc = acc + jnp.dot(w, xs_ref[0, t], preferred_element_type=jnp.float32)
    out_ref[0] = acc


def _sc_body(xs_hbm, xw_hbm, adj_hbm, dist_hbm, out_hbm,
             xs_v, wind_v, invs_v, adj_v, dist_v, trow_v, w0row_v, w1row_v,
             out_v, xs_sem):
    wid = lax.axis_index("s") * 2 + lax.axis_index("c")
    b = wid // _NSB
    r0 = (wid % _NSB) * _RS

    xs_cp = pltpu.make_async_copy(xs_hbm.at[b], xs_v, xs_sem)
    xs_cp.start()

    pltpu.sync_copy(xw_hbm.at[b], wind_v)
    for k in range(_N // 16):
        sl = pl.ds(16 * k, 16)
        acc = jnp.zeros((16,), jnp.float32)
        for t in range(_WIND_W):
            acc = acc + wind_v[t, sl]
        wspm = jnp.maximum(acc * (1.0 / _WIND_W) * _WSPM_SCALE + _WSPM_MEAN, 0.0)
        invs_v[sl] = 1.0 / (wspm * 3.6 + 0.001)

    pltpu.sync_copy(adj_hbm.at[b, pl.ds(r0, _RS)], adj_v)
    pltpu.sync_copy(dist_hbm.at[pl.ds(r0, _RS)], dist_v)
    xs_cp.wait()

    iota = lax.iota(jnp.int32, 16)

    def row_body(ii, _):
        for k in range(_N // 16):
            sl = pl.ds(16 * k, 16)
            tau = jnp.minimum(dist_v[ii, sl] * invs_v[sl], _MAX_DELAY)
            tq = (_NT - 1.0) - tau
            t0i = jnp.minimum(tq.astype(jnp.int32), _NT - 2)
            w1 = tq - t0i.astype(jnp.float32)
            a = adj_v[ii, sl]
            w1a = a * w1
            trow_v[sl] = t0i * (_N * _F)
            w0row_v[sl] = a - w1a
            w1row_v[sl] = w1a

        def blk_body(k, carry):
            acc0, acc1 = carry
            sl = pl.ds(16 * k, 16)
            t0blk = trow_v[sl]
            w0blk = w0row_v[sl]
            w1blk = w1row_v[sl]
            kbase = (16 * k) * _F
            for jj in range(16):
                lane = jnp.full((16,), jj, jnp.int32)
                t0b = jnp.take(t0blk, lane)
                w0b = jnp.take(w0blk, lane)
                w1b = jnp.take(w1blk, lane)
                i00 = t0b + (kbase + jj * _F) + iota
                i01 = i00 + 16
                i10 = i00 + (_N * _F)
                i11 = i01 + (_N * _F)
                x00 = plsc.load_gather(xs_v, [i00])
                x01 = plsc.load_gather(xs_v, [i01])
                x10 = plsc.load_gather(xs_v, [i10])
                x11 = plsc.load_gather(xs_v, [i11])
                acc0 = acc0 + w0b * x00 + w1b * x10
                acc1 = acc1 + w0b * x01 + w1b * x11
            return acc0, acc1

        z = jnp.zeros((16,), jnp.float32)
        acc0, acc1 = lax.fori_loop(0, _N // 16, blk_body, (z, z))
        ro = ii * _F
        out_v[pl.ds(ro, 16)] = acc0
        out_v[pl.ds(ro + 16, 16)] = acc1
        return 0

    lax.fori_loop(0, _RS, row_body, 0)
    pltpu.sync_copy(out_v, out_hbm.at[b, pl.ds(r0 * _F, _RS * _F)])


def kernel(x_raw, adj, dist_km):
    B, T, N, F = x_raw.shape
    assert (B, N, F) == (32, _N, _F)
    xs4 = lax.slice_in_dim(x_raw, T - _NT, T, axis=1)

    out_tc = pl.pallas_call(
        _tc_body,
        grid=(_BT,),
        in_specs=[
            pl.BlockSpec((1, _NT, N, F), lambda b: (b, 0, 0, 0)),
            pl.BlockSpec((1, N, N), lambda b: (b, 0, 0)),
            pl.BlockSpec((N, N), lambda b: (0, 0)),
        ],
        out_specs=pl.BlockSpec((1, N, F), lambda b: (b, 0, 0)),
        out_shape=jax.ShapeDtypeStruct((_BT, N, F), jnp.float32),
    )(lax.slice_in_dim(xs4, 0, _BT, axis=0), lax.slice_in_dim(adj, 0, _BT, axis=0), dist_km)

    xs_sc = lax.slice_in_dim(xs4, _BT, B, axis=0).reshape(_NB, _NT * N * F)
    xw_sc = x_raw[_BT:, T - _WIND_W:, :, _WIND_IDX]
    adj_sc = lax.slice_in_dim(adj, _BT, B, axis=0)
    mesh = plsc.VectorSubcoreMesh(core_axis_name="c", subcore_axis_name="s")
    run = functools.partial(
        pl.kernel,
        out_type=jax.ShapeDtypeStruct((_NB, N * F), jnp.float32),
        mesh=mesh,
        compiler_params=pltpu.CompilerParams(use_tc_tiling_on_sc=False,
                                             needs_layout_passes=False),
        scratch_types=[
            pltpu.VMEM((_NT * _N * _F,), jnp.float32),
            pltpu.VMEM((_WIND_W, _N), jnp.float32),
            pltpu.VMEM((_N,), jnp.float32),
            pltpu.VMEM((_RS, _N), jnp.float32),
            pltpu.VMEM((_RS, _N), jnp.float32),
            pltpu.VMEM((_N,), jnp.int32),
            pltpu.VMEM((_N,), jnp.float32),
            pltpu.VMEM((_N,), jnp.float32),
            pltpu.VMEM((_RS * _F,), jnp.float32),
            pltpu.SemaphoreType.DMA,
        ],
    )(_sc_body)
    out_sc = run(xs_sc, xw_sc, adj_sc, dist_km)
    return jnp.concatenate([out_tc, out_sc.reshape(_NB, N, F)], axis=0)

# --- scband reference (transcript-rebuilt; emitter-appended) ---
"""Pipeline reference for scband-transport-delay-module-16269336117703 (READ-ONLY COPY).

The authoritative reference and input builder live on the scoring server;
editing this copy changes nothing except your own understanding.
"""

import jax, jax.numpy as jnp
import numpy as np


def setup_inputs(seed: int = 0) -> dict:
    key = jax.random.key(seed)
    k1, k2, k3 = jax.random.split(key, 3)
    B, T, N, F = 32, 168, 128, 32
    x_raw = jax.random.normal(k1, (B, T, N, F), dtype=jnp.float32)
    adj = jax.random.uniform(k2, (B, N, N), dtype=jnp.float32)
    d = jax.random.uniform(k3, (N, N), dtype=jnp.float32) * 500.0
    d = (d + d.T) * 0.5
    dist_km = d * (1.0 - jnp.eye(N, dtype=jnp.float32))
    return {"x_raw": x_raw, "adj": adj, "dist_km": dist_km}


def reference(x_raw, adj, dist_km):
    wspm_mean = 2.5
    wspm_scale = 1.8
    max_delay_hours = 24.0
    wind_window = 4
    wind_speed_idx = 10
    B, T, N, F = x_raw.shape
    wind_w = min(wind_window, T)
    # mean recent wind speed per (batch, source station)
    wspm_scaled = x_raw[:, T - wind_w:, :, wind_speed_idx]          # (B, wind_w, N)
    wspm_raw = jnp.clip(wspm_scaled.mean(axis=1) * wspm_scale + wspm_mean, 0.0, None)  # (B, N)
    speed_kmh = wspm_raw * 3.6 + 0.001                              # (B, N)
    # transport delay tau_ij = dist_ij / speed_j
    tau = dist_km[None, :, :] / speed_kmh[:, None, :]               # (B, N, N)
    tau = jnp.clip(tau, 0.0, max_delay_hours)
    t_query = float(T - 1) - tau                                    # (B, N, N)
    t0 = jnp.clip(jnp.floor(t_query), 0, T - 1).astype(jnp.int32)   # (B, N, N)
    t1 = jnp.clip(t0 + 1, 0, T - 1)                                 # (B, N, N)
    w1 = (t_query - t0.astype(jnp.float32))[..., None]              # (B, N, N, 1)
    x_perm = jnp.transpose(x_raw, (0, 2, 1, 3))                     # (B, N, T, F)
    b_idx = jnp.arange(B)[:, None, None]                            # (B, 1, 1)
    j_idx = jnp.arange(N)[None, None, :]                            # (1, 1, N)
    X0 = x_perm[b_idx, j_idx, t0]                                   # (B, N, N, F) gather
    X1 = x_perm[b_idx, j_idx, t1]                                   # (B, N, N, F) gather
    X_delayed = (1.0 - w1) * X0 + w1 * X1                           # (B, N, N, F)
    X_delay = jnp.einsum('bij,bijf->bif', adj, X_delayed)           # (B, N, F)
    return X_delay

if __name__ == "__main__":
    import jax
    _d = setup_inputs()
    print(jax.jit(kernel)(*tuple(_d.values())))

</pallas_src>

<mosaic_0001>
#map = affine_map<(d0, d1) -> (0, 0)>
#map1 = affine_map<(d0, d1) -> (0, 0, 0)>
module attributes {stable_mosaic.version = 14 : i64} {
  func.func @_sc_body(%arg0: i32, %arg1: i32, %arg2: memref<8x102400xf32, #tpu.memory_space<hbm>>, %arg3: memref<8x4x128xf32, #tpu.memory_space<hbm>>, %arg4: memref<8x128x128xf32, #tpu.memory_space<hbm>>, %arg5: memref<128x128xf32, #tpu.memory_space<hbm>>, %arg6: memref<8x4096xf32, #tpu.memory_space<hbm>>, %arg7: memref<102400xf32, #tpu.memory_space<vmem>>, %arg8: memref<4x128xf32, #tpu.memory_space<vmem>>, %arg9: memref<128xf32, #tpu.memory_space<vmem>>, %arg10: memref<32x128xf32, #tpu.memory_space<vmem>>, %arg11: memref<32x128xf32, #tpu.memory_space<vmem>>, %arg12: memref<128xi32, #tpu.memory_space<vmem>>, %arg13: memref<128xf32, #tpu.memory_space<vmem>>, %arg14: memref<128xf32, #tpu.memory_space<vmem>>, %arg15: memref<1024xf32, #tpu.memory_space<vmem>>, %arg16: memref<!tpu.dma_semaphore, #tpu.memory_space<semaphore_mem>>) attributes {dimension_semantics = [#tpu.dimension_semantics<core_parallel>, #tpu.dimension_semantics<subcore_parallel>], iteration_bounds = array<i64: 2, 16>, scalar_prefetch = 0 : i64, scratch_operands = 10 : i64, tpu.core_type = #tpu.core_type<sc_vector_subcore>, window_params = [{transform_indices = #map}, {transform_indices = #map1}, {transform_indices = #map1}, {transform_indices = #map}, {transform_indices = #map}]} {
    %mul3A = arith.constant 2 : i32
    %mul3A_0 = arith.muli %arg1, %mul3A : i32
    %add3A = arith.addi %mul3A_0, %arg0 : i32
    %jit3A = arith.constant 4 : i32
    %div3A = arith.divsi %add3A, %jit3A : i32
    %sign3A = arith.constant 0 : i32
    %sign3A_1 = arith.cmpi sgt, %add3A, %sign3A : i32
    %sign3A_2 = arith.extui %sign3A_1 : i1 to i32
    %sign3A_3 = arith.constant 0 : i32
    %sign3A_4 = arith.cmpi slt, %add3A, %sign3A_3 : i32
    %sign3A_5 = arith.extui %sign3A_4 : i1 to i32
    %sign3A_6 = arith.subi %sign3A_2, %sign3A_5 : i32
    %sign3A_7 = arith.constant 0 : i32
    %sign3A_8 = arith.cmpi sgt, %jit3A, %sign3A_7 : i32
    %sign3A_9 = arith.extui %sign3A_8 : i1 to i32
    %sign3A_10 = arith.constant 0 : i32
    %sign3A_11 = arith.cmpi slt, %jit3A, %sign3A_10 : i32
    %sign3A_12 = arith.extui %sign3A_11 : i1 to i32
    %sign3A_13 = arith.subi %sign3A_9, %sign3A_12 : i32
    %ne3A = arith.cmpi ne, %sign3A_6, %sign3A_13 : i32
    %rem3A = arith.remsi %add3A, %jit3A : i32
    %ne3A_14 = arith.constant 0 : i32
    %ne3A_15 = arith.cmpi ne, %rem3A, %ne3A_14 : i32
    %and3A = arith.andi %ne3A, %ne3A_15 : i1
    %sub3A = arith.constant 1 : i32
    %sub3A_16 = arith.subi %div3A, %sub3A : i32
    %select_n3A = arith.select %and3A, %sub3A_16, %div3A : i32
    %jit3A_17 = arith.constant 4 : i32
    %eq3A = arith.constant 0 : i32
    %eq3A_18 = arith.cmpi eq, %jit3A_17, %eq3A : i32
    %jit3A_19 = arith.constant 1 : i32
    %select_n3A_20 = arith.select %eq3A_18, %jit3A_19, %jit3A_17 : i32
    %rem3A_21 = arith.remsi %add3A, %select_n3A_20 : i32
    %ne3A_22 = arith.constant 0 : i32
    %ne3A_23 = arith.cmpi ne, %rem3A_21, %ne3A_22 : i32
    %lt3A = arith.constant 0 : i32
    %lt3A_24 = arith.cmpi slt, %rem3A_21, %lt3A : i32
    %lt3A_25 = arith.constant 0 : i32
    %lt3A_26 = arith.cmpi slt, %select_n3A_20, %lt3A_25 : i32
    %ne3A_27 = arith.xori %lt3A_24, %lt3A_26 : i1
    %and3A_28 = arith.andi %ne3A_27, %ne3A_23 : i1
    %add3A_29 = arith.addi %rem3A_21, %select_n3A_20 : i32
    %select_n3A_30 = arith.select %and3A_28, %add3A_29, %rem3A_21 : i32
    %mul3A_31 = arith.constant 32 : i32
    %mul3A_32 = arith.muli %select_n3A_30, %mul3A_31 : i32
    %dma_start3A = arith.constant 0 : i32
    %dma_start3A_33 = tpu.memref_slice %arg2[%select_n3A, %dma_start3A] : memref<8x102400xf32, #tpu.memory_space<hbm>> -> memref<1x102400xf32, #tpu.memory_space<hbm>>
    %dma_start3A_34 = tpu.memref_squeeze %dma_start3A_33 : memref<1x102400xf32, #tpu.memory_space<hbm>> -> memref<102400xf32, #tpu.memory_space<hbm>>
    %dma_start3A_35 = arith.constant 0 : i32
    %dma_start3A_36 = tpu.memref_slice %arg2[%select_n3A, %dma_start3A_35] : memref<8x102400xf32, #tpu.memory_space<hbm>> -> memref<1x102400xf32, #tpu.memory_space<hbm>>
    %dma_start3A_37 = tpu.memref_squeeze %dma_start3A_36 : memref<1x102400xf32, #tpu.memory_space<hbm>> -> memref<102400xf32, #tpu.memory_space<hbm>>
    tpu.enqueue_dma source(%dma_start3A_37 : memref<102400xf32, #tpu.memory_space<hbm>>) target(%arg7 : memref<102400xf32, #tpu.memory_space<vmem>>) target_semaphore(%arg16 : memref<!tpu.dma_semaphore, #tpu.memory_space<semaphore_mem>>)
    "tpu.region"() ({
      %run_scoped3A = tpu.sem_alloc : memref<!tpu.dma_semaphore, #tpu.memory_space<semaphore_mem>>
      %dma_start3A_407 = arith.constant 0 : i32
      %dma_start3A_408 = arith.constant 0 : i32
      %dma_start3A_409 = tpu.memref_slice %arg3[%select_n3A, %dma_start3A_407, %dma_start3A_408] : memref<8x4x128xf32, #tpu.memory_space<hbm>> -> memref<1x4x128xf32, #tpu.memory_space<hbm>>
      %dma_start3A_410 = tpu.memref_squeeze %dma_start3A_409 : memref<1x4x128xf32, #tpu.memory_space<hbm>> -> memref<4x128xf32, #tpu.memory_space<hbm>>
      %dma_start3A_411 = arith.constant 0 : i32
      %dma_start3A_412 = arith.constant 0 : i32
      %dma_start3A_413 = tpu.memref_slice %arg3[%select_n3A, %dma_start3A_411, %dma_start3A_412] : memref<8x4x128xf32, #tpu.memory_space<hbm>> -> memref<1x4x128xf32, #tpu.memory_space<hbm>>
      %dma_start3A_414 = tpu.memref_squeeze %dma_start3A_413 : memref<1x4x128xf32, #tpu.memory_space<hbm>> -> memref<4x128xf32, #tpu.memory_space<hbm>>
      tpu.enqueue_dma source(%dma_start3A_414 : memref<4x128xf32, #tpu.memory_space<hbm>>) target(%arg8 : memref<4x128xf32, #tpu.memory_space<vmem>>) target_semaphore(%run_scoped3A : memref<!tpu.dma_semaphore, #tpu.memory_space<semaphore_mem>>)
      %dma_wait3A_415 = arith.constant 0 : i32
      %dma_wait3A_416 = arith.constant 0 : i32
      %dma_wait3A_417 = tpu.memref_slice %arg3[%select_n3A, %dma_wait3A_415, %dma_wait3A_416] : memref<8x4x128xf32, #tpu.memory_space<hbm>> -> memref<1x4x128xf32, #tpu.memory_space<hbm>>
      %dma_wait3A_418 = tpu.memref_squeeze %dma_wait3A_417 : memref<1x4x128xf32, #tpu.memory_space<hbm>> -> memref<4x128xf32, #tpu.memory_space<hbm>>
      %dma_wait3A_419 = arith.constant 0 : i32
      %dma_wait3A_420 = arith.constant 0 : i32
      %dma_wait3A_421 = tpu.memref_slice %arg3[%select_n3A, %dma_wait3A_419, %dma_wait3A_420] : memref<8x4x128xf32, #tpu.memory_space<hbm>> -> memref<1x4x128xf32, #tpu.memory_space<hbm>>
      %dma_wait3A_422 = tpu.memref_squeeze %dma_wait3A_421 : memref<1x4x128xf32, #tpu.memory_space<hbm>> -> memref<4x128xf32, #tpu.memory_space<hbm>>
      tpu.wait_dma2 semaphore(%run_scoped3A : memref<!tpu.dma_semaphore, #tpu.memory_space<semaphore_mem>>) src(%dma_wait3A_422 : memref<4x128xf32, #tpu.memory_space<hbm>>) dst(%arg8 : memref<4x128xf32, #tpu.memory_space<vmem>>)
      tpu.yield
    }) : () -> ()
    %broadcast_in_dim3A = arith.constant 0.000000e+00 : f32
    %broadcast_in_dim3A_38 = vector.broadcast %broadcast_in_dim3A : f32 to vector<16xf32>
    %get3A = arith.constant 0 : i32
    %get3A_39 = arith.index_cast %get3A : i32 to index
    %get3A_40 = arith.constant 0 : index
    %get3A_41 = tpu.vector_load %arg8[%get3A_39, %get3A_40] {strides = array<i32>} : memref<4x128xf32, #tpu.memory_space<vmem>>, vector<16xf32>,
    %add3A_42 = arith.addf %broadcast_in_dim3A_38, %get3A_41 : vector<16xf32>
    %get3A_43 = arith.constant 1 : i32
    %get3A_44 = arith.index_cast %get3A_43 : i32 to index
    %get3A_45 = arith.constant 0 : index
    %get3A_46 = tpu.vector_load %arg8[%get3A_44, %get3A_45] {strides = array<i32>} : memref<4x128xf32, #tpu.memory_space<vmem>>, vector<16xf32>,
    %add3A_47 = arith.addf %add3A_42, %get3A_46 : vector<16xf32>
    %get3A_48 = arith.constant 2 : i32
    %get3A_49 = arith.index_cast %get3A_48 : i32 to index
    %get3A_50 = arith.constant 0 : index
    %get3A_51 = tpu.vector_load %arg8[%get3A_49, %get3A_50] {strides = array<i32>} : memref<4x128xf32, #tpu.memory_space<vmem>>, vector<16xf32>,
    %add3A_52 = arith.addf %add3A_47, %get3A_51 : vector<16xf32>
    %get3A_53 = arith.constant 3 : i32
    %get3A_54 = arith.index_cast %get3A_53 : i32 to index
    %get3A_55 = arith.constant 0 : index
    %get3A_56 = tpu.vector_load %arg8[%get3A_54, %get3A_55] {strides = array<i32>} : memref<4x128xf32, #tpu.memory_space<vmem>>, vector<16xf32>,
    %add3A_57 = arith.addf %add3A_52, %get3A_56 : vector<16xf32>
    %mul3A_58 = arith.constant 2.500000e-01 : f32
    %mul3A_59 = vector.broadcast %mul3A_58 : f32 to vector<16xf32>
    %mul3A_60 = arith.mulf %add3A_57, %mul3A_59 : vector<16xf32>
    %mul3A_61 = arith.constant 1.800000e+00 : f32
    %mul3A_62 = vector.broadcast %mul3A_61 : f32 to vector<16xf32>
    %mul3A_63 = arith.mulf %mul3A_60, %mul3A_62 : vector<16xf32>
    %add3A_64 = arith.constant 2.500000e+00 : f32
    %add3A_65 = vector.broadcast %add3A_64 : f32 to vector<16xf32>
    %add3A_66 = arith.addf %mul3A_63, %add3A_65 : vector<16xf32>
    %max3A = arith.constant 0.000000e+00 : f32
    %max3A_67 = vector.broadcast %max3A : f32 to vector<16xf32>
    %max3A_68 = arith.maximumf %add3A_66, %max3A_67 : vector<16xf32>
    %mul3A_69 = arith.constant 3.600000e+00 : f32
    %mul3A_70 = vector.broadcast %mul3A_69 : f32 to vector<16xf32>
    %mul3A_71 = arith.mulf %max3A_68, %mul3A_70 : vector<16xf32>
    %add3A_72 = arith.constant 1.000000e-03 : f32
    %add3A_73 = vector.broadcast %add3A_72 : f32 to vector<16xf32>
    %add3A_74 = arith.addf %mul3A_71, %add3A_73 : vector<16xf32>
    %div3A_75 = arith.constant 1.000000e+00 : f32
    %div3A_76 = vector.broadcast %div3A_75 : f32 to vector<16xf32>
    %div3A_77 = arith.divf %div3A_76, %add3A_74 : vector<16xf32>
    %swap3A = arith.constant 0 : index
    %swap3A_78 = tpu.vector_load %arg9[%swap3A] {strides = array<i32>} : memref<128xf32, #tpu.memory_space<vmem>>, vector<16xf32>,
    tpu.vector_store %arg9[%swap3A], %div3A_77 {strides = array<i32>} : memref<128xf32, #tpu.memory_space<vmem>>, vector<16xf32>,
    %broadcast_in_dim3A_79 = arith.constant 0.000000e+00 : f32
    %broadcast_in_dim3A_80 = vector.broadcast %broadcast_in_dim3A_79 : f32 to vector<16xf32>
    %get3A_81 = arith.constant 0 : i32
    %get3A_82 = arith.index_cast %get3A_81 : i32 to index
    %get3A_83 = arith.constant 16 : index
    %get3A_84 = tpu.vector_load %arg8[%get3A_82, %get3A_83] {strides = array<i32>} : memref<4x128xf32, #tpu.memory_space<vmem>>, vector<16xf32>,
    %add3A_85 = arith.addf %broadcast_in_dim3A_80, %get3A_84 : vector<16xf32>
    %get3A_86 = arith.constant 1 : i32
    %get3A_87 = arith.index_cast %get3A_86 : i32 to index
    %get3A_88 = arith.constant 16 : index
    %get3A_89 = tpu.vector_load %arg8[%get3A_87, %get3A_88] {strides = array<i32>} : memref<4x128xf32, #tpu.memory_space<vmem>>, vector<16xf32>,
    %add3A_90 = arith.addf %add3A_85, %get3A_89 : vector<16xf32>
    %get3A_91 = arith.constant 2 : i32
    %get3A_92 = arith.index_cast %get3A_91 : i32 to index
    %get3A_93 = arith.constant 16 : index
    %get3A_94 = tpu.vector_load %arg8[%get3A_92, %get3A_93] {strides = array<i32>} : memref<4x128xf32, #tpu.memory_space<vmem>>, vector<16xf32>,
    %add3A_95 = arith.addf %add3A_90, %get3A_94 : vector<16xf32>
    %get3A_96 = arith.constant 3 : i32
    %get3A_97 = arith.index_cast %get3A_96 : i32 to index
    %get3A_98 = arith.constant 16 : index
    %get3A_99 = tpu.vector_load %arg8[%get3A_97, %get3A_98] {strides = array<i32>} : memref<4x128xf32, #tpu.memory_space<vmem>>, vector<16xf32>,
    %add3A_100 = arith.addf %add3A_95, %get3A_99 : vector<16xf32>
    %mul3A_101 = arith.constant 2.500000e-01 : f32
    %mul3A_102 = vector.broadcast %mul3A_101 : f32 to vector<16xf32>
    %mul3A_103 = arith.mulf %add3A_100, %mul3A_102 : vector<16xf32>
    %mul3A_104 = arith.constant 1.800000e+00 : f32
    %mul3A_105 = vector.broadcast %mul3A_104 : f32 to vector<16xf32>
    %mul3A_106 = arith.mulf %mul3A_103, %mul3A_105 : vector<16xf32>
    %add3A_107 = arith.constant 2.500000e+00 : f32
    %add3A_108 = vector.broadcast %add3A_107 : f32 to vector<16xf32>
    %add3A_109 = arith.addf %mul3A_106, %add3A_108 : vector<16xf32>
    %max3A_110 = arith.constant 0.000000e+00 : f32
    %max3A_111 = vector.broadcast %max3A_110 : f32 to vector<16xf32>
    %max3A_112 = arith.maximumf %add3A_109, %max3A_111 : vector<16xf32>
    %mul3A_113 = arith.constant 3.600000e+00 : f32
    %mul3A_114 = vector.broadcast %mul3A_113 : f32 to vector<16xf32>
    %mul3A_115 = arith.mulf %max3A_112, %mul3A_114 : vector<16xf32>
    %add3A_116 = arith.constant 1.000000e-03 : f32
    %add3A_117 = vector.broadcast %add3A_116 : f32 to vector<16xf32>
    %add3A_118 = arith.addf %mul3A_115, %add3A_117 : vector<16xf32>
    %div3A_119 = arith.constant 1.000000e+00 : f32
    %div3A_120 = vector.broadcast %div3A_119 : f32 to vector<16xf32>
    %div3A_121 = arith.divf %div3A_120, %add3A_118 : vector<16xf32>
    %swap3A_122 = arith.constant 16 : index
    %swap3A_123 = tpu.vector_load %arg9[%swap3A_122] {strides = array<i32>} : memref<128xf32, #tpu.memory_space<vmem>>, vector<16xf32>,
    tpu.vector_store %arg9[%swap3A_122], %div3A_121 {strides = array<i32>} : memref<128xf32, #tpu.memory_space<vmem>>, vector<16xf32>,
    %broadcast_in_dim3A_124 = arith.constant 0.000000e+00 : f32
    %broadcast_in_dim3A_125 = vector.broadcast %broadcast_in_dim3A_124 : f32 to vector<16xf32>
    %get3A_126 = arith.constant 0 : i32
    %get3A_127 = arith.index_cast %get3A_126 : i32 to index
    %get3A_128 = arith.constant 32 : index
    %get3A_129 = tpu.vector_load %arg8[%get3A_127, %get3A_128] {strides = array<i32>} : memref<4x128xf32, #tpu.memory_space<vmem>>, vector<16xf32>,
    %add3A_130 = arith.addf %broadcast_in_dim3A_125, %get3A_129 : vector<16xf32>
    %get3A_131 = arith.constant 1 : i32
    %get3A_132 = arith.index_cast %get3A_131 : i32 to index
    %get3A_133 = arith.constant 32 : index
    %get3A_134 = tpu.vector_load %arg8[%get3A_132, %get3A_133] {strides = array<i32>} : memref<4x128xf32, #tpu.memory_space<vmem>>, vector<16xf32>,
    %add3A_135 = arith.addf %add3A_130, %get3A_134 : vector<16xf32>
    %get3A_136 = arith.constant 2 : i32
    %get3A_137 = arith.index_cast %get3A_136 : i32 to index
    %get3A_138 = arith.constant 32 : index
    %get3A_139 = tpu.vector_load %arg8[%get3A_137, %get3A_138] {strides = array<i32>} : memref<4x128xf32, #tpu.memory_space<vmem>>, vector<16xf32>,
    %add3A_140 = arith.addf %add3A_135, %get3A_139 : vector<16xf32>
    %get3A_141 = arith.constant 3 : i32
    %get3A_142 = arith.index_cast %get3A_141 : i32 to index
    %get3A_143 = arith.constant 32 : index
    %get3A_144 = tpu.vector_load %arg8[%get3A_142, %get3A_143] {strides = array<i32>} : memref<4x128xf32, #tpu.memory_space<vmem>>, vector<16xf32>,
    %add3A_145 = arith.addf %add3A_140, %get3A_144 : vector<16xf32>
    %mul3A_146 = arith.constant 2.500000e-01 : f32
    %mul3A_147 = vector.broadcast %mul3A_146 : f32 to vector<16xf32>
    %mul3A_148 = arith.mulf %add3A_145, %mul3A_147 : vector<16xf32>
    %mul3A_149 = arith.constant 1.800000e+00 : f32
    %mul3A_150 = vector.broadcast %mul3A_149 : f32 to vector<16xf32>
    %mul3A_151 = arith.mulf %mul3A_148, %mul3A_150 : vector<16xf32>
    %add3A_152 = arith.constant 2.500000e+00 : f32
    %add3A_153 = vector.broadcast %add3A_152 : f32 to vector<16xf32>
    %add3A_154 = arith.addf %mul3A_151, %add3A_153 : vector<16xf32>
    %max3A_155 = arith.constant 0.000000e+00 : f32
    %max3A_156 = vector.broadcast %max3A_155 : f32 to vector<16xf32>
    %max3A_157 = arith.maximumf %add3A_154, %max3A_156 : vector<16xf32>
    %mul3A_158 = arith.constant 3.600000e+00 : f32
    %mul3A_159 = vector.broadcast %mul3A_158 : f32 to vector<16xf32>
    %mul3A_160 = arith.mulf %max3A_157, %mul3A_159 : vector<16xf32>
    %add3A_161 = arith.constant 1.000000e-03 : f32
    %add3A_162 = vector.broadcast %add3A_161 : f32 to vector<16xf32>
    %add3A_163 = arith.addf %mul3A_160, %add3A_162 : vector<16xf32>
    %div3A_164 = arith.constant 1.000000e+00 : f32
    %div3A_165 = vector.broadcast %div3A_164 : f32 to vector<16xf32>
    %div3A_166 = arith.divf %div3A_165, %add3A_163 : vector<16xf32>
    %swap3A_167 = arith.constant 32 : index
    %swap3A_168 = tpu.vector_load %arg9[%swap3A_167] {strides = array<i32>} : memref<128xf32, #tpu.memory_space<vmem>>, vector<16xf32>,
    tpu.vector_store %arg9[%swap3A_167], %div3A_166 {strides = array<i32>} : memref<128xf32, #tpu.memory_space<vmem>>, vector<16xf32>,
    %broadcast_in_dim3A_169 = arith.constant 0.000000e+00 : f32
    %broadcast_in_dim3A_170 = vector.broadcast %broadcast_in_dim3A_169 : f32 to vector<16xf32>
    %get3A_171 = arith.constant 0 : i32
    %get3A_172 = arith.index_cast %get3A_171 : i32 to index
    %get3A_173 = arith.constant 48 : index
    %get3A_174 = tpu.vector_load %arg8[%get3A_172, %get3A_173] {strides = array<i32>} : memref<4x128xf32, #tpu.memory_space<vmem>>, vector<16xf32>,
    %add3A_175 = arith.addf %broadcast_in_dim3A_170, %get3A_174 : vector<16xf32>
    %get3A_176 = arith.constant 1 : i32
    %get3A_177 = arith.index_cast %get3A_176 : i32 to index
    %get3A_178 = arith.constant 48 : index
    %get3A_179 = tpu.vector_load %arg8[%get3A_177, %get3A_178] {strides = array<i32>} : memref<4x128xf32, #tpu.memory_space<vmem>>, vector<16xf32>,
    %add3A_180 = arith.addf %add3A_175, %get3A_179 : vector<16xf32>
    %get3A_181 = arith.constant 2 : i32
    %get3A_182 = arith.index_cast %get3A_181 : i32 to index
    %get3A_183 = arith.constant 48 : index
    %get3A_184 = tpu.vector_load %arg8[%get3A_182, %get3A_183] {strides = array<i32>} : memref<4x128xf32, #tpu.memory_space<vmem>>, vector<16xf32>,
    %add3A_185 = arith.addf %add3A_180, %get3A_184 : vector<16xf32>
    %get3A_186 = arith.constant 3 : i32
    %get3A_187 = arith.index_cast %get3A_186 : i32 to index
    %get3A_188 = arith.constant 48 : index
    %get3A_189 = tpu.vector_load %arg8[%get3A_187, %get3A_188] {strides = array<i32>} : memref<4x128xf32, #tpu.memory_space<vmem>>, vector<16xf32>,
    %add3A_190 = arith.addf %add3A_185, %get3A_189 : vector<16xf32>
    %mul3A_191 = arith.constant 2.500000e-01 : f32
    %mul3A_192 = vector.broadcast %mul3A_191 : f32 to vector<16xf32>
    %mul3A_193 = arith.mulf %add3A_190, %mul3A_192 : vector<16xf32>
    %mul3A_194 = arith.constant 1.800000e+00 : f32
    %mul3A_195 = vector.broadcast %mul3A_194 : f32 to vector<16xf32>
    %mul3A_196 = arith.mulf %mul3A_193, %mul3A_195 : vector<16xf32>
    %add3A_197 = arith.constant 2.500000e+00 : f32
    %add3A_198 = vector.broadcast %add3A_197 : f32 to vector<16xf32>
    %add3A_199 = arith.addf %mul3A_196, %add3A_198 : vector<16xf32>
    %max3A_200 = arith.constant 0.000000e+00 : f32
    %max3A_201 = vector.broadcast %max3A_200 : f32 to vector<16xf32>
    %max3A_202 = arith.maximumf %add3A_199, %max3A_201 : vector<16xf32>
    %mul3A_203 = arith.constant 3.600000e+00 : f32
    %mul3A_204 = vector.broadcast %mul3A_203 : f32 to vector<16xf32>
    %mul3A_205 = arith.mulf %max3A_202, %mul3A_204 : vector<16xf32>
    %add3A_206 = arith.constant 1.000000e-03 : f32
    %add3A_207 = vector.broadcast %add3A_206 : f32 to vector<16xf32>
    %add3A_208 = arith.addf %mul3A_205, %add3A_207 : vector<16xf32>
    %div3A_209 = arith.constant 1.000000e+00 : f32
    %div3A_210 = vector.broadcast %div3A_209 : f32 to vector<16xf32>
    %div3A_211 = arith.divf %div3A_210, %add3A_208 : vector<16xf32>
    %swap3A_212 = arith.constant 48 : index
    %swap3A_213 = tpu.vector_load %arg9[%swap3A_212] {strides = array<i32>} : memref<128xf32, #tpu.memory_space<vmem>>, vector<16xf32>,
    tpu.vector_store %arg9[%swap3A_212], %div3A_211 {strides = array<i32>} : memref<128xf32, #tpu.memory_space<vmem>>, vector<16xf32>,
    %broadcast_in_dim3A_214 = arith.constant 0.000000e+00 : f32
    %broadcast_in_dim3A_215 = vector.broadcast %broadcast_in_dim3A_214 : f32 to vector<16xf32>
    %get3A_216 = arith.constant 0 : i32
    %get3A_217 = arith.index_cast %get3A_216 : i32 to index
    %get3A_218 = arith.constant 64 : index
    %get3A_219 = tpu.vector_load %arg8[%get3A_217, %get3A_218] {strides = array<i32>} : memref<4x128xf32, #tpu.memory_space<vmem>>, vector<16xf32>,
    %add3A_220 = arith.addf %broadcast_in_dim3A_215, %get3A_219 : vector<16xf32>
    %get3A_221 = arith.constant 1 : i32
    %get3A_222 = arith.index_cast %get3A_221 : i32 to index
    %get3A_223 = arith.constant 64 : index
    %get3A_224 = tpu.vector_load %arg8[%get3A_222, %get3A_223] {strides = array<i32>} : memref<4x128xf32, #tpu.memory_space<vmem>>, vector<16xf32>,
    %add3A_225 = arith.addf %add3A_220, %get3A_224 : vector<16xf32>
    %get3A_226 = arith.constant 2 : i32
    %get3A_227 = arith.index_cast %get3A_226 : i32 to index
    %get3A_228 = arith.constant 64 : index
    %get3A_229 = tpu.vector_load %arg8[%get3A_227, %get3A_228] {strides = array<i32>} : memref<4x128xf32, #tpu.memory_space<vmem>>, vector<16xf32>,
    %add3A_230 = arith.addf %add3A_225, %get3A_229 : vector<16xf32>
    %get3A_231 = arith.constant 3 : i32
    %get3A_232 = arith.index_cast %get3A_231 : i32 to index
    %get3A_233 = arith.constant 64 : index
    %get3A_234 = tpu.vector_load %arg8[%get3A_232, %get3A_233] {strides = array<i32>} : memref<4x128xf32, #tpu.memory_space<vmem>>, vector<16xf32>,
    %add3A_235 = arith.addf %add3A_230, %get3A_234 : vector<16xf32>
    %mul3A_236 = arith.constant 2.500000e-01 : f32
    %mul3A_237 = vector.broadcast %mul3A_236 : f32 to vector<16xf32>
    %mul3A_238 = arith.mulf %add3A_235, %mul3A_237 : vector<16xf32>
    %mul3A_239 = arith.constant 1.800000e+00 : f32
    %mul3A_240 = vector.broadcast %mul3A_239 : f32 to vector<16xf32>
    %mul3A_241 = arith.mulf %mul3A_238, %mul3A_240 : vector<16xf32>
    %add3A_242 = arith.constant 2.500000e+00 : f32
    %add3A_243 = vector.broadcast %add3A_242 : f32 to vector<16xf32>
    %add3A_244 = arith.addf %mul3A_241, %add3A_243 : vector<16xf32>
    %max3A_245 = arith.constant 0.000000e+00 : f32
    %max3A_246 = vector.broadcast %max3A_245 : f32 to vector<16xf32>
    %max3A_247 = arith.maximumf %add3A_244, %max3A_246 : vector<16xf32>
    %mul3A_248 = arith.constant 3.600000e+00 : f32
    %mul3A_249 = vector.broadcast %mul3A_248 : f32 to vector<16xf32>
    %mul3A_250 = arith.mulf %max3A_247, %mul3A_249 : vector<16xf32>
    %add3A_251 = arith.constant 1.000000e-03 : f32
    %add3A_252 = vector.broadcast %add3A_251 : f32 to vector<16xf32>
    %add3A_253 = arith.addf %mul3A_250, %add3A_252 : vector<16xf32>
    %div3A_254 = arith.constant 1.000000e+00 : f32
    %div3A_255 = vector.broadcast %div3A_254 : f32 to vector<16xf32>
    %div3A_256 = arith.divf %div3A_255, %add3A_253 : vector<16xf32>
    %swap3A_257 = arith.constant 64 : index
    %swap3A_258 = tpu.vector_load %arg9[%swap3A_257] {strides = array<i32>} : memref<128xf32, #tpu.memory_space<vmem>>, vector<16xf32>,
    tpu.vector_store %arg9[%swap3A_257], %div3A_256 {strides = array<i32>} : memref<128xf32, #tpu.memory_space<vmem>>, vector<16xf32>,
    %broadcast_in_dim3A_259 = arith.constant 0.000000e+00 : f32
    %broadcast_in_dim3A_260 = vector.broadcast %broadcast_in_dim3A_259 : f32 to vector<16xf32>
    %get3A_261 = arith.constant 0 : i32
    %get3A_262 = arith.index_cast %get3A_261 : i32 to index
    %get3A_263 = arith.constant 80 : index
    %get3A_264 = tpu.vector_load %arg8[%get3A_262, %get3A_263] {strides = array<i32>} : memref<4x128xf32, #tpu.memory_space<vmem>>, vector<16xf32>,
    %add3A_265 = arith.addf %broadcast_in_dim3A_260, %get3A_264 : vector<16xf32>
    %get3A_266 = arith.constant 1 : i32
    %get3A_267 = arith.index_cast %get3A_266 : i32 to index
    %get3A_268 = arith.constant 80 : index
    %get3A_269 = tpu.vector_load %arg8[%get3A_267, %get3A_268] {strides = array<i32>} : memref<4x128xf32, #tpu.memory_space<vmem>>, vector<16xf32>,
    %add3A_270 = arith.addf %add3A_265, %get3A_269 : vector<16xf32>
    %get3A_271 = arith.constant 2 : i32
    %get3A_272 = arith.index_cast %get3A_271 : i32 to index
    %get3A_273 = arith.constant 80 : index
    %get3A_274 = tpu.vector_load %arg8[%get3A_272, %get3A_273] {strides = array<i32>} : memref<4x128xf32, #tpu.memory_space<vmem>>, vector<16xf32>,
    %add3A_275 = arith.addf %add3A_270, %get3A_274 : vector<16xf32>
    %get3A_276 = arith.constant 3 : i32
    %get3A_277 = arith.index_cast %get3A_276 : i32 to index
    %get3A_278 = arith.constant 80 : index
    %get3A_279 = tpu.vector_load %arg8[%get3A_277, %get3A_278] {strides = array<i32>} : memref<4x128xf32, #tpu.memory_space<vmem>>, vector<16xf32>,
    %add3A_280 = arith.addf %add3A_275, %get3A_279 : vector<16xf32>
    %mul3A_281 = arith.constant 2.500000e-01 : f32
    %mul3A_282 = vector.broadcast %mul3A_281 : f32 to vector<16xf32>
    %mul3A_283 = arith.mulf %add3A_280, %mul3A_282 : vector<16xf32>
    %mul3A_284 = arith.constant 1.800000e+00 : f32
    %mul3A_285 = vector.broadcast %mul3A_284 : f32 to vector<16xf32>
    %mul3A_286 = arith.mulf %mul3A_283, %mul3A_285 : vector<16xf32>
    %add3A_287 = arith.constant 2.500000e+00 : f32
    %add3A_288 = vector.broadcast %add3A_287 : f32 to vector<16xf32>
    %add3A_289 = arith.addf %mul3A_286, %add3A_288 : vector<16xf32>
    %max3A_290 = arith.constant 0.000000e+00 : f32
    %max3A_291 = vector.broadcast %max3A_290 : f32 to vector<16xf32>
    %max3A_292 = arith.maximumf %add3A_289, %max3A_291 : vector<16xf32>
    %mul3A_293 = arith.constant 3.600000e+00 : f32
    %mul3A_294 = vector.broadcast %mul3A_293 : f32 to vector<16xf32>
    %mul3A_295 = arith.mulf %max3A_292, %mul3A_294 : vector<16xf32>
    %add3A_296 = arith.constant 1.000000e-03 : f32
    %add3A_297 = vector.broadcast %add3A_296 : f32 to vector<16xf32>
    %add3A_298 = arith.addf %mul3A_295, %add3A_297 : vector<16xf32>
    %div3A_299 = arith.constant 1.000000e+00 : f32
    %div3A_300 = vector.broadcast %div3A_299 : f32 to vector<16xf32>
    %div3A_301 = arith.divf %div3A_300, %add3A_298 : vector<16xf32>
    %swap3A_302 = arith.constant 80 : index
    %swap3A_303 = tpu.vector_load %arg9[%swap3A_302] {strides = array<i32>} : memref<128xf32, #tpu.memory_space<vmem>>, vector<16xf32>,
    tpu.vector_store %arg9[%swap3A_302], %div3A_301 {strides = array<i32>} : memref<128xf32, #tpu.memory_space<vmem>>, vector<16xf32>,
    %broadcast_in_dim3A_304 = arith.constant 0.000000e+00 : f32
    %broadcast_in_dim3A_305 = vector.broadcast %broadcast_in_dim3A_304 : f32 to vector<16xf32>
    %get3A_306 = arith.constant 0 : i32
    %get3A_307 = arith.index_cast %get3A_306 : i32 to index
    %get3A_308 = arith.constant 96 : index
    %get3A_309 = tpu.vector_load %arg8[%get3A_307, %get3A_308] {strides = array<i32>} : memref<4x128xf32, #tpu.memory_space<vmem>>, vector<16xf32>,
    %add3A_310 = arith.addf %broadcast_in_dim3A_305, %get3A_309 : vector<16xf32>
    %get3A_311 = arith.constant 1 : i32
    %get3A_312 = arith.index_cast %get3A_311 : i32 to index
    %get3A_313 = arith.constant 96 : index
    %get3A_314 = tpu.vector_load %arg8[%get3A_312, %get3A_313] {strides = array<i32>} : memref<4x128xf32, #tpu.memory_space<vmem>>, vector<16xf32>,
    %add3A_315 = arith.addf %add3A_310, %get3A_314 : vector<16xf32>
    %get3A_316 = arith.constant 2 : i32
    %get3A_317 = arith.index_cast %get3A_316 : i32 to index
    %get3A_318 = arith.constant 96 : index
    %get3A_319 = tpu.vector_load %arg8[%get3A_317, %get3A_318] {strides = array<i32>} : memref<4x128xf32, #tpu.memory_space<vmem>>, vector<16xf32>,
    %add3A_320 = arith.addf %add3A_315, %get3A_319 : vector<16xf32>
    %get3A_321 = arith.constant 3 : i32
    %get3A_322 = arith.index_cast %get3A_321 : i32 to index
    %get3A_323 = arith.constant 96 : index
    %get3A_324 = tpu.vector_load %arg8[%get3A_322, %get3A_323] {strides = array<i32>} : memref<4x128xf32, #tpu.memory_space<vmem>>, vector<16xf32>,
    %add3A_325 = arith.addf %add3A_320, %get3A_324 : vector<16xf32>
    %mul3A_326 = arith.constant 2.500000e-01 : f32
    %mul3A_327 = vector.broadcast %mul3A_326 : f32 to vector<16xf32>
    %mul3A_328 = arith.mulf %add3A_325, %mul3A_327 : vector<16xf32>
    %mul3A_329 = arith.constant 1.800000e+00 : f32
    %mul3A_330 = vector.broadcast %mul3A_329 : f32 to vector<16xf32>
    %mul3A_331 = arith.mulf %mul3A_328, %mul3A_330 : vector<16xf32>
    %add3A_332 = arith.constant 2.500000e+00 : f32
    %add3A_333 = vector.broadcast %add3A_332 : f32 to vector<16xf32>
    %add3A_334 = arith.addf %mul3A_331, %add3A_333 : vector<16xf32>
    %max3A_335 = arith.constant 0.000000e+00 : f32
    %max3A_336 = vector.broadcast %max3A_335 : f32 to vector<16xf32>
    %max3A_337 = arith.maximumf %add3A_334, %max3A_336 : vector<16xf32>
    %mul3A_338 = arith.constant 3.600000e+00 : f32
    %mul3A_339 = vector.broadcast %mul3A_338 : f32 to vector<16xf32>
    %mul3A_340 = arith.mulf %max3A_337, %mul3A_339 : vector<16xf32>
    %add3A_341 = arith.constant 1.000000e-03 : f32
    %add3A_342 = vector.broadcast %add3A_341 : f32 to vector<16xf32>
    %add3A_343 = arith.addf %mul3A_340, %add3A_342 : vector<16xf32>
    %div3A_344 = arith.constant 1.000000e+00 : f32
    %div3A_345 = vector.broadcast %div3A_344 : f32 to vector<16xf32>
    %div3A_346 = arith.divf %div3A_345, %add3A_343 : vector<16xf32>
    %swap3A_347 = arith.constant 96 : index
    %swap3A_348 = tpu.vector_load %arg9[%swap3A_347] {strides = array<i32>} : memref<128xf32, #tpu.memory_space<vmem>>, vector<16xf32>,
    tpu.vector_store %arg9[%swap3A_347], %div3A_346 {strides = array<i32>} : memref<128xf32, #tpu.memory_space<vmem>>, vector<16xf32>,
    %broadcast_in_dim3A_349 = arith.constant 0.000000e+00 : f32
    %broadcast_in_dim3A_350 = vector.broadcast %broadcast_in_dim3A_349 : f32 to vector<16xf32>
    %get3A_351 = arith.constant 0 : i32
    %get3A_352 = arith.index_cast %get3A_351 : i32 to index
    %get3A_353 = arith.constant 112 : index
    %get3A_354 = tpu.vector_load %arg8[%get3A_352, %get3A_353] {strides = array<i32>} : memref<4x128xf32, #tpu.memory_space<vmem>>, vector<16xf32>,
    %add3A_355 = arith.addf %broadcast_in_dim3A_350, %get3A_354 : vector<16xf32>
    %get3A_356 = arith.constant 1 : i32
    %get3A_357 = arith.index_cast %get3A_356 : i32 to index
    %get3A_358 = arith.constant 112 : index
    %get3A_359 = tpu.vector_load %arg8[%get3A_357, %get3A_358] {strides = array<i32>} : memref<4x128xf32, #tpu.memory_space<vmem>>, vector<16xf32>,
    %add3A_360 = arith.addf %add3A_355, %get3A_359 : vector<16xf32>
    %get3A_361 = arith.constant 2 : i32
    %get3A_362 = arith.index_cast %get3A_361 : i32 to index
    %get3A_363 = arith.constant 112 : index
    %get3A_364 = tpu.vector_load %arg8[%get3A_362, %get3A_363] {strides = array<i32>} : memref<4x128xf32, #tpu.memory_space<vmem>>, vector<16xf32>,
    %add3A_365 = arith.addf %add3A_360, %get3A_364 : vector<16xf32>
    %get3A_366 = arith.constant 3 : i32
    %get3A_367 = arith.index_cast %get3A_366 : i32 to index
    %get3A_368 = arith.constant 112 : index
    %get3A_369 = tpu.vector_load %arg8[%get3A_367, %get3A_368] {strides = array<i32>} : memref<4x128xf32, #tpu.memory_space<vmem>>, vector<16xf32>,
    %add3A_370 = arith.addf %add3A_365, %get3A_369 : vector<16xf32>
    %mul3A_371 = arith.constant 2.500000e-01 : f32
    %mul3A_372 = vector.broadcast %mul3A_371 : f32 to vector<16xf32>
    %mul3A_373 = arith.mulf %add3A_370, %mul3A_372 : vector<16xf32>
    %mul3A_374 = arith.constant 1.800000e+00 : f32
    %mul3A_375 = vector.broadcast %mul3A_374 : f32 to vector<16xf32>
    %mul3A_376 = arith.mulf %mul3A_373, %mul3A_375 : vector<16xf32>
    %add3A_377 = arith.constant 2.500000e+00 : f32
    %add3A_378 = vector.broadcast %add3A_377 : f32 to vector<16xf32>
    %add3A_379 = arith.addf %mul3A_376, %add3A_378 : vector<16xf32>
    %max3A_380 = arith.constant 0.000000e+00 : f32
    %max3A_381 = vector.broadcast %max3A_380 : f32 to vector<16xf32>
    %max3A_382 = arith.maximumf %add3A_379, %max3A_381 : vector<16xf32>
    %mul3A_383 = arith.constant 3.600000e+00 : f32
    %mul3A_384 = vector.broadcast %mul3A_383 : f32 to vector<16xf32>
    %mul3A_385 = arith.mulf %max3A_382, %mul3A_384 : vector<16xf32>
    %add3A_386 = arith.constant 1.000000e-03 : f32
    %add3A_387 = vector.broadcast %add3A_386 : f32 to vector<16xf32>
    %add3A_388 = arith.addf %mul3A_385, %add3A_387 : vector<16xf32>
    %div3A_389 = arith.constant 1.000000e+00 : f32
    %div3A_390 = vector.broadcast %div3A_389 : f32 to vector<16xf32>
    %div3A_391 = arith.divf %div3A_390, %add3A_388 : vector<16xf32>
    %swap3A_392 = arith.constant 112 : index
    %swap3A_393 = tpu.vector_load %arg9[%swap3A_392] {strides = array<i32>} : memref<128xf32, #tpu.memory_space<vmem>>, vector<16xf32>,
    tpu.vector_store %arg9[%swap3A_392], %div3A_391 {strides = array<i32>} : memref<128xf32, #tpu.memory_space<vmem>>, vector<16xf32>,
    "tpu.region"() ({
      %run_scoped3A = tpu.sem_alloc : memref<!tpu.dma_semaphore, #tpu.memory_space<semaphore_mem>>
      %dma_start3A_407 = arith.constant 0 : i32
      %dma_start3A_408 = tpu.memref_slice %arg4[%select_n3A, %mul3A_32, %dma_start3A_407] : memref<8x128x128xf32, #tpu.memory_space<hbm>> -> memref<1x32x128xf32, #tpu.memory_space<hbm>>
      %dma_start3A_409 = tpu.memref_squeeze %dma_start3A_408 : memref<1x32x128xf32, #tpu.memory_space<hbm>> -> memref<32x128xf32, #tpu.memory_space<hbm>>
      %dma_start3A_410 = arith.constant 0 : i32
      %dma_start3A_411 = tpu.memref_slice %arg4[%select_n3A, %mul3A_32, %dma_start3A_410] : memref<8x128x128xf32, #tpu.memory_space<hbm>> -> memref<1x32x128xf32, #tpu.memory_space<hbm>>
      %dma_start3A_412 = tpu.memref_squeeze %dma_start3A_411 : memref<1x32x128xf32, #tpu.memory_space<hbm>> -> memref<32x128xf32, #tpu.memory_space<hbm>>
      tpu.enqueue_dma source(%dma_start3A_412 : memref<32x128xf32, #tpu.memory_space<hbm>>) target(%arg10 : memref<32x128xf32, #tpu.memory_space<vmem>>) target_semaphore(%run_scoped3A : memref<!tpu.dma_semaphore, #tpu.memory_space<semaphore_mem>>)
      %dma_wait3A_413 = arith.constant 0 : i32
      %dma_wait3A_414 = tpu.memref_slice %arg4[%select_n3A, %mul3A_32, %dma_wait3A_413] : memref<8x128x128xf32, #tpu.memory_space<hbm>> -> memref<1x32x128xf32, #tpu.memory_space<hbm>>
      %dma_wait3A_415 = tpu.memref_squeeze %dma_wait3A_414 : memref<1x32x128xf32, #tpu.memory_space<hbm>> -> memref<32x128xf32, #tpu.memory_space<hbm>>
      %dma_wait3A_416 = arith.constant 0 : i32
      %dma_wait3A_417 = tpu.memref_slice %arg4[%select_n3A, %mul3A_32, %dma_wait3A_416] : memref<8x128x128xf32, #tpu.memory_space<hbm>> -> memref<1x32x128xf32, #tpu.memory_space<hbm>>
      %dma_wait3A_418 = tpu.memref_squeeze %dma_wait3A_417 : memref<1x32x128xf32, #tpu.memory_space<hbm>> -> memref<32x128xf32, #tpu.memory_space<hbm>>
      tpu.wait_dma2 semaphore(%run_scoped3A : memref<!tpu.dma_semaphore, #tpu.memory_space<semaphore_mem>>) src(%dma_wait3A_418 : memref<32x128xf32, #tpu.memory_space<hbm>>) dst(%arg10 : memref<32x128xf32, #tpu.memory_space<vmem>>)
      tpu.yield
    }) : () -> ()
    "tpu.region"() ({
      %run_scoped3A = tpu.sem_alloc : memref<!tpu.dma_semaphore, #tpu.memory_space<semaphore_mem>>
      %dma_start3A_407 = arith.constant 0 : i32
      %dma_start3A_408 = tpu.memref_slice %arg5[%mul3A_32, %dma_start3A_407] : memref<128x128xf32, #tpu.memory_space<hbm>> -> memref<32x128xf32, #tpu.memory_space<hbm>>
      %dma_start3A_409 = arith.constant 0 : i32
      %dma_start3A_410 = tpu.memref_slice %arg5[%mul3A_32, %dma_start3A_409] : memref<128x128xf32, #tpu.memory_space<hbm>> -> memref<32x128xf32, #tpu.memory_space<hbm>>
      tpu.enqueue_dma source(%dma_start3A_410 : memref<32x128xf32, #tpu.memory_space<hbm>>) target(%arg11 : memref<32x128xf32, #tpu.memory_space<vmem>>) target_semaphore(%run_scoped3A : memref<!tpu.dma_semaphore, #tpu.memory_space<semaphore_mem>>)
      %dma_wait3A_411 = arith.constant 0 : i32
      %dma_wait3A_412 = tpu.memref_slice %arg5[%mul3A_32, %dma_wait3A_411] : memref<128x128xf32, #tpu.memory_space<hbm>> -> memref<32x128xf32, #tpu.memory_space<hbm>>
      %dma_wait3A_413 = arith.constant 0 : i32
      %dma_wait3A_414 = tpu.memref_slice %arg5[%mul3A_32, %dma_wait3A_413] : memref<128x128xf32, #tpu.memory_space<hbm>> -> memref<32x128xf32, #tpu.memory_space<hbm>>
      tpu.wait_dma2 semaphore(%run_scoped3A : memref<!tpu.dma_semaphore, #tpu.memory_space<semaphore_mem>>) src(%dma_wait3A_414 : memref<32x128xf32, #tpu.memory_space<hbm>>) dst(%arg11 : memref<32x128xf32, #tpu.memory_space<vmem>>)
      tpu.yield
    }) : () -> ()
    %dma_wait3A = arith.constant 0 : i32
    %dma_wait3A_394 = tpu.memref_slice %arg2[%select_n3A, %dma_wait3A] : memref<8x102400xf32, #tpu.memory_space<hbm>> -> memref<1x102400xf32, #tpu.memory_space<hbm>>
    %dma_wait3A_395 = tpu.memref_squeeze %dma_wait3A_394 : memref<1x102400xf32, #tpu.memory_space<hbm>> -> memref<102400xf32, #tpu.memory_space<hbm>>
    %dma_wait3A_396 = arith.constant 0 : i32
    %dma_wait3A_397 = tpu.memref_slice %arg2[%select_n3A, %dma_wait3A_396] : memref<8x102400xf32, #tpu.memory_space<hbm>> -> memref<1x102400xf32, #tpu.memory_space<hbm>>
    %dma_wait3A_398 = tpu.memref_squeeze %dma_wait3A_397 : memref<1x102400xf32, #tpu.memory_space<hbm>> -> memref<102400xf32, #tpu.memory_space<hbm>>
    tpu.wait_dma2 semaphore(%arg16 : memref<!tpu.dma_semaphore, #tpu.memory_space<semaphore_mem>>) src(%dma_wait3A_398 : memref<102400xf32, #tpu.memory_space<hbm>>) dst(%arg7 : memref<102400xf32, #tpu.memory_space<vmem>>)
    %iota3A = tpu.iota {dimensions = array<i32: 0>} : vector<16xi32>
    %scan3A = arith.constant 0 : i32
    %scan3A_399 = arith.constant 0 : i32
    %scan3A_400 = arith.constant 32 : i32
    %scan3A_401 = arith.addi %scan3A_399, %scan3A_400 : i32
    %scan3A_402 = arith.constant 1 : i32
    %scan3A_403 = scf.for %scan3A_407 = %scan3A_399 to %scan3A_401 step %scan3A_402 iter_args(%scan3A_408 = %scan3A) -> (i32)  : i32 {
      %get3A_409 = arith.index_cast %scan3A_407 : i32 to index
      %get3A_410 = arith.constant 0 : index
      %get3A_411 = tpu.vector_load %arg11[%get3A_409, %get3A_410] {strides = array<i32>} : memref<32x128xf32, #tpu.memory_space<vmem>>, vector<16xf32>,
      %get3A_412 = arith.constant 0 : index
      %get3A_413 = tpu.vector_load %arg9[%get3A_412] {strides = array<i32>} : memref<128xf32, #tpu.memory_space<vmem>>, vector<16xf32>,
      %mul3A_414 = arith.mulf %get3A_411, %get3A_413 : vector<16xf32>
      %min3A = arith.constant 2.400000e+01 : f32
      %min3A_415 = vector.broadcast %min3A : f32 to vector<16xf32>
      %min3A_416 = arith.minimumf %mul3A_414, %min3A_415 : vector<16xf32>
      %sub3A_417 = arith.constant 2.400000e+01 : f32
      %sub3A_418 = vector.broadcast %sub3A_417 : f32 to vector<16xf32>
      %sub3A_419 = arith.subf %sub3A_418, %min3A_416 : vector<16xf32>
      %convert_element_type3A = arith.fptosi %sub3A_419 : vector<16xf32> to vector<16xi32>
      %min3A_420 = arith.constant 23 : i32
      %min3A_421 = vector.broadcast %min3A_420 : i32 to vector<16xi32>
      %min3A_422 = arith.minsi %convert_element_type3A, %min3A_421 : vector<16xi32>
      %convert_element_type3A_423 = arith.sitofp %min3A_422 : vector<16xi32> to vector<16xf32>
      %sub3A_424 = arith.subf %sub3A_419, %convert_element_type3A_423 : vector<16xf32>
      %get3A_425 = arith.index_cast %scan3A_407 : i32 to index
      %get3A_426 = arith.constant 0 : index
      %get3A_427 = tpu.vector_load %arg10[%get3A_425, %get3A_426] {strides = array<i32>} : memref<32x128xf32, #tpu.memory_space<vmem>>, vector<16xf32>,
      %mul3A_428 = arith.mulf %get3A_427, %sub3A_424 : vector<16xf32>
      %mul3A_429 = arith.constant 4096 : i32
      %mul3A_430 = vector.broadcast %mul3A_429 : i32 to vector<16xi32>
      %mul3A_431 = arith.muli %min3A_422, %mul3A_430 : vector<16xi32>
      %swap3A_432 = arith.constant 0 : index
      %swap3A_433 = tpu.vector_load %arg12[%swap3A_432] {strides = array<i32>} : memref<128xi32, #tpu.memory_space<vmem>>, vector<16xi32>,
      tpu.vector_store %arg12[%swap3A_432], %mul3A_431 {strides = array<i32>} : memref<128xi32, #tpu.memory_space<vmem>>, vector<16xi32>,
      %sub3A_434 = arith.subf %get3A_427, %mul3A_428 : vector<16xf32>
      %swap3A_435 = arith.constant 0 : index
      %swap3A_436 = tpu.vector_load %arg13[%swap3A_435] {strides = array<i32>} : memref<128xf32, #tpu.memory_space<vmem>>, vector<16xf32>,
      tpu.vector_store %arg13[%swap3A_435], %sub3A_434 {strides = array<i32>} : memref<128xf32, #tpu.memory_space<vmem>>, vector<16xf32>,
      %swap3A_437 = arith.constant 0 : index
      %swap3A_438 = tpu.vector_load %arg14[%swap3A_437] {strides = array<i32>} : memref<128xf32, #tpu.memory_space<vmem>>, vector<16xf32>,
      tpu.vector_store %arg14[%swap3A_437], %mul3A_428 {strides = array<i32>} : memref<128xf32, #tpu.memory_space<vmem>>, vector<16xf32>,
      %get3A_439 = arith.index_cast %scan3A_407 : i32 to index
      %get3A_440 = arith.constant 16 : index
      %get3A_441 = tpu.vector_load %arg11[%get3A_439, %get3A_440] {strides = array<i32>} : memref<32x128xf32, #tpu.memory_space<vmem>>, vector<16xf32>,
      %get3A_442 = arith.constant 16 : index
      %get3A_443 = tpu.vector_load %arg9[%get3A_442] {strides = array<i32>} : memref<128xf32, #tpu.memory_space<vmem>>, vector<16xf32>,
      %mul3A_444 = arith.mulf %get3A_441, %get3A_443 : vector<16xf32>
      %min3A_445 = arith.constant 2.400000e+01 : f32
      %min3A_446 = vector.broadcast %min3A_445 : f32 to vector<16xf32>
      %min3A_447 = arith.minimumf %mul3A_444, %min3A_446 : vector<16xf32>
      %sub3A_448 = arith.constant 2.400000e+01 : f32
      %sub3A_449 = vector.broadcast %sub3A_448 : f32 to vector<16xf32>
      %sub3A_450 = arith.subf %sub3A_449, %min3A_447 : vector<16xf32>
      %convert_element_type3A_451 = arith.fptosi %sub3A_450 : vector<16xf32> to vector<16xi32>
      %min3A_452 = arith.constant 23 : i32
      %min3A_453 = vector.broadcast %min3A_452 : i32 to vector<16xi32>
      %min3A_454 = arith.minsi %convert_element_type3A_451, %min3A_453 : vector<16xi32>
      %convert_element_type3A_455 = arith.sitofp %min3A_454 : vector<16xi32> to vector<16xf32>
      %sub3A_456 = arith.subf %sub3A_450, %convert_element_type3A_455 : vector<16xf32>
      %get3A_457 = arith.index_cast %scan3A_407 : i32 to index
      %get3A_458 = arith.constant 16 : index
      %get3A_459 = tpu.vector_load %arg10[%get3A_457, %get3A_458] {strides = array<i32>} : memref<32x128xf32, #tpu.memory_space<vmem>>, vector<16xf32>,
      %mul3A_460 = arith.mulf %get3A_459, %sub3A_456 : vector<16xf32>
      %mul3A_461 = arith.constant 4096 : i32
      %mul3A_462 = vector.broadcast %mul3A_461 : i32 to vector<16xi32>
      %mul3A_463 = arith.muli %min3A_454, %mul3A_462 : vector<16xi32>
      %swap3A_464 = arith.constant 16 : index
      %swap3A_465 = tpu.vector_load %arg12[%swap3A_464] {strides = array<i32>} : memref<128xi32, #tpu.memory_space<vmem>>, vector<16xi32>,
      tpu.vector_store %arg12[%swap3A_464], %mul3A_463 {strides = array<i32>} : memref<128xi32, #tpu.memory_space<vmem>>, vector<16xi32>,
      %sub3A_466 = arith.subf %get3A_459, %mul3A_460 : vector<16xf32>
      %swap3A_467 = arith.constant 16 : index
      %swap3A_468 = tpu.vector_load %arg13[%swap3A_467] {strides = array<i32>} : memref<128xf32, #tpu.memory_space<vmem>>, vector<16xf32>,
      tpu.vector_store %arg13[%swap3A_467], %sub3A_466 {strides = array<i32>} : memref<128xf32, #tpu.memory_space<vmem>>, vector<16xf32>,
      %swap3A_469 = arith.constant 16 : index
      %swap3A_470 = tpu.vector_load %arg14[%swap3A_469] {strides = array<i32>} : memref<128xf32, #tpu.memory_space<vmem>>, vector<16xf32>,
      tpu.vector_store %arg14[%swap3A_469], %mul3A_460 {strides = array<i32>} : memref<128xf32, #tpu.memory_space<vmem>>, vector<16xf32>,
      %get3A_471 = arith.index_cast %scan3A_407 : i32 to index
      %get3A_472 = arith.constant 32 : index
      %get3A_473 = tpu.vector_load %arg11[%get3A_471, %get3A_472] {strides = array<i32>} : memref<32x128xf32, #tpu.memory_space<vmem>>, vector<16xf32>,
      %get3A_474 = arith.constant 32 : index
      %get3A_475 = tpu.vector_load %arg9[%get3A_474] {strides = array<i32>} : memref<128xf32, #tpu.memory_space<vmem>>, vector<16xf32>,
      %mul3A_476 = arith.mulf %get3A_473, %get3A_475 : vector<16xf32>
      %min3A_477 = arith.constant 2.400000e+01 : f32
      %min3A_478 = vector.broadcast %min3A_477 : f32 to vector<16xf32>
      %min3A_479 = arith.minimumf %mul3A_476, %min3A_478 : vector<16xf32>
      %sub3A_480 = arith.constant 2.400000e+01 : f32
      %sub3A_481 = vector.broadcast %sub3A_480 : f32 to vector<16xf32>
      %sub3A_482 = arith.subf %sub3A_481, %min3A_479 : vector<16xf32>
      %convert_element_type3A_483 = arith.fptosi %sub3A_482 : vector<16xf32> to vector<16xi32>
      %min3A_484 = arith.constant 23 : i32
      %min3A_485 = vector.broadcast %min3A_484 : i32 to vector<16xi32>
      %min3A_486 = arith.minsi %convert_element_type3A_483, %min3A_485 : vector<16xi32>
      %convert_element_type3A_487 = arith.sitofp %min3A_486 : vector<16xi32> to vector<16xf32>
      %sub3A_488 = arith.subf %sub3A_482, %convert_element_type3A_487 : vector<16xf32>
      %get3A_489 = arith.index_cast %scan3A_407 : i32 to index
      %get3A_490 = arith.constant 32 : index
      %get3A_491 = tpu.vector_load %arg10[%get3A_489, %get3A_490] {strides = array<i32>} : memref<32x128xf32, #tpu.memory_space<vmem>>, vector<16xf32>,
      %mul3A_492 = arith.mulf %get3A_491, %sub3A_488 : vector<16xf32>
      %mul3A_493 = arith.constant 4096 : i32
      %mul3A_494 = vector.broadcast %mul3A_493 : i32 to vector<16xi32>
      %mul3A_495 = arith.muli %min3A_486, %mul3A_494 : vector<16xi32>
      %swap3A_496 = arith.constant 32 : index
      %swap3A_497 = tpu.vector_load %arg12[%swap3A_496] {strides = array<i32>} : memref<128xi32, #tpu.memory_space<vmem>>, vector<16xi32>,
      tpu.vector_store %arg12[%swap3A_496], %mul3A_495 {strides = array<i32>} : memref<128xi32, #tpu.memory_space<vmem>>, vector<16xi32>,
      %sub3A_498 = arith.subf %get3A_491, %mul3A_492 : vector<16xf32>
      %swap3A_499 = arith.constant 32 : index
      %swap3A_500 = tpu.vector_load %arg13[%swap3A_499] {strides = array<i32>} : memref<128xf32, #tpu.memory_space<vmem>>, vector<16xf32>,
      tpu.vector_store %arg13[%swap3A_499], %sub3A_498 {strides = array<i32>} : memref<128xf32, #tpu.memory_space<vmem>>, vector<16xf32>,
      %swap3A_501 = arith.constant 32 : index
      %swap3A_502 = tpu.vector_load %arg14[%swap3A_501] {strides = array<i32>} : memref<128xf32, #tpu.memory_space<vmem>>, vector<16xf32>,
      tpu.vector_store %arg14[%swap3A_501], %mul3A_492 {strides = array<i32>} : memref<128xf32, #tpu.memory_space<vmem>>, vector<16xf32>,
      %get3A_503 = arith.index_cast %scan3A_407 : i32 to index
      %get3A_504 = arith.constant 48 : index
      %get3A_505 = tpu.vector_load %arg11[%get3A_503, %get3A_504] {strides = array<i32>} : memref<32x128xf32, #tpu.memory_space<vmem>>, vector<16xf32>,
      %get3A_506 = arith.constant 48 : index
      %get3A_507 = tpu.vector_load %arg9[%get3A_506] {strides = array<i32>} : memref<128xf32, #tpu.memory_space<vmem>>, vector<16xf32>,
      %mul3A_508 = arith.mulf %get3A_505, %get3A_507 : vector<16xf32>
      %min3A_509 = arith.constant 2.400000e+01 : f32
      %min3A_510 = vector.broadcast %min3A_509 : f32 to vector<16xf32>
      %min3A_511 = arith.minimumf %mul3A_508, %min3A_510 : vector<16xf32>
      %sub3A_512 = arith.constant 2.400000e+01 : f32
      %sub3A_513 = vector.broadcast %sub3A_512 : f32 to vector<16xf32>
      %sub3A_514 = arith.subf %sub3A_513, %min3A_511 : vector<16xf32>
      %convert_element_type3A_515 = arith.fptosi %sub3A_514 : vector<16xf32> to vector<16xi32>
      %min3A_516 = arith.constant 23 : i32
      %min3A_517 = vector.broadcast %min3A_516 : i32 to vector<16xi32>
      %min3A_518 = arith.minsi %convert_element_type3A_515, %min3A_517 : vector<16xi32>
      %convert_element_type3A_519 = arith.sitofp %min3A_518 : vector<16xi32> to vector<16xf32>
      %sub3A_520 = arith.subf %sub3A_514, %convert_element_type3A_519 : vector<16xf32>
      %get3A_521 = arith.index_cast %scan3A_407 : i32 to index
      %get3A_522 = arith.constant 48 : index
      %get3A_523 = tpu.vector_load %arg10[%get3A_521, %get3A_522] {strides = array<i32>} : memref<32x128xf32, #tpu.memory_space<vmem>>, vector<16xf32>,
      %mul3A_524 = arith.mulf %get3A_523, %sub3A_520 : vector<16xf32>
      %mul3A_525 = arith.constant 4096 : i32
      %mul3A_526 = vector.broadcast %mul3A_525 : i32 to vector<16xi32>
      %mul3A_527 = arith.muli %min3A_518, %mul3A_526 : vector<16xi32>
      %swap3A_528 = arith.constant 48 : index
      %swap3A_529 = tpu.vector_load %arg12[%swap3A_528] {strides = array<i32>} : memref<128xi32, #tpu.memory_space<vmem>>, vector<16xi32>,
      tpu.vector_store %arg12[%swap3A_528], %mul3A_527 {strides = array<i32>} : memref<128xi32, #tpu.memory_space<vmem>>, vector<16xi32>,
      %sub3A_530 = arith.subf %get3A_523, %mul3A_524 : vector<16xf32>
      %swap3A_531 = arith.constant 48 : index
      %swap3A_532 = tpu.vector_load %arg13[%swap3A_531] {strides = array<i32>} : memref<128xf32, #tpu.memory_space<vmem>>, vector<16xf32>,
      tpu.vector_store %arg13[%swap3A_531], %sub3A_530 {strides = array<i32>} : memref<128xf32, #tpu.memory_space<vmem>>, vector<16xf32>,
      %swap3A_533 = arith.constant 48 : index
      %swap3A_534 = tpu.vector_load %arg14[%swap3A_533] {strides = array<i32>} : memref<128xf32, #tpu.memory_space<vmem>>, vector<16xf32>,
      tpu.vector_store %arg14[%swap3A_533], %mul3A_524 {strides = array<i32>} : memref<128xf32, #tpu.memory_space<vmem>>, vector<16xf32>,
      %get3A_535 = arith.index_cast %scan3A_407 : i32 to index
      %get3A_536 = arith.constant 64 : index
      %get3A_537 = tpu.vector_load %arg11[%get3A_535, %get3A_536] {strides = array<i32>} : memref<32x128xf32, #tpu.memory_space<vmem>>, vector<16xf32>,
      %get3A_538 = arith.constant 64 : index
      %get3A_539 = tpu.vector_load %arg9[%get3A_538] {strides = array<i32>} : memref<128xf32, #tpu.memory_space<vmem>>, vector<16xf32>,
      %mul3A_540 = arith.mulf %get3A_537, %get3A_539 : vector<16xf32>
      %min3A_541 = arith.constant 2.400000e+01 : f32
      %min3A_542 = vector.broadcast %min3A_541 : f32 to vector<16xf32>
      %min3A_543 = arith.minimumf %mul3A_540, %min3A_542 : vector<16xf32>
      %sub3A_544 = arith.constant 2.400000e+01 : f32
      %sub3A_545 = vector.broadcast %sub3A_544 : f32 to vector<16xf32>
      %sub3A_546 = arith.subf %sub3A_545, %min3A_543 : vector<16xf32>
      %convert_element_type3A_547 = arith.fptosi %sub3A_546 : vector<16xf32> to vector<16xi32>
      %min3A_548 = arith.constant 23 : i32
      %min3A_549 = vector.broadcast %min3A_548 : i32 to vector<16xi32>
      %min3A_550 = arith.minsi %convert_element_type3A_547, %min3A_549 : vector<16xi32>
      %convert_element_type3A_551 = arith.sitofp %min3A_550 : vector<16xi32> to vector<16xf32>
      %sub3A_552 = arith.subf %sub3A_546, %convert_element_type3A_551 : vector<16xf32>
      %get3A_553 = arith.index_cast %scan3A_407 : i32 to index
      %get3A_554 = arith.constant 64 : index
      %get3A_555 = tpu.vector_load %arg10[%get3A_553, %get3A_554] {strides = array<i32>} : memref<32x128xf32, #tpu.memory_space<vmem>>, vector<16xf32>,
      %mul3A_556 = arith.mulf %get3A_555, %sub3A_552 : vector<16xf32>
      %mul3A_557 = arith.constant 4096 : i32
      %mul3A_558 = vector.broadcast %mul3A_557 : i32 to vector<16xi32>
      %mul3A_559 = arith.muli %min3A_550, %mul3A_558 : vector<16xi32>
      %swap3A_560 = arith.constant 64 : index
      %swap3A_561 = tpu.vector_load %arg12[%swap3A_560] {strides = array<i32>} : memref<128xi32, #tpu.memory_space<vmem>>, vector<16xi32>,
      tpu.vector_store %arg12[%swap3A_560], %mul3A_559 {strides = array<i32>} : memref<128xi32, #tpu.memory_space<vmem>>, vector<16xi32>,
      %sub3A_562 = arith.subf %get3A_555, %mul3A_556 : vector<16xf32>
      %swap3A_563 = arith.constant 64 : index
      %swap3A_564 = tpu.vector_load %arg13[%swap3A_563] {strides = array<i32>} : memref<128xf32, #tpu.memory_space<vmem>>, vector<16xf32>,
      tpu.vector_store %arg13[%swap3A_563], %sub3A_562 {strides = array<i32>} : memref<128xf32, #tpu.memory_space<vmem>>, vector<16xf32>,
      %swap3A_565 = arith.constant 64 : index
      %swap3A_566 = tpu.vector_load %arg14[%swap3A_565] {strides = array<i32>} : memref<128xf32, #tpu.memory_space<vmem>>, vector<16xf32>,
      tpu.vector_store %arg14[%swap3A_565], %mul3A_556 {strides = array<i32>} : memref<128xf32, #tpu.memory_space<vmem>>, vector<16xf32>,
      %get3A_567 = arith.index_cast %scan3A_407 : i32 to index
      %get3A_568 = arith.constant 80 : index
      %get3A_569 = tpu.vector_load %arg11[%get3A_567, %get3A_568] {strides = array<i32>} : memref<32x128xf32, #tpu.memory_space<vmem>>, vector<16xf32>,
      %get3A_570 = arith.constant 80 : index
      %get3A_571 = tpu.vector_load %arg9[%get3A_570] {strides = array<i32>} : memref<128xf32, #tpu.memory_space<vmem>>, vector<16xf32>,
      %mul3A_572 = arith.mulf %get3A_569, %get3A_571 : vector<16xf32>
      %min3A_573 = arith.constant 2.400000e+01 : f32
      %min3A_574 = vector.broadcast %min3A_573 : f32 to vector<16xf32>
      %min3A_575 = arith.minimumf %mul3A_572, %min3A_574 : vector<16xf32>
      %sub3A_576 = arith.constant 2.400000e+01 : f32
      %sub3A_577 = vector.broadcast %sub3A_576 : f32 to vector<16xf32>
      %sub3A_578 = arith.subf %sub3A_577, %min3A_575 : vector<16xf32>
      %convert_element_type3A_579 = arith.fptosi %sub3A_578 : vector<16xf32> to vector<16xi32>
      %min3A_580 = arith.constant 23 : i32
      %min3A_581 = vector.broadcast %min3A_580 : i32 to vector<16xi32>
      %min3A_582 = arith.minsi %convert_element_type3A_579, %min3A_581 : vector<16xi32>
      %convert_element_type3A_583 = arith.sitofp %min3A_582 : vector<16xi32> to vector<16xf32>
      %sub3A_584 = arith.subf %sub3A_578, %convert_element_type3A_583 : vector<16xf32>
      %get3A_585 = arith.index_cast %scan3A_407 : i32 to index
      %get3A_586 = arith.constant 80 : index
      %get3A_587 = tpu.vector_load %arg10[%get3A_585, %get3A_586] {strides = array<i32>} : memref<32x128xf32, #tpu.memory_space<vmem>>, vector<16xf32>,
      %mul3A_588 = arith.mulf %get3A_587, %sub3A_584 : vector<16xf32>
      %mul3A_589 = arith.constant 4096 : i32
      %mul3A_590 = vector.broadcast %mul3A_589 : i32 to vector<16xi32>
      %mul3A_591 = arith.muli %min3A_582, %mul3A_590 : vector<16xi32>
      %swap3A_592 = arith.constant 80 : index
      %swap3A_593 = tpu.vector_load %arg12[%swap3A_592] {strides = array<i32>} : memref<128xi32, #tpu.memory_space<vmem>>, vector<16xi32>,
      tpu.vector_store %arg12[%swap3A_592], %mul3A_591 {strides = array<i32>} : memref<128xi32, #tpu.memory_space<vmem>>, vector<16xi32>,
      %sub3A_594 = arith.subf %get3A_587, %mul3A_588 : vector<16xf32>
      %swap3A_595 = arith.constant 80 : index
      %swap3A_596 = tpu.vector_load %arg13[%swap3A_595] {strides = array<i32>} : memref<128xf32, #tpu.memory_space<vmem>>, vector<16xf32>,
      tpu.vector_store %arg13[%swap3A_595], %sub3A_594 {strides = array<i32>} : memref<128xf32, #tpu.memory_space<vmem>>, vector<16xf32>,
      %swap3A_597 = arith.constant 80 : index
      %swap3A_598 = tpu.vector_load %arg14[%swap3A_597] {strides = array<i32>} : memref<128xf32, #tpu.memory_space<vmem>>, vector<16xf32>,
      tpu.vector_store %arg14[%swap3A_597], %mul3A_588 {strides = array<i32>} : memref<128xf32, #tpu.memory_space<vmem>>, vector<16xf32>,
      %get3A_599 = arith.index_cast %scan3A_407 : i32 to index
      %get3A_600 = arith.constant 96 : index
      %get3A_601 = tpu.vector_load %arg11[%get3A_599, %get3A_600] {strides = array<i32>} : memref<32x128xf32, #tpu.memory_space<vmem>>, vector<16xf32>,
      %get3A_602 = arith.constant 96 : index
      %get3A_603 = tpu.vector_load %arg9[%get3A_602] {strides = array<i32>} : memref<128xf32, #tpu.memory_space<vmem>>, vector<16xf32>,
      %mul3A_604 = arith.mulf %get3A_601, %get3A_603 : vector<16xf32>
      %min3A_605 = arith.constant 2.400000e+01 : f32
      %min3A_606 = vector.broadcast %min3A_605 : f32 to vector<16xf32>
      %min3A_607 = arith.minimumf %mul3A_604, %min3A_606 : vector<16xf32>
      %sub3A_608 = arith.constant 2.400000e+01 : f32
      %sub3A_609 = vector.broadcast %sub3A_608 : f32 to vector<16xf32>
      %sub3A_610 = arith.subf %sub3A_609, %min3A_607 : vector<16xf32>
      %convert_element_type3A_611 = arith.fptosi %sub3A_610 : vector<16xf32> to vector<16xi32>
      %min3A_612 = arith.constant 23 : i32
      %min3A_613 = vector.broadcast %min3A_612 : i32 to vector<16xi32>
      %min3A_614 = arith.minsi %convert_element_type3A_611, %min3A_613 : vector<16xi32>
      %convert_element_type3A_615 = arith.sitofp %min3A_614 : vector<16xi32> to vector<16xf32>
      %sub3A_616 = arith.subf %sub3A_610, %convert_element_type3A_615 : vector<16xf32>
      %get3A_617 = arith.index_cast %scan3A_407 : i32 to index
      %get3A_618 = arith.constant 96 : index
      %get3A_619 = tpu.vector_load %arg10[%get3A_617, %get3A_618] {strides = array<i32>} : memref<32x128xf32, #tpu.memory_space<vmem>>, vector<16xf32>,
      %mul3A_620 = arith.mulf %get3A_619, %sub3A_616 : vector<16xf32>
      %mul3A_621 = arith.constant 4096 : i32
      %mul3A_622 = vector.broadcast %mul3A_621 : i32 to vector<16xi32>
      %mul3A_623 = arith.muli %min3A_614, %mul3A_622 : vector<16xi32>
      %swap3A_624 = arith.constant 96 : index
      %swap3A_625 = tpu.vector_load %arg12[%swap3A_624] {strides = array<i32>} : memref<128xi32, #tpu.memory_space<vmem>>, vector<16xi32>,
      tpu.vector_store %arg12[%swap3A_624], %mul3A_623 {strides = array<i32>} : memref<128xi32, #tpu.memory_space<vmem>>, vector<16xi32>,
      %sub3A_626 = arith.subf %get3A_619, %mul3A_620 : vector<16xf32>
      %swap3A_627 = arith.constant 96 : index
      %swap3A_628 = tpu.vector_load %arg13[%swap3A_627] {strides = array<i32>} : memref<128xf32, #tpu.memory_space<vmem>>, vector<16xf32>,
      tpu.vector_store %arg13[%swap3A_627], %sub3A_626 {strides = array<i32>} : memref<128xf32, #tpu.memory_space<vmem>>, vector<16xf32>,
      %swap3A_629 = arith.constant 96 : index
      %swap3A_630 = tpu.vector_load %arg14[%swap3A_629] {strides = array<i32>} : memref<128xf32, #tpu.memory_space<vmem>>, vector<16xf32>,
      tpu.vector_store %arg14[%swap3A_629], %mul3A_620 {strides = array<i32>} : memref<128xf32, #tpu.memory_space<vmem>>, vector<16xf32>,
      %get3A_631 = arith.index_cast %scan3A_407 : i32 to index
      %get3A_632 = arith.constant 112 : index
      %get3A_633 = tpu.vector_load %arg11[%get3A_631, %get3A_632] {strides = array<i32>} : memref<32x128xf32, #tpu.memory_space<vmem>>, vector<16xf32>,
      %get3A_634 = arith.constant 112 : index
      %get3A_635 = tpu.vector_load %arg9[%get3A_634] {strides = array<i32>} : memref<128xf32, #tpu.memory_space<vmem>>, vector<16xf32>,
      %mul3A_636 = arith.mulf %get3A_633, %get3A_635 : vector<16xf32>
      %min3A_637 = arith.constant 2.400000e+01 : f32
      %min3A_638 = vector.broadcast %min3A_637 : f32 to vector<16xf32>
      %min3A_639 = arith.minimumf %mul3A_636, %min3A_638 : vector<16xf32>
      %sub3A_640 = arith.constant 2.400000e+01 : f32
      %sub3A_641 = vector.broadcast %sub3A_640 : f32 to vector<16xf32>
      %sub3A_642 = arith.subf %sub3A_641, %min3A_639 : vector<16xf32>
      %convert_element_type3A_643 = arith.fptosi %sub3A_642 : vector<16xf32> to vector<16xi32>
      %min3A_644 = arith.constant 23 : i32
      %min3A_645 = vector.broadcast %min3A_644 : i32 to vector<16xi32>
      %min3A_646 = arith.minsi %convert_element_type3A_643, %min3A_645 : vector<16xi32>
      %convert_element_type3A_647 = arith.sitofp %min3A_646 : vector<16xi32> to vector<16xf32>
      %sub3A_648 = arith.subf %sub3A_642, %convert_element_type3A_647 : vector<16xf32>
      %get3A_649 = arith.index_cast %scan3A_407 : i32 to index
      %get3A_650 = arith.constant 112 : index
      %get3A_651 = tpu.vector_load %arg10[%get3A_649, %get3A_650] {strides = array<i32>} : memref<32x128xf32, #tpu.memory_space<vmem>>, vector<16xf32>,
      %mul3A_652 = arith.mulf %get3A_651, %sub3A_648 : vector<16xf32>
      %mul3A_653 = arith.constant 4096 : i32
      %mul3A_654 = vector.broadcast %mul3A_653 : i32 to vector<16xi32>
      %mul3A_655 = arith.muli %min3A_646, %mul3A_654 : vector<16xi32>
      %swap3A_656 = arith.constant 112 : index
      %swap3A_657 = tpu.vector_load %arg12[%swap3A_656] {strides = array<i32>} : memref<128xi32, #tpu.memory_space<vmem>>, vector<16xi32>,
      tpu.vector_store %arg12[%swap3A_656], %mul3A_655 {strides = array<i32>} : memref<128xi32, #tpu.memory_space<vmem>>, vector<16xi32>,
      %sub3A_658 = arith.subf %get3A_651, %mul3A_652 : vector<16xf32>
      %swap3A_659 = arith.constant 112 : index
      %swap3A_660 = tpu.vector_load %arg13[%swap3A_659] {strides = array<i32>} : memref<128xf32, #tpu.memory_space<vmem>>, vector<16xf32>,
      tpu.vector_store %arg13[%swap3A_659], %sub3A_658 {strides = array<i32>} : memref<128xf32, #tpu.memory_space<vmem>>, vector<16xf32>,
      %swap3A_661 = arith.constant 112 : index
      %swap3A_662 = tpu.vector_load %arg14[%swap3A_661] {strides = array<i32>} : memref<128xf32, #tpu.memory_space<vmem>>, vector<16xf32>,
      tpu.vector_store %arg14[%swap3A_661], %mul3A_652 {strides = array<i32>} : memref<128xf32, #tpu.memory_space<vmem>>, vector<16xf32>,
      %broadcast_in_dim3A_663 = arith.constant 0.000000e+00 : f32
      %broadcast_in_dim3A_664 = vector.broadcast %broadcast_in_dim3A_663 : f32 to vector<16xf32>
      %scan3A_665 = arith.constant 0 : i32
      %scan3A_666 = arith.constant 8 : i32
      %scan3A_667 = arith.addi %scan3A_665, %scan3A_666 : i32
      %scan3A_668 = arith.constant 1 : i32
      %scan3A_669:2 = scf.for %scan3A_680 = %scan3A_665 to %scan3A_667 step %scan3A_668 iter_args(%scan3A_681 = %broadcast_in_dim3A_664, %scan3A_682 = %broadcast_in_dim3A_664) -> (vector<16xf32>, vector<16xf32>)  : i32 {
        %mul3A_683 = arith.constant 16 : i32
        %mul3A_684 = arith.muli %mul3A_683, %scan3A_680 : i32
        %get3A_685 = arith.index_cast %mul3A_684 : i32 to index
        %get3A_686 = tpu.vector_load %arg12[%get3A_685] {strides = array<i32>} : memref<128xi32, #tpu.memory_space<vmem>>, vector<16xi32>,
        %get3A_687 = arith.index_cast %mul3A_684 : i32 to index
        %get3A_688 = tpu.vector_load %arg13[%get3A_687] {strides = array<i32>} : memref<128xf32, #tpu.memory_space<vmem>>, vector<16xf32>,
        %get3A_689 = arith.index_cast %mul3A_684 : i32 to index
        %get3A_690 = tpu.vector_load %arg14[%get3A_689] {strides = array<i32>} : memref<128xf32, #tpu.memory_space<vmem>>, vector<16xf32>,
        %mul3A_691 = arith.constant 16 : i32
        %mul3A_692 = arith.muli %mul3A_691, %scan3A_680 : i32
        %mul3A_693 = arith.constant 32 : i32
        %mul3A_694 = arith.muli %mul3A_692, %mul3A_693 : i32
        %broadcast_in_dim3A_695 = arith.constant 0 : i32
        %broadcast_in_dim3A_696 = vector.broadcast %broadcast_in_dim3A_695 : i32 to vector<16xi32>
        %lt3A_697 = arith.constant 0 : i32
        %lt3A_698 = vector.broadcast %lt3A_697 : i32 to vector<16xi32>
        %lt3A_699 = arith.cmpi slt, %broadcast_in_dim3A_696, %lt3A_698 : vector<16xi32>
        %add3A_700 = arith.constant 16 : i32
        %add3A_701 = vector.broadcast %add3A_700 : i32 to vector<16xi32>
        %add3A_702 = arith.addi %broadcast_in_dim3A_696, %add3A_701 : vector<16xi32>
        %select_n3A_703 = arith.select %lt3A_699, %add3A_702, %broadcast_in_dim3A_696 : vector<16xi1>, vector<16xi32>
        %broadcast_in_dim3A_704 = vector.shape_cast %select_n3A_703 : vector<16xi32> to vector<16x1xi32>
        %gather3A = vector.shape_cast %broadcast_in_dim3A_704 : vector<16x1xi32> to vector<16xi32>
        %gather3A_705 = tpu.dynamic_gather %get3A_686[%gather3A] in [0] : vector<16xi32>, vector<16xi32> -> vector<16xi32>
        %lt3A_706 = arith.constant 0 : i32
        %lt3A_707 = vector.broadcast %lt3A_706 : i32 to vector<16xi32>
        %lt3A_708 = arith.cmpi slt, %broadcast_in_dim3A_696, %lt3A_707 : vector<16xi32>
        %add3A_709 = arith.constant 16 : i32
        %add3A_710 = vector.broadcast %add3A_709 : i32 to vector<16xi32>
        %add3A_711 = arith.addi %broadcast_in_dim3A_696, %add3A_710 : vector<16xi32>
        %select_n3A_712 = arith.select %lt3A_708, %add3A_711, %broadcast_in_dim3A_696 : vector<16xi1>, vector<16xi32>
        %broadcast_in_dim3A_713 = vector.shape_cast %select_n3A_712 : vector<16xi32> to vector<16x1xi32>
        %gather3A_714 = vector.shape_cast %broadcast_in_dim3A_713 : vector<16x1xi32> to vector<16xi32>
        %gather3A_715 = tpu.dynamic_gather %get3A_688[%gather3A_714] in [0] : vector<16xf32>, vector<16xi32> -> vector<16xf32>
        %lt3A_716 = arith.constant 0 : i32
        %lt3A_717 = vector.broadcast %lt3A_716 : i32 to vector<16xi32>
        %lt3A_718 = arith.cmpi slt, %broadcast_in_dim3A_696, %lt3A_717 : vector<16xi32>
        %add3A_719 = arith.constant 16 : i32
        %add3A_720 = vector.broadcast %add3A_719 : i32 to vector<16xi32>
        %add3A_721 = arith.addi %broadcast_in_dim3A_696, %add3A_720 : vector<16xi32>
        %select_n3A_722 = arith.select %lt3A_718, %add3A_721, %broadcast_in_dim3A_696 : vector<16xi1>, vector<16xi32>
        %broadcast_in_dim3A_723 = vector.shape_cast %select_n3A_722 : vector<16xi32> to vector<16x1xi32>
        %gather3A_724 = vector.shape_cast %broadcast_in_dim3A_723 : vector<16x1xi32> to vector<16xi32>
        %gather3A_725 = tpu.dynamic_gather %get3A_690[%gather3A_724] in [0] : vector<16xf32>, vector<16xi32> -> vector<16xf32>
        %add3A_726 = arith.constant 0 : i32
        %add3A_727 = arith.addi %mul3A_694, %add3A_726 : i32
        %add3A_728 = vector.broadcast %add3A_727 : i32 to vector<16xi32>
        %add3A_729 = arith.addi %gather3A_705, %add3A_728 : vector<16xi32>
        %add3A_730 = arith.addi %add3A_729, %iota3A : vector<16xi32>
        %add3A_731 = arith.constant 16 : i32
        %add3A_732 = vector.broadcast %add3A_731 : i32 to vector<16xi32>
        %add3A_733 = arith.addi %add3A_730, %add3A_732 : vector<16xi32>
        %add3A_734 = arith.constant 4096 : i32
        %add3A_735 = vector.broadcast %add3A_734 : i32 to vector<16xi32>
        %add3A_736 = arith.addi %add3A_730, %add3A_735 : vector<16xi32>
        %add3A_737 = arith.constant 4096 : i32
        %add3A_738 = vector.broadcast %add3A_737 : i32 to vector<16xi32>
        %add3A_739 = arith.addi %add3A_733, %add3A_738 : vector<16xi32>
        %gather3A_740 = tpu.vector_load_idx %arg7[%add3A_730] : memref<102400xf32, #tpu.memory_space<vmem>>[vector<16xi32>], vector<16xf32>,
        %gather3A_741 = tpu.vector_load_idx %arg7[%add3A_733] : memref<102400xf32, #tpu.memory_space<vmem>>[vector<16xi32>], vector<16xf32>,
        %gather3A_742 = tpu.vector_load_idx %arg7[%add3A_736] : memref<102400xf32, #tpu.memory_space<vmem>>[vector<16xi32>], vector<16xf32>,
        %gather3A_743 = tpu.vector_load_idx %arg7[%add3A_739] : memref<102400xf32, #tpu.memory_space<vmem>>[vector<16xi32>], vector<16xf32>,
        %mul3A_744 = arith.mulf %gather3A_715, %gather3A_740 : vector<16xf32>
        %add3A_745 = arith.addf %scan3A_681, %mul3A_744 : vector<16xf32>
        %mul3A_746 = arith.mulf %gather3A_725, %gather3A_742 : vector<16xf32>
        %add3A_747 = arith.addf %add3A_745, %mul3A_746 : vector<16xf32>
        %mul3A_748 = arith.mulf %gather3A_715, %gather3A_741 : vector<16xf32>
        %add3A_749 = arith.addf %scan3A_682, %mul3A_748 : vector<16xf32>
        %mul3A_750 = arith.mulf %gather3A_725, %gather3A_743 : vector<16xf32>
        %add3A_751 = arith.addf %add3A_749, %mul3A_750 : vector<16xf32>
        %broadcast_in_dim3A_752 = arith.constant 1 : i32
        %broadcast_in_dim3A_753 = vector.broadcast %broadcast_in_dim3A_752 : i32 to vector<16xi32>
        %lt3A_754 = arith.constant 0 : i32
        %lt3A_755 = vector.broadcast %lt3A_754 : i32 to vector<16xi32>
        %lt3A_756 = arith.cmpi slt, %broadcast_in_dim3A_753, %lt3A_755 : vector<16xi32>
        %add3A_757 = arith.constant 16 : i32
        %add3A_758 = vector.broadcast %add3A_757 : i32 to vector<16xi32>
        %add3A_759 = arith.addi %broadcast_in_dim3A_753, %add3A_758 : vector<16xi32>
        %select_n3A_760 = arith.select %lt3A_756, %add3A_759, %broadcast_in_dim3A_753 : vector<16xi1>, vector<16xi32>
        %broadcast_in_dim3A_761 = vector.shape_cast %select_n3A_760 : vector<16xi32> to vector<16x1xi32>
        %gather3A_762 = vector.shape_cast %broadcast_in_dim3A_761 : vector<16x1xi32> to vector<16xi32>
        %gather3A_763 = tpu.dynamic_gather %get3A_686[%gather3A_762] in [0] : vector<16xi32>, vector<16xi32> -> vector<16xi32>
        %lt3A_764 = arith.constant 0 : i32
        %lt3A_765 = vector.broadcast %lt3A_764 : i32 to vector<16xi32>
        %lt3A_766 = arith.cmpi slt, %broadcast_in_dim3A_753, %lt3A_765 : vector<16xi32>
        %add3A_767 = arith.constant 16 : i32
        %add3A_768 = vector.broadcast %add3A_767 : i32 to vector<16xi32>
        %add3A_769 = arith.addi %broadcast_in_dim3A_753, %add3A_768 : vector<16xi32>
        %select_n3A_770 = arith.select %lt3A_766, %add3A_769, %broadcast_in_dim3A_753 : vector<16xi1>, vector<16xi32>
        %broadcast_in_dim3A_771 = vector.shape_cast %select_n3A_770 : vector<16xi32> to vector<16x1xi32>
        %gather3A_772 = vector.shape_cast %broadcast_in_dim3A_771 : vector<16x1xi32> to vector<16xi32>
        %gather3A_773 = tpu.dynamic_gather %get3A_688[%gather3A_772] in [0] : vector<16xf32>, vector<16xi32> -> vector<16xf32>
        %lt3A_774 = arith.constant 0 : i32
        %lt3A_775 = vector.broadcast %lt3A_774 : i32 to vector<16xi32>
        %lt3A_776 = arith.cmpi slt, %broadcast_in_dim3A_753, %lt3A_775 : vector<16xi32>
        %add3A_777 = arith.constant 16 : i32
        %add3A_778 = vector.broadcast %add3A_777 : i32 to vector<16xi32>
        %add3A_779 = arith.addi %broadcast_in_dim3A_753, %add3A_778 : vector<16xi32>
        %select_n3A_780 = arith.select %lt3A_776, %add3A_779, %broadcast_in_dim3A_753 : vector<16xi1>, vector<16xi32>
        %broadcast_in_dim3A_781 = vector.shape_cast %select_n3A_780 : vector<16xi32> to vector<16x1xi32>
        %gather3A_782 = vector.shape_cast %broadcast_in_dim3A_781 : vector<16x1xi32> to vector<16xi32>
        %gather3A_783 = tpu.dynamic_gather %get3A_690[%gather3A_782] in [0] : vector<16xf32>, vector<16xi32> -> vector<16xf32>
        %add3A_784 = arith.constant 32 : i32
        %add3A_785 = arith.addi %mul3A_694, %add3A_784 : i32
        %add3A_786 = vector.broadcast %add3A_785 : i32 to vector<16xi32>
        %add3A_787 = arith.addi %gather3A_763, %add3A_786 : vector<16xi32>
        %add3A_788 = arith.addi %add3A_787, %iota3A : vector<16xi32>
        %add3A_789 = arith.constant 16 : i32
        %add3A_790 = vector.broadcast %add3A_789 : i32 to vector<16xi32>
        %add3A_791 = arith.addi %add3A_788, %add3A_790 : vector<16xi32>
        %add3A_792 = arith.constant 4096 : i32
        %add3A_793 = vector.broadcast %add3A_792 : i32 to vector<16xi32>
        %add3A_794 = arith.addi %add3A_788, %add3A_793 : vector<16xi32>
        %add3A_795 = arith.constant 4096 : i32
        %add3A_796 = vector.broadcast %add3A_795 : i32 to vector<16xi32>
        %add3A_797 = arith.addi %add3A_791, %add3A_796 : vector<16xi32>
        %gather3A_798 = tpu.vector_load_idx %arg7[%add3A_788] : memref<102400xf32, #tpu.memory_space<vmem>>[vector<16xi32>], vector<16xf32>,
        %gather3A_799 = tpu.vector_load_idx %arg7[%add3A_791] : memref<102400xf32, #tpu.memory_space<vmem>>[vector<16xi32>], vector<16xf32>,
        %gather3A_800 = tpu.vector_load_idx %arg7[%add3A_794] : memref<102400xf32, #tpu.memory_space<vmem>>[vector<16xi32>], vector<16xf32>,
        %gather3A_801 = tpu.vector_load_idx %arg7[%add3A_797] : memref<102400xf32, #tpu.memory_space<vmem>>[vector<16xi32>], vector<16xf32>,
        %mul3A_802 = arith.mulf %gather3A_773, %gather3A_798 : vector<16xf32>
        %add3A_803 = arith.addf %add3A_747, %mul3A_802 : vector<16xf32>
        %mul3A_804 = arith.mulf %gather3A_783, %gather3A_800 : vector<16xf32>
        %add3A_805 = arith.addf %add3A_803, %mul3A_804 : vector<16xf32>
        %mul3A_806 = arith.mulf %gather3A_773, %gather3A_799 : vector<16xf32>
        %add3A_807 = arith.addf %add3A_751, %mul3A_806 : vector<16xf32>
        %mul3A_808 = arith.mulf %gather3A_783, %gather3A_801 : vector<16xf32>
        %add3A_809 = arith.addf %add3A_807, %mul3A_808 : vector<16xf32>
        %broadcast_in_dim3A_810 = arith.constant 2 : i32
        %broadcast_in_dim3A_811 = vector.broadcast %broadcast_in_dim3A_810 : i32 to vector<16xi32>
        %lt3A_812 = arith.constant 0 : i32
        %lt3A_813 = vector.broadcast %lt3A_812 : i32 to vector<16xi32>
        %lt3A_814 = arith.cmpi slt, %broadcast_in_dim3A_811, %lt3A_813 : vector<16xi32>
        %add3A_815 = arith.constant 16 : i32
        %add3A_816 = vector.broadcast %add3A_815 : i32 to vector<16xi32>
        %add3A_817 = arith.addi %broadcast_in_dim3A_811, %add3A_816 : vector<16xi32>
        %select_n3A_818 = arith.select %lt3A_814, %add3A_817, %broadcast_in_dim3A_811 : vector<16xi1>, vector<16xi32>
        %broadcast_in_dim3A_819 = vector.shape_cast %select_n3A_818 : vector<16xi32> to vector<16x1xi32>
        %gather3A_820 = vector.shape_cast %broadcast_in_dim3A_819 : vector<16x1xi32> to vector<16xi32>
        %gather3A_821 = tpu.dynamic_gather %get3A_686[%gather3A_820] in [0] : vector<16xi32>, vector<16xi32> -> vector<16xi32>
        %lt3A_822 = arith.constant 0 : i32
        %lt3A_823 = vector.broadcast %lt3A_822 : i32 to vector<16xi32>
        %lt3A_824 = arith.cmpi slt, %broadcast_in_dim3A_811, %lt3A_823 : vector<16xi32>
        %add3A_825 = arith.constant 16 : i32
        %add3A_826 = vector.broadcast %add3A_825 : i32 to vector<16xi32>
        %add3A_827 = arith.addi %broadcast_in_dim3A_811, %add3A_826 : vector<16xi32>
        %select_n3A_828 = arith.select %lt3A_824, %add3A_827, %broadcast_in_dim3A_811 : vector<16xi1>, vector<16xi32>
        %broadcast_in_dim3A_829 = vector.shape_cast %select_n3A_828 : vector<16xi32> to vector<16x1xi32>
        %gather3A_830 = vector.shape_cast %broadcast_in_dim3A_829 : vector<16x1xi32> to vector<16xi32>
        %gather3A_831 = tpu.dynamic_gather %get3A_688[%gather3A_830] in [0] : vector<16xf32>, vector<16xi32> -> vector<16xf32>
        %lt3A_832 = arith.constant 0 : i32
        %lt3A_833 = vector.broadcast %lt3A_832 : i32 to vector<16xi32>
        %lt3A_834 = arith.cmpi slt, %broadcast_in_dim3A_811, %lt3A_833 : vector<16xi32>
        %add3A_835 = arith.constant 16 : i32
        %add3A_836 = vector.broadcast %add3A_835 : i32 to vector<16xi32>
        %add3A_837 = arith.addi %broadcast_in_dim3A_811, %add3A_836 : vector<16xi32>
        %select_n3A_838 = arith.select %lt3A_834, %add3A_837, %broadcast_in_dim3A_811 : vector<16xi1>, vector<16xi32>
        %broadcast_in_dim3A_839 = vector.shape_cast %select_n3A_838 : vector<16xi32> to vector<16x1xi32>
        %gather3A_840 = vector.shape_cast %broadcast_in_dim3A_839 : vector<16x1xi32> to vector<16xi32>
        %gather3A_841 = tpu.dynamic_gather %get3A_690[%gather3A_840] in [0] : vector<16xf32>, vector<16xi32> -> vector<16xf32>
        %add3A_842 = arith.constant 64 : i32
        %add3A_843 = arith.addi %mul3A_694, %add3A_842 : i32
        %add3A_844 = vector.broadcast %add3A_843 : i32 to vector<16xi32>
        %add3A_845 = arith.addi %gather3A_821, %add3A_844 : vector<16xi32>
        %add3A_846 = arith.addi %add3A_845, %iota3A : vector<16xi32>
        %add3A_847 = arith.constant 16 : i32
        %add3A_848 = vector.broadcast %add3A_847 : i32 to vector<16xi32>
        %add3A_849 = arith.addi %add3A_846, %add3A_848 : vector<16xi32>
        %add3A_850 = arith.constant 4096 : i32
        %add3A_851 = vector.broadcast %add3A_850 : i32 to vector<16xi32>
        %add3A_852 = arith.addi %add3A_846, %add3A_851 : vector<16xi32>
        %add3A_853 = arith.constant 4096 : i32
        %add3A_854 = vector.broadcast %add3A_853 : i32 to vector<16xi32>
        %add3A_855 = arith.addi %add3A_849, %add3A_854 : vector<16xi32>
        %gather3A_856 = tpu.vector_load_idx %arg7[%add3A_846] : memref<102400xf32, #tpu.memory_space<vmem>>[vector<16xi32>], vector<16xf32>,
        %gather3A_857 = tpu.vector_load_idx %arg7[%add3A_849] : memref<102400xf32, #tpu.memory_space<vmem>>[vector<16xi32>], vector<16xf32>,
        %gather3A_858 = tpu.vector_load_idx %arg7[%add3A_852] : memref<102400xf32, #tpu.memory_space<vmem>>[vector<16xi32>], vector<16xf32>,
        %gather3A_859 = tpu.vector_load_idx %arg7[%add3A_855] : memref<102400xf32, #tpu.memory_space<vmem>>[vector<16xi32>], vector<16xf32>,
        %mul3A_860 = arith.mulf %gather3A_831, %gather3A_856 : vector<16xf32>
        %add3A_861 = arith.addf %add3A_805, %mul3A_860 : vector<16xf32>
        %mul3A_862 = arith.mulf %gather3A_841, %gather3A_858 : vector<16xf32>
        %add3A_863 = arith.addf %add3A_861, %mul3A_862 : vector<16xf32>
        %mul3A_864 = arith.mulf %gather3A_831, %gather3A_857 : vector<16xf32>
        %add3A_865 = arith.addf %add3A_809, %mul3A_864 : vector<16xf32>
        %mul3A_866 = arith.mulf %gather3A_841, %gather3A_859 : vector<16xf32>
        %add3A_867 = arith.addf %add3A_865, %mul3A_866 : vector<16xf32>
        %broadcast_in_dim3A_868 = arith.constant 3 : i32
        %broadcast_in_dim3A_869 = vector.broadcast %broadcast_in_dim3A_868 : i32 to vector<16xi32>
        %lt3A_870 = arith.constant 0 : i32
        %lt3A_871 = vector.broadcast %lt3A_870 : i32 to vector<16xi32>
        %lt3A_872 = arith.cmpi slt, %broadcast_in_dim3A_869, %lt3A_871 : vector<16xi32>
        %add3A_873 = arith.constant 16 : i32
        %add3A_874 = vector.broadcast %add3A_873 : i32 to vector<16xi32>
        %add3A_875 = arith.addi %broadcast_in_dim3A_869, %add3A_874 : vector<16xi32>
        %select_n3A_876 = arith.select %lt3A_872, %add3A_875, %broadcast_in_dim3A_869 : vector<16xi1>, vector<16xi32>
        %broadcast_in_dim3A_877 = vector.shape_cast %select_n3A_876 : vector<16xi32> to vector<16x1xi32>
        %gather3A_878 = vector.shape_cast %broadcast_in_dim3A_877 : vector<16x1xi32> to vector<16xi32>
        %gather3A_879 = tpu.dynamic_gather %get3A_686[%gather3A_878] in [0] : vector<16xi32>, vector<16xi32> -> vector<16xi32>
        %lt3A_880 = arith.constant 0 : i32
        %lt3A_881 = vector.broadcast %lt3A_880 : i32 to vector<16xi32>
        %lt3A_882 = arith.cmpi slt, %broadcast_in_dim3A_869, %lt3A_881 : vector<16xi32>
        %add3A_883 = arith.constant 16 : i32
        %add3A_884 = vector.broadcast %add3A_883 : i32 to vector<16xi32>
        %add3A_885 = arith.addi %broadcast_in_dim3A_869, %add3A_884 : vector<16xi32>
        %select_n3A_886 = arith.select %lt3A_882, %add3A_885, %broadcast_in_dim3A_869 : vector<16xi1>, vector<16xi32>
        %broadcast_in_dim3A_887 = vector.shape_cast %select_n3A_886 : vector<16xi32> to vector<16x1xi32>
        %gather3A_888 = vector.shape_cast %broadcast_in_dim3A_887 : vector<16x1xi32> to vector<16xi32>
        %gather3A_889 = tpu.dynamic_gather %get3A_688[%gather3A_888] in [0] : vector<16xf32>, vector<16xi32> -> vector<16xf32>
        %lt3A_890 = arith.constant 0 : i32
        %lt3A_891 = vector.broadcast %lt3A_890 : i32 to vector<16xi32>
        %lt3A_892 = arith.cmpi slt, %broadcast_in_dim3A_869, %lt3A_891 : vector<16xi32>
        %add3A_893 = arith.constant 16 : i32
        %add3A_894 = vector.broadcast %add3A_893 : i32 to vector<16xi32>
        %add3A_895 = arith.addi %broadcast_in_dim3A_869, %add3A_894 : vector<16xi32>
        %select_n3A_896 = arith.select %lt3A_892, %add3A_895, %broadcast_in_dim3A_869 : vector<16xi1>, vector<16xi32>
        %broadcast_in_dim3A_897 = vector.shape_cast %select_n3A_896 : vector<16xi32> to vector<16x1xi32>
        %gather3A_898 = vector.shape_cast %broadcast_in_dim3A_897 : vector<16x1xi32> to vector<16xi32>
        %gather3A_899 = tpu.dynamic_gather %get3A_690[%gather3A_898] in [0] : vector<16xf32>, vector<16xi32> -> vector<16xf32>
        %add3A_900 = arith.constant 96 : i32
        %add3A_901 = arith.addi %mul3A_694, %add3A_900 : i32
        %add3A_902 = vector.broadcast %add3A_901 : i32 to vector<16xi32>
        %add3A_903 = arith.addi %gather3A_879, %add3A_902 : vector<16xi32>
        %add3A_904 = arith.addi %add3A_903, %iota3A : vector<16xi32>
        %add3A_905 = arith.constant 16 : i32
        %add3A_906 = vector.broadcast %add3A_905 : i32 to vector<16xi32>
        %add3A_907 = arith.addi %add3A_904, %add3A_906 : vector<16xi32>
        %add3A_908 = arith.constant 4096 : i32
        %add3A_909 = vector.broadcast %add3A_908 : i32 to vector<16xi32>
        %add3A_910 = arith.addi %add3A_904, %add3A_909 : vector<16xi32>
        %add3A_911 = arith.constant 4096 : i32
        %add3A_912 = vector.broadcast %add3A_911 : i32 to vector<16xi32>
        %add3A_913 = arith.addi %add3A_907, %add3A_912 : vector<16xi32>
        %gather3A_914 = tpu.vector_load_idx %arg7[%add3A_904] : memref<102400xf32, #tpu.memory_space<vmem>>[vector<16xi32>], vector<16xf32>,
        %gather3A_915 = tpu.vector_load_idx %arg7[%add3A_907] : memref<102400xf32, #tpu.memory_space<vmem>>[vector<16xi32>], vector<16xf32>,
        %gather3A_916 = tpu.vector_load_idx %arg7[%add3A_910] : memref<102400xf32, #tpu.memory_space<vmem>>[vector<16xi32>], vector<16xf32>,
        %gather3A_917 = tpu.vector_load_idx %arg7[%add3A_913] : memref<102400xf32, #tpu.memory_space<vmem>>[vector<16xi32>], vector<16xf32>,
        %mul3A_918 = arith.mulf %gather3A_889, %gather3A_914 : vector<16xf32>
        %add3A_919 = arith.addf %add3A_863, %mul3A_918 : vector<16xf32>
        %mul3A_920 = arith.mulf %gather3A_899, %gather3A_916 : vector<16xf32>
        %add3A_921 = arith.addf %add3A_919, %mul3A_920 : vector<16xf32>
        %mul3A_922 = arith.mulf %gather3A_889, %gather3A_915 : vector<16xf32>
        %add3A_923 = arith.addf %add3A_867, %mul3A_922 : vector<16xf32>
        %mul3A_924 = arith.mulf %gather3A_899, %gather3A_917 : vector<16xf32>
        %add3A_925 = arith.addf %add3A_923, %mul3A_924 : vector<16xf32>
        %broadcast_in_dim3A_926 = arith.constant 4 : i32
        %broadcast_in_dim3A_927 = vector.broadcast %broadcast_in_dim3A_926 : i32 to vector<16xi32>
        %lt3A_928 = arith.constant 0 : i32
        %lt3A_929 = vector.broadcast %lt3A_928 : i32 to vector<16xi32>
        %lt3A_930 = arith.cmpi slt, %broadcast_in_dim3A_927, %lt3A_929 : vector<16xi32>
        %add3A_931 = arith.constant 16 : i32
        %add3A_932 = vector.broadcast %add3A_931 : i32 to vector<16xi32>
        %add3A_933 = arith.addi %broadcast_in_dim3A_927, %add3A_932 : vector<16xi32>
        %select_n3A_934 = arith.select %lt3A_930, %add3A_933, %broadcast_in_dim3A_927 : vector<16xi1>, vector<16xi32>
        %broadcast_in_dim3A_935 = vector.shape_cast %select_n3A_934 : vector<16xi32> to vector<16x1xi32>
        %gather3A_936 = vector.shape_cast %broadcast_in_dim3A_935 : vector<16x1xi32> to vector<16xi32>
        %gather3A_937 = tpu.dynamic_gather %get3A_686[%gather3A_936] in [0] : vector<16xi32>, vector<16xi32> -> vector<16xi32>
        %lt3A_938 = arith.constant 0 : i32
        %lt3A_939 = vector.broadcast %lt3A_938 : i32 to vector<16xi32>
        %lt3A_940 = arith.cmpi slt, %broadcast_in_dim3A_927, %lt3A_939 : vector<16xi32>
        %add3A_941 = arith.constant 16 : i32
        %add3A_942 = vector.broadcast %add3A_941 : i32 to vector<16xi32>
        %add3A_943 = arith.addi %broadcast_in_dim3A_927, %add3A_942 : vector<16xi32>
        %select_n3A_944 = arith.select %lt3A_940, %add3A_943, %broadcast_in_dim3A_927 : vector<16xi1>, vector<16xi32>
        %broadcast_in_dim3A_945 = vector.shape_cast %select_n3A_944 : vector<16xi32> to vector<16x1xi32>
        %gather3A_946 = vector.shape_cast %broadcast_in_dim3A_945 : vector<16x1xi32> to vector<16xi32>
        %gather3A_947 = tpu.dynamic_gather %get3A_688[%gather3A_946] in [0] : vector<16xf32>, vector<16xi32> -> vector<16xf32>
        %lt3A_948 = arith.constant 0 : i32
        %lt3A_949 = vector.broadcast %lt3A_948 : i32 to vector<16xi32>
        %lt3A_950 = arith.cmpi slt, %broadcast_in_dim3A_927, %lt3A_949 : vector<16xi32>
        %add3A_951 = arith.constant 16 : i32
        %add3A_952 = vector.broadcast %add3A_951 : i32 to vector<16xi32>
        %add3A_953 = arith.addi %broadcast_in_dim3A_927, %add3A_952 : vector<16xi32>
        %select_n3A_954 = arith.select %lt3A_950, %add3A_953, %broadcast_in_dim3A_927 : vector<16xi1>, vector<16xi32>
        %broadcast_in_dim3A_955 = vector.shape_cast %select_n3A_954 : vector<16xi32> to vector<16x1xi32>
        %gather3A_956 = vector.shape_cast %broadcast_in_dim3A_955 : vector<16x1xi32> to vector<16xi32>
        %gather3A_957 = tpu.dynamic_gather %get3A_690[%gather3A_956] in [0] : vector<16xf32>, vector<16xi32> -> vector<16xf32>
        %add3A_958 = arith.constant 128 : i32
        %add3A_959 = arith.addi %mul3A_694, %add3A_958 : i32
        %add3A_960 = vector.broadcast %add3A_959 : i32 to vector<16xi32>
        %add3A_961 = arith.addi %gather3A_937, %add3A_960 : vector<16xi32>
        %add3A_962 = arith.addi %add3A_961, %iota3A : vector<16xi32>
        %add3A_963 = arith.constant 16 : i32
        %add3A_964 = vector.broadcast %add3A_963 : i32 to vector<16xi32>
        %add3A_965 = arith.addi %add3A_962, %add3A_964 : vector<16xi32>
        %add3A_966 = arith.constant 4096 : i32
        %add3A_967 = vector.broadcast %add3A_966 : i32 to vector<16xi32>
        %add3A_968 = arith.addi %add3A_962, %add3A_967 : vector<16xi32>
        %add3A_969 = arith.constant 4096 : i32
        %add3A_970 = vector.broadcast %add3A_969 : i32 to vector<16xi32>
        %add3A_971 = arith.addi %add3A_965, %add3A_970 : vector<16xi32>
        %gather3A_972 = tpu.vector_load_idx %arg7[%add3A_962] : memref<102400xf32, #tpu.memory_space<vmem>>[vector<16xi32>], vector<16xf32>,
        %gather3A_973 = tpu.vector_load_idx %arg7[%add3A_965] : memref<102400xf32, #tpu.memory_space<vmem>>[vector<16xi32>], vector<16xf32>,
        %gather3A_974 = tpu.vector_load_idx %arg7[%add3A_968] : memref<102400xf32, #tpu.memory_space<vmem>>[vector<16xi32>], vector<16xf32>,
        %gather3A_975 = tpu.vector_load_idx %arg7[%add3A_971] : memref<102400xf32, #tpu.memory_space<vmem>>[vector<16xi32>], vector<16xf32>,
        %mul3A_976 = arith.mulf %gather3A_947, %gather3A_972 : vector<16xf32>
        %add3A_977 = arith.addf %add3A_921, %mul3A_976 : vector<16xf32>
        %mul3A_978 = arith.mulf %gather3A_957, %gather3A_974 : vector<16xf32>
        %add3A_979 = arith.addf %add3A_977, %mul3A_978 : vector<16xf32>
        %mul3A_980 = arith.mulf %gather3A_947, %gather3A_973 : vector<16xf32>
        %add3A_981 = arith.addf %add3A_925, %mul3A_980 : vector<16xf32>
        %mul3A_982 = arith.mulf %gather3A_957, %gather3A_975 : vector<16xf32>
        %add3A_983 = arith.addf %add3A_981, %mul3A_982 : vector<16xf32>
        %broadcast_in_dim3A_984 = arith.constant 5 : i32
        %broadcast_in_dim3A_985 = vector.broadcast %broadcast_in_dim3A_984 : i32 to vector<16xi32>
        %lt3A_986 = arith.constant 0 : i32
        %lt3A_987 = vector.broadcast %lt3A_986 : i32 to vector<16xi32>
        %lt3A_988 = arith.cmpi slt, %broadcast_in_dim3A_985, %lt3A_987 : vector<16xi32>
        %add3A_989 = arith.constant 16 : i32
        %add3A_990 = vector.broadcast %add3A_989 : i32 to vector<16xi32>
        %add3A_991 = arith.addi %broadcast_in_dim3A_985, %add3A_990 : vector<16xi32>
        %select_n3A_992 = arith.select %lt3A_988, %add3A_991, %broadcast_in_dim3A_985 : vector<16xi1>, vector<16xi32>
        %broadcast_in_dim3A_993 = vector.shape_cast %select_n3A_992 : vector<16xi32> to vector<16x1xi32>
        %gather3A_994 = vector.shape_cast %broadcast_in_dim3A_993 : vector<16x1xi32> to vector<16xi32>
        %gather3A_995 = tpu.dynamic_gather %get3A_686[%gather3A_994] in [0] : vector<16xi32>, vector<16xi32> -> vector<16xi32>
        %lt3A_996 = arith.constant 0 : i32
        %lt3A_997 = vector.broadcast %lt3A_996 : i32 to vector<16xi32>
        %lt3A_998 = arith.cmpi slt, %broadcast_in_dim3A_985, %lt3A_997 : vector<16xi32>
        %add3A_999 = arith.constant 16 : i32
        %add3A_1000 = vector.broadcast %add3A_999 : i32 to vector<16xi32>
        %add3A_1001 = arith.addi %broadcast_in_dim3A_985, %add3A_1000 : vector<16xi32>
        %select_n3A_1002 = arith.select %lt3A_998, %add3A_1001, %broadcast_in_dim3A_985 : vector<16xi1>, vector<16xi32>
        %broadcast_in_dim3A_1003 = vector.shape_cast %select_n3A_1002 : vector<16xi32> to vector<16x1xi32>
        %gather3A_1004 = vector.shape_cast %broadcast_in_dim3A_1003 : vector<16x1xi32> to vector<16xi32>
        %gather3A_1005 = tpu.dynamic_gather %get3A_688[%gather3A_1004] in [0] : vector<16xf32>, vector<16xi32> -> vector<16xf32>
        %lt3A_1006 = arith.constant 0 : i32
        %lt3A_1007 = vector.broadcast %lt3A_1006 : i32 to vector<16xi32>
        %lt3A_1008 = arith.cmpi slt, %broadcast_in_dim3A_985, %lt3A_1007 : vector<16xi32>
        %add3A_1009 = arith.constant 16 : i32
        %add3A_1010 = vector.broadcast %add3A_1009 : i32 to vector<16xi32>
        %add3A_1011 = arith.addi %broadcast_in_dim3A_985, %add3A_1010 : vector<16xi32>
        %select_n3A_1012 = arith.select %lt3A_1008, %add3A_1011, %broadcast_in_dim3A_985 : vector<16xi1>, vector<16xi32>
        %broadcast_in_dim3A_1013 = vector.shape_cast %select_n3A_1012 : vector<16xi32> to vector<16x1xi32>
        %gather3A_1014 = vector.shape_cast %broadcast_in_dim3A_1013 : vector<16x1xi32> to vector<16xi32>
        %gather3A_1015 = tpu.dynamic_gather %get3A_690[%gather3A_1014] in [0] : vector<16xf32>, vector<16xi32> -> vector<16xf32>
        %add3A_1016 = arith.constant 160 : i32
        %add3A_1017 = arith.addi %mul3A_694, %add3A_1016 : i32
        %add3A_1018 = vector.broadcast %add3A_1017 : i32 to vector<16xi32>
        %add3A_1019 = arith.addi %gather3A_995, %add3A_1018 : vector<16xi32>
        %add3A_1020 = arith.addi %add3A_1019, %iota3A : vector<16xi32>
        %add3A_1021 = arith.constant 16 : i32
        %add3A_1022 = vector.broadcast %add3A_1021 : i32 to vector<16xi32>
        %add3A_1023 = arith.addi %add3A_1020, %add3A_1022 : vector<16xi32>
        %add3A_1024 = arith.constant 4096 : i32
        %add3A_1025 = vector.broadcast %add3A_1024 : i32 to vector<16xi32>
        %add3A_1026 = arith.addi %add3A_1020, %add3A_1025 : vector<16xi32>
        %add3A_1027 = arith.constant 4096 : i32
        %add3A_1028 = vector.broadcast %add3A_1027 : i32 to vector<16xi32>
        %add3A_1029 = arith.addi %add3A_1023, %add3A_1028 : vector<16xi32>
        %gather3A_1030 = tpu.vector_load_idx %arg7[%add3A_1020] : memref<102400xf32, #tpu.memory_space<vmem>>[vector<16xi32>], vector<16xf32>,
        %gather3A_1031 = tpu.vector_load_idx %arg7[%add3A_1023] : memref<102400xf32, #tpu.memory_space<vmem>>[vector<16xi32>], vector<16xf32>,
        %gather3A_1032 = tpu.vector_load_idx %arg7[%add3A_1026] : memref<102400xf32, #tpu.memory_space<vmem>>[vector<16xi32>], vector<16xf32>,
        %gather3A_1033 = tpu.vector_load_idx %arg7[%add3A_1029] : memref<102400xf32, #tpu.memory_space<vmem>>[vector<16xi32>], vector<16xf32>,
        %mul3A_1034 = arith.mulf %gather3A_1005, %gather3A_1030 : vector<16xf32>
        %add3A_1035 = arith.addf %add3A_979, %mul3A_1034 : vector<16xf32>
        %mul3A_1036 = arith.mulf %gather3A_1015, %gather3A_1032 : vector<16xf32>
        %add3A_1037 = arith.addf %add3A_1035, %mul3A_1036 : vector<16xf32>
        %mul3A_1038 = arith.mulf %gather3A_1005, %gather3A_1031 : vector<16xf32>
        %add3A_1039 = arith.addf %add3A_983, %mul3A_1038 : vector<16xf32>
        %mul3A_1040 = arith.mulf %gather3A_1015, %gather3A_1033 : vector<16xf32>
        %add3A_1041 = arith.addf %add3A_1039, %mul3A_1040 : vector<16xf32>
        %broadcast_in_dim3A_1042 = arith.constant 6 : i32
        %broadcast_in_dim3A_1043 = vector.broadcast %broadcast_in_dim3A_1042 : i32 to vector<16xi32>
        %lt3A_1044 = arith.constant 0 : i32
        %lt3A_1045 = vector.broadcast %lt3A_1044 : i32 to vector<16xi32>
        %lt3A_1046 = arith.cmpi slt, %broadcast_in_dim3A_1043, %lt3A_1045 : vector<16xi32>
        %add3A_1047 = arith.constant 16 : i32
        %add3A_1048 = vector.broadcast %add3A_1047 : i32 to vector<16xi32>
        %add3A_1049 = arith.addi %broadcast_in_dim3A_1043, %add3A_1048 : vector<16xi32>
        %select_n3A_1050 = arith.select %lt3A_1046, %add3A_1049, %broadcast_in_dim3A_1043 : vector<16xi1>, vector<16xi32>
        %broadcast_in_dim3A_1051 = vector.shape_cast %select_n3A_1050 : vector<16xi32> to vector<16x1xi32>
        %gather3A_1052 = vector.shape_cast %broadcast_in_dim3A_1051 : vector<16x1xi32> to vector<16xi32>
        %gather3A_1053 = tpu.dynamic_gather %get3A_686[%gather3A_1052] in [0] : vector<16xi32>, vector<16xi32> -> vector<16xi32>
        %lt3A_1054 = arith.constant 0 : i32
        %lt3A_1055 = vector.broadcast %lt3A_1054 : i32 to vector<16xi32>
        %lt3A_1056 = arith.cmpi slt, %broadcast_in_dim3A_1043, %lt3A_1055 : vector<16xi32>
        %add3A_1057 = arith.constant 16 : i32
        %add3A_1058 = vector.broadcast %add3A_1057 : i32 to vector<16xi32>
        %add3A_1059 = arith.addi %broadcast_in_dim3A_1043, %add3A_1058 : vector<16xi32>
        %select_n3A_1060 = arith.select %lt3A_1056, %add3A_1059, %broadcast_in_dim3A_1043 : vector<16xi1>, vector<16xi32>
        %broadcast_in_dim3A_1061 = vector.shape_cast %select_n3A_1060 : vector<16xi32> to vector<16x1xi32>
        %gather3A_1062 = vector.shape_cast %broadcast_in_dim3A_1061 : vector<16x1xi32> to vector<16xi32>
        %gather3A_1063 = tpu.dynamic_gather %get3A_688[%gather3A_1062] in [0] : vector<16xf32>, vector<16xi32> -> vector<16xf32>
        %lt3A_1064 = arith.constant 0 : i32
        %lt3A_1065 = vector.broadcast %lt3A_1064 : i32 to vector<16xi32>
        %lt3A_1066 = arith.cmpi slt, %broadcast_in_dim3A_1043, %lt3A_1065 : vector<16xi32>
        %add3A_1067 = arith.constant 16 : i32
        %add3A_1068 = vector.broadcast %add3A_1067 : i32 to vector<16xi32>
        %add3A_1069 = arith.addi %broadcast_in_dim3A_1043, %add3A_1068 : vector<16xi32>
        %select_n3A_1070 = arith.select %lt3A_1066, %add3A_1069, %broadcast_in_dim3A_1043 : vector<16xi1>, vector<16xi32>
        %broadcast_in_dim3A_1071 = vector.shape_cast %select_n3A_1070 : vector<16xi32> to vector<16x1xi32>
        %gather3A_1072 = vector.shape_cast %broadcast_in_dim3A_1071 : vector<16x1xi32> to vector<16xi32>
        %gather3A_1073 = tpu.dynamic_gather %get3A_690[%gather3A_1072] in [0] : vector<16xf32>, vector<16xi32> -> vector<16xf32>
        %add3A_1074 = arith.constant 192 : i32
        %add3A_1075 = arith.addi %mul3A_694, %add3A_1074 : i32
        %add3A_1076 = vector.broadcast %add3A_1075 : i32 to vector<16xi32>
        %add3A_1077 = arith.addi %gather3A_1053, %add3A_1076 : vector<16xi32>
        %add3A_1078 = arith.addi %add3A_1077, %iota3A : vector<16xi32>
        %add3A_1079 = arith.constant 16 : i32
        %add3A_1080 = vector.broadcast %add3A_1079 : i32 to vector<16xi32>
        %add3A_1081 = arith.addi %add3A_1078, %add3A_1080 : vector<16xi32>
        %add3A_1082 = arith.constant 4096 : i32
        %add3A_1083 = vector.broadcast %add3A_1082 : i32 to vector<16xi32>
        %add3A_1084 = arith.addi %add3A_1078, %add3A_1083 : vector<16xi32>
        %add3A_1085 = arith.constant 4096 : i32
        %add3A_1086 = vector.broadcast %add3A_1085 : i32 to vector<16xi32>
        %add3A_1087 = arith.addi %add3A_1081, %add3A_1086 : vector<16xi32>
        %gather3A_1088 = tpu.vector_load_idx %arg7[%add3A_1078] : memref<102400xf32, #tpu.memory_space<vmem>>[vector<16xi32>], vector<16xf32>,
        %gather3A_1089 = tpu.vector_load_idx %arg7[%add3A_1081] : memref<102400xf32, #tpu.memory_space<vmem>>[vector<16xi32>], vector<16xf32>,
        %gather3A_1090 = tpu.vector_load_idx %arg7[%add3A_1084] : memref<102400xf32, #tpu.memory_space<vmem>>[vector<16xi32>], vector<16xf32>,
        %gather3A_1091 = tpu.vector_load_idx %arg7[%add3A_1087] : memref<102400xf32, #tpu.memory_space<vmem>>[vector<16xi32>], vector<16xf32>,
        %mul3A_1092 = arith.mulf %gather3A_1063, %gather3A_1088 : vector<16xf32>
        %add3A_1093 = arith.addf %add3A_1037, %mul3A_1092 : vector<16xf32>
        %mul3A_1094 = arith.mulf %gather3A_1073, %gather3A_1090 : vector<16xf32>
        %add3A_1095 = arith.addf %add3A_1093, %mul3A_1094 : vector<16xf32>
        %mul3A_1096 = arith.mulf %gather3A_1063, %gather3A_1089 : vector<16xf32>
        %add3A_1097 = arith.addf %add3A_1041, %mul3A_1096 : vector<16xf32>
        %mul3A_1098 = arith.mulf %gather3A_1073, %gather3A_1091 : vector<16xf32>
        %add3A_1099 = arith.addf %add3A_1097, %mul3A_1098 : vector<16xf32>
        %broadcast_in_dim3A_1100 = arith.constant 7 : i32
        %broadcast_in_dim3A_1101 = vector.broadcast %broadcast_in_dim3A_1100 : i32 to vector<16xi32>
        %lt3A_1102 = arith.constant 0 : i32
        %lt3A_1103 = vector.broadcast %lt3A_1102 : i32 to vector<16xi32>
        %lt3A_1104 = arith.cmpi slt, %broadcast_in_dim3A_1101, %lt3A_1103 : vector<16xi32>
        %add3A_1105 = arith.constant 16 : i32
        %add3A_1106 = vector.broadcast %add3A_1105 : i32 to vector<16xi32>
        %add3A_1107 = arith.addi %broadcast_in_dim3A_1101, %add3A_1106 : vector<16xi32>
        %select_n3A_1108 = arith.select %lt3A_1104, %add3A_1107, %broadcast_in_dim3A_1101 : vector<16xi1>, vector<16xi32>
        %broadcast_in_dim3A_1109 = vector.shape_cast %select_n3A_1108 : vector<16xi32> to vector<16x1xi32>
        %gather3A_1110 = vector.shape_cast %broadcast_in_dim3A_1109 : vector<16x1xi32> to vector<16xi32>
        %gather3A_1111 = tpu.dynamic_gather %get3A_686[%gather3A_1110] in [0] : vector<16xi32>, vector<16xi32> -> vector<16xi32>
        %lt3A_1112 = arith.constant 0 : i32
        %lt3A_1113 = vector.broadcast %lt3A_1112 : i32 to vector<16xi32>
        %lt3A_1114 = arith.cmpi slt, %broadcast_in_dim3A_1101, %lt3A_1113 : vector<16xi32>
        %add3A_1115 = arith.constant 16 : i32
        %add3A_1116 = vector.broadcast %add3A_1115 : i32 to vector<16xi32>
        %add3A_1117 = arith.addi %broadcast_in_dim3A_1101, %add3A_1116 : vector<16xi32>
        %select_n3A_1118 = arith.select %lt3A_1114, %add3A_1117, %broadcast_in_dim3A_1101 : vector<16xi1>, vector<16xi32>
        %broadcast_in_dim3A_1119 = vector.shape_cast %select_n3A_1118 : vector<16xi32> to vector<16x1xi32>
        %gather3A_1120 = vector.shape_cast %broadcast_in_dim3A_1119 : vector<16x1xi32> to vector<16xi32>
        %gather3A_1121 = tpu.dynamic_gather %get3A_688[%gather3A_1120] in [0] : vector<16xf32>, vector<16xi32> -> vector<16xf32>
        %lt3A_1122 = arith.constant 0 : i32
        %lt3A_1123 = vector.broadcast %lt3A_1122 : i32 to vector<16xi32>
        %lt3A_1124 = arith.cmpi slt, %broadcast_in_dim3A_1101, %lt3A_1123 : vector<16xi32>
        %add3A_1125 = arith.constant 16 : i32
        %add3A_1126 = vector.broadcast %add3A_1125 : i32 to vector<16xi32>
        %add3A_1127 = arith.addi %broadcast_in_dim3A_1101, %add3A_1126 : vector<16xi32>
        %select_n3A_1128 = arith.select %lt3A_1124, %add3A_1127, %broadcast_in_dim3A_1101 : vector<16xi1>, vector<16xi32>
        %broadcast_in_dim3A_1129 = vector.shape_cast %select_n3A_1128 : vector<16xi32> to vector<16x1xi32>
        %gather3A_1130 = vector.shape_cast %broadcast_in_dim3A_1129 : vector<16x1xi32> to vector<16xi32>
        %gather3A_1131 = tpu.dynamic_gather %get3A_690[%gather3A_1130] in [0] : vector<16xf32>, vector<16xi32> -> vector<16xf32>
        %add3A_1132 = arith.constant 224 : i32
        %add3A_1133 = arith.addi %mul3A_694, %add3A_1132 : i32
        %add3A_1134 = vector.broadcast %add3A_1133 : i32 to vector<16xi32>
        %add3A_1135 = arith.addi %gather3A_1111, %add3A_1134 : vector<16xi32>
        %add3A_1136 = arith.addi %add3A_1135, %iota3A : vector<16xi32>
        %add3A_1137 = arith.constant 16 : i32
        %add3A_1138 = vector.broadcast %add3A_1137 : i32 to vector<16xi32>
        %add3A_1139 = arith.addi %add3A_1136, %add3A_1138 : vector<16xi32>
        %add3A_1140 = arith.constant 4096 : i32
        %add3A_1141 = vector.broadcast %add3A_1140 : i32 to vector<16xi32>
        %add3A_1142 = arith.addi %add3A_1136, %add3A_1141 : vector<16xi32>
        %add3A_1143 = arith.constant 4096 : i32
        %add3A_1144 = vector.broadcast %add3A_1143 : i32 to vector<16xi32>
        %add3A_1145 = arith.addi %add3A_1139, %add3A_1144 : vector<16xi32>
        %gather3A_1146 = tpu.vector_load_idx %arg7[%add3A_1136] : memref<102400xf32, #tpu.memory_space<vmem>>[vector<16xi32>], vector<16xf32>,
        %gather3A_1147 = tpu.vector_load_idx %arg7[%add3A_1139] : memref<102400xf32, #tpu.memory_space<vmem>>[vector<16xi32>], vector<16xf32>,
        %gather3A_1148 = tpu.vector_load_idx %arg7[%add3A_1142] : memref<102400xf32, #tpu.memory_space<vmem>>[vector<16xi32>], vector<16xf32>,
        %gather3A_1149 = tpu.vector_load_idx %arg7[%add3A_1145] : memref<102400xf32, #tpu.memory_space<vmem>>[vector<16xi32>], vector<16xf32>,
        %mul3A_1150 = arith.mulf %gather3A_1121, %gather3A_1146 : vector<16xf32>
        %add3A_1151 = arith.addf %add3A_1095, %mul3A_1150 : vector<16xf32>
        %mul3A_1152 = arith.mulf %gather3A_1131, %gather3A_1148 : vector<16xf32>
        %add3A_1153 = arith.addf %add3A_1151, %mul3A_1152 : vector<16xf32>
        %mul3A_1154 = arith.mulf %gather3A_1121, %gather3A_1147 : vector<16xf32>
        %add3A_1155 = arith.addf %add3A_1099, %mul3A_1154 : vector<16xf32>
        %mul3A_1156 = arith.mulf %gather3A_1131, %gather3A_1149 : vector<16xf32>
        %add3A_1157 = arith.addf %add3A_1155, %mul3A_1156 : vector<16xf32>
        %broadcast_in_dim3A_1158 = arith.constant 8 : i32
        %broadcast_in_dim3A_1159 = vector.broadcast %broadcast_in_dim3A_1158 : i32 to vector<16xi32>
        %lt3A_1160 = arith.constant 0 : i32
        %lt3A_1161 = vector.broadcast %lt3A_1160 : i32 to vector<16xi32>
        %lt3A_1162 = arith.cmpi slt, %broadcast_in_dim3A_1159, %lt3A_1161 : vector<16xi32>
        %add3A_1163 = arith.constant 16 : i32
        %add3A_1164 = vector.broadcast %add3A_1163 : i32 to vector<16xi32>
        %add3A_1165 = arith.addi %broadcast_in_dim3A_1159, %add3A_1164 : vector<16xi32>
        %select_n3A_1166 = arith.select %lt3A_1162, %add3A_1165, %broadcast_in_dim3A_1159 : vector<16xi1>, vector<16xi32>
        %broadcast_in_dim3A_1167 = vector.shape_cast %select_n3A_1166 : vector<16xi32> to vector<16x1xi32>
        %gather3A_1168 = vector.shape_cast %broadcast_in_dim3A_1167 : vector<16x1xi32> to vector<16xi32>
        %gather3A_1169 = tpu.dynamic_gather %get3A_686[%gather3A_1168] in [0] : vector<16xi32>, vector<16xi32> -> vector<16xi32>
        %lt3A_1170 = arith.constant 0 : i32
        %lt3A_1171 = vector.broadcast %lt3A_1170 : i32 to vector<16xi32>
        %lt3A_1172 = arith.cmpi slt, %broadcast_in_dim3A_1159, %lt3A_1171 : vector<16xi32>
        %add3A_1173 = arith.constant 16 : i32
        %add3A_1174 = vector.broadcast %add3A_1173 : i32 to vector<16xi32>
        %add3A_1175 = arith.addi %broadcast_in_dim3A_1159, %add3A_1174 : vector<16xi32>
        %select_n3A_1176 = arith.select %lt3A_1172, %add3A_1175, %broadcast_in_dim3A_1159 : vector<16xi1>, vector<16xi32>
        %broadcast_in_dim3A_1177 = vector.shape_cast %select_n3A_1176 : vector<16xi32> to vector<16x1xi32>
        %gather3A_1178 = vector.shape_cast %broadcast_in_dim3A_1177 : vector<16x1xi32> to vector<16xi32>
        %gather3A_1179 = tpu.dynamic_gather %get3A_688[%gather3A_1178] in [0] : vector<16xf32>, vector<16xi32> -> vector<16xf32>
        %lt3A_1180 = arith.constant 0 : i32
        %lt3A_1181 = vector.broadcast %lt3A_1180 : i32 to vector<16xi32>
        %lt3A_1182 = arith.cmpi slt, %broadcast_in_dim3A_1159, %lt3A_1181 : vector<16xi32>
        %add3A_1183 = arith.constant 16 : i32
        %add3A_1184 = vector.broadcast %add3A_1183 : i32 to vector<16xi32>
        %add3A_1185 = arith.addi %broadcast_in_dim3A_1159, %add3A_1184 : vector<16xi32>
        %select_n3A_1186 = arith.select %lt3A_1182, %add3A_1185, %broadcast_in_dim3A_1159 : vector<16xi1>, vector<16xi32>
        %broadcast_in_dim3A_1187 = vector.shape_cast %select_n3A_1186 : vector<16xi32> to vector<16x1xi32>
        %gather3A_1188 = vector.shape_cast %broadcast_in_dim3A_1187 : vector<16x1xi32> to vector<16xi32>
        %gather3A_1189 = tpu.dynamic_gather %get3A_690[%gather3A_1188] in [0] : vector<16xf32>, vector<16xi32> -> vector<16xf32>
        %add3A_1190 = arith.constant 256 : i32
        %add3A_1191 = arith.addi %mul3A_694, %add3A_1190 : i32
        %add3A_1192 = vector.broadcast %add3A_1191 : i32 to vector<16xi32>
        %add3A_1193 = arith.addi %gather3A_1169, %add3A_1192 : vector<16xi32>
        %add3A_1194 = arith.addi %add3A_1193, %iota3A : vector<16xi32>
        %add3A_1195 = arith.constant 16 : i32
        %add3A_1196 = vector.broadcast %add3A_1195 : i32 to vector<16xi32>
        %add3A_1197 = arith.addi %add3A_1194, %add3A_1196 : vector<16xi32>
        %add3A_1198 = arith.constant 4096 : i32
        %add3A_1199 = vector.broadcast %add3A_1198 : i32 to vector<16xi32>
        %add3A_1200 = arith.addi %add3A_1194, %add3A_1199 : vector<16xi32>
        %add3A_1201 = arith.constant 4096 : i32
        %add3A_1202 = vector.broadcast %add3A_1201 : i32 to vector<16xi32>
        %add3A_1203 = arith.addi %add3A_1197, %add3A_1202 : vector<16xi32>
        %gather3A_1204 = tpu.vector_load_idx %arg7[%add3A_1194] : memref<102400xf32, #tpu.memory_space<vmem>>[vector<16xi32>], vector<16xf32>,
        %gather3A_1205 = tpu.vector_load_idx %arg7[%add3A_1197] : memref<102400xf32, #tpu.memory_space<vmem>>[vector<16xi32>], vector<16xf32>,
        %gather3A_1206 = tpu.vector_load_idx %arg7[%add3A_1200] : memref<102400xf32, #tpu.memory_space<vmem>>[vector<16xi32>], vector<16xf32>,
        %gather3A_1207 = tpu.vector_load_idx %arg7[%add3A_1203] : memref<102400xf32, #tpu.memory_space<vmem>>[vector<16xi32>], vector<16xf32>,
        %mul3A_1208 = arith.mulf %gather3A_1179, %gather3A_1204 : vector<16xf32>
        %add3A_1209 = arith.addf %add3A_1153, %mul3A_1208 : vector<16xf32>
        %mul3A_1210 = arith.mulf %gather3A_1189, %gather3A_1206 : vector<16xf32>
        %add3A_1211 = arith.addf %add3A_1209, %mul3A_1210 : vector<16xf32>
        %mul3A_1212 = arith.mulf %gather3A_1179, %gather3A_1205 : vector<16xf32>
        %add3A_1213 = arith.addf %add3A_1157, %mul3A_1212 : vector<16xf32>
        %mul3A_1214 = arith.mulf %gather3A_1189, %gather3A_1207 : vector<16xf32>
        %add3A_1215 = arith.addf %add3A_1213, %mul3A_1214 : vector<16xf32>
        %broadcast_in_dim3A_1216 = arith.constant 9 : i32
        %broadcast_in_dim3A_1217 = vector.broadcast %broadcast_in_dim3A_1216 : i32 to vector<16xi32>
        %lt3A_1218 = arith.constant 0 : i32
        %lt3A_1219 = vector.broadcast %lt3A_1218 : i32 to vector<16xi32>
        %lt3A_1220 = arith.cmpi slt, %broadcast_in_dim3A_1217, %lt3A_1219 : vector<16xi32>
        %add3A_1221 = arith.constant 16 : i32
        %add3A_1222 = vector.broadcast %add3A_1221 : i32 to vector<16xi32>
        %add3A_1223 = arith.addi %broadcast_in_dim3A_1217, %add3A_1222 : vector<16xi32>
        %select_n3A_1224 = arith.select %lt3A_1220, %add3A_1223, %broadcast_in_dim3A_1217 : vector<16xi1>, vector<16xi32>
        %broadcast_in_dim3A_1225 = vector.shape_cast %select_n3A_1224 : vector<16xi32> to vector<16x1xi32>
        %gather3A_1226 = vector.shape_cast %broadcast_in_dim3A_1225 : vector<16x1xi32> to vector<16xi32>
        %gather3A_1227 = tpu.dynamic_gather %get3A_686[%gather3A_1226] in [0] : vector<16xi32>, vector<16xi32> -> vector<16xi32>
        %lt3A_1228 = arith.constant 0 : i32
        %lt3A_1229 = vector.broadcast %lt3A_1228 : i32 to vector<16xi32>
        %lt3A_1230 = arith.cmpi slt, %broadcast_in_dim3A_1217, %lt3A_1229 : vector<16xi32>
        %add3A_1231 = arith.constant 16 : i32
        %add3A_1232 = vector.broadcast %add3A_1231 : i32 to vector<16xi32>
        %add3A_1233 = arith.addi %broadcast_in_dim3A_1217, %add3A_1232 : vector<16xi32>
        %select_n3A_1234 = arith.select %lt3A_1230, %add3A_1233, %broadcast_in_dim3A_1217 : vector<16xi1>, vector<16xi32>
        %broadcast_in_dim3A_1235 = vector.shape_cast %select_n3A_1234 : vector<16xi32> to vector<16x1xi32>
        %gather3A_1236 = vector.shape_cast %broadcast_in_dim3A_1235 : vector<16x1xi32> to vector<16xi32>
        %gather3A_1237 = tpu.dynamic_gather %get3A_688[%gather3A_1236] in [0] : vector<16xf32>, vector<16xi32> -> vector<16xf32>
        %lt3A_1238 = arith.constant 0 : i32
        %lt3A_1239 = vector.broadcast %lt3A_1238 : i32 to vector<16xi32>
        %lt3A_1240 = arith.cmpi slt, %broadcast_in_dim3A_1217, %lt3A_1239 : vector<16xi32>
        %add3A_1241 = arith.constant 16 : i32
        %add3A_1242 = vector.broadcast %add3A_1241 : i32 to vector<16xi32>
        %add3A_1243 = arith.addi %broadcast_in_dim3A_1217, %add3A_1242 : vector<16xi32>
        %select_n3A_1244 = arith.select %lt3A_1240, %add3A_1243, %broadcast_in_dim3A_1217 : vector<16xi1>, vector<16xi32>
        %broadcast_in_dim3A_1245 = vector.shape_cast %select_n3A_1244 : vector<16xi32> to vector<16x1xi32>
        %gather3A_1246 = vector.shape_cast %broadcast_in_dim3A_1245 : vector<16x1xi32> to vector<16xi32>
        %gather3A_1247 = tpu.dynamic_gather %get3A_690[%gather3A_1246] in [0] : vector<16xf32>, vector<16xi32> -> vector<16xf32>
        %add3A_1248 = arith.constant 288 : i32
        %add3A_1249 = arith.addi %mul3A_694, %add3A_1248 : i32
        %add3A_1250 = vector.broadcast %add3A_1249 : i32 to vector<16xi32>
        %add3A_1251 = arith.addi %gather3A_1227, %add3A_1250 : vector<16xi32>
        %add3A_1252 = arith.addi %add3A_1251, %iota3A : vector<16xi32>
        %add3A_1253 = arith.constant 16 : i32
        %add3A_1254 = vector.broadcast %add3A_1253 : i32 to vector<16xi32>
        %add3A_1255 = arith.addi %add3A_1252, %add3A_1254 : vector<16xi32>
        %add3A_1256 = arith.constant 4096 : i32
        %add3A_1257 = vector.broadcast %add3A_1256 : i32 to vector<16xi32>
        %add3A_1258 = arith.addi %add3A_1252, %add3A_1257 : vector<16xi32>
        %add3A_1259 = arith.constant 4096 : i32
        %add3A_1260 = vector.broadcast %add3A_1259 : i32 to vector<16xi32>
        %add3A_1261 = arith.addi %add3A_1255, %add3A_1260 : vector<16xi32>
        %gather3A_1262 = tpu.vector_load_idx %arg7[%add3A_1252] : memref<102400xf32, #tpu.memory_space<vmem>>[vector<16xi32>], vector<16xf32>,
        %gather3A_1263 = tpu.vector_load_idx %arg7[%add3A_1255] : memref<102400xf32, #tpu.memory_space<vmem>>[vector<16xi32>], vector<16xf32>,
        %gather3A_1264 = tpu.vector_load_idx %arg7[%add3A_1258] : memref<102400xf32, #tpu.memory_space<vmem>>[vector<16xi32>], vector<16xf32>,
        %gather3A_1265 = tpu.vector_load_idx %arg7[%add3A_1261] : memref<102400xf32, #tpu.memory_space<vmem>>[vector<16xi32>], vector<16xf32>,
        %mul3A_1266 = arith.mulf %gather3A_1237, %gather3A_1262 : vector<16xf32>
        %add3A_1267 = arith.addf %add3A_1211, %mul3A_1266 : vector<16xf32>
        %mul3A_1268 = arith.mulf %gather3A_1247, %gather3A_1264 : vector<16xf32>
        %add3A_1269 = arith.addf %add3A_1267, %mul3A_1268 : vector<16xf32>
        %mul3A_1270 = arith.mulf %gather3A_1237, %gather3A_1263 : vector<16xf32>
        %add3A_1271 = arith.addf %add3A_1215, %mul3A_1270 : vector<16xf32>
        %mul3A_1272 = arith.mulf %gather3A_1247, %gather3A_1265 : vector<16xf32>
        %add3A_1273 = arith.addf %add3A_1271, %mul3A_1272 : vector<16xf32>
        %broadcast_in_dim3A_1274 = arith.constant 10 : i32
        %broadcast_in_dim3A_1275 = vector.broadcast %broadcast_in_dim3A_1274 : i32 to vector<16xi32>
        %lt3A_1276 = arith.constant 0 : i32
        %lt3A_1277 = vector.broadcast %lt3A_1276 : i32 to vector<16xi32>
        %lt3A_1278 = arith.cmpi slt, %broadcast_in_dim3A_1275, %lt3A_1277 : vector<16xi32>
        %add3A_1279 = arith.constant 16 : i32
        %add3A_1280 = vector.broadcast %add3A_1279 : i32 to vector<16xi32>
        %add3A_1281 = arith.addi %broadcast_in_dim3A_1275, %add3A_1280 : vector<16xi32>
        %select_n3A_1282 = arith.select %lt3A_1278, %add3A_1281, %broadcast_in_dim3A_1275 : vector<16xi1>, vector<16xi32>
        %broadcast_in_dim3A_1283 = vector.shape_cast %select_n3A_1282 : vector<16xi32> to vector<16x1xi32>
        %gather3A_1284 = vector.shape_cast %broadcast_in_dim3A_1283 : vector<16x1xi32> to vector<16xi32>
        %gather3A_1285 = tpu.dynamic_gather %get3A_686[%gather3A_1284] in [0] : vector<16xi32>, vector<16xi32> -> vector<16xi32>
        %lt3A_1286 = arith.constant 0 : i32
        %lt3A_1287 = vector.broadcast %lt3A_1286 : i32 to vector<16xi32>
        %lt3A_1288 = arith.cmpi slt, %broadcast_in_dim3A_1275, %lt3A_1287 : vector<16xi32>
        %add3A_1289 = arith.constant 16 : i32
        %add3A_1290 = vector.broadcast %add3A_1289 : i32 to vector<16xi32>
        %add3A_1291 = arith.addi %broadcast_in_dim3A_1275, %add3A_1290 : vector<16xi32>
        %select_n3A_1292 = arith.select %lt3A_1288, %add3A_1291, %broadcast_in_dim3A_1275 : vector<16xi1>, vector<16xi32>
        %broadcast_in_dim3A_1293 = vector.shape_cast %select_n3A_1292 : vector<16xi32> to vector<16x1xi32>
        %gather3A_1294 = vector.shape_cast %broadcast_in_dim3A_1293 : vector<16x1xi32> to vector<16xi32>
        %gather3A_1295 = tpu.dynamic_gather %get3A_688[%gather3A_1294] in [0] : vector<16xf32>, vector<16xi32> -> vector<16xf32>
        %lt3A_1296 = arith.constant 0 : i32
        %lt3A_1297 = vector.broadcast %lt3A_1296 : i32 to vector<16xi32>
        %lt3A_1298 = arith.cmpi slt, %broadcast_in_dim3A_1275, %lt3A_1297 : vector<16xi32>
        %add3A_1299 = arith.constant 16 : i32
        %add3A_1300 = vector.broadcast %add3A_1299 : i32 to vector<16xi32>
        %add3A_1301 = arith.addi %broadcast_in_dim3A_1275, %add3A_1300 : vector<16xi32>
        %select_n3A_1302 = arith.select %lt3A_1298, %add3A_1301, %broadcast_in_dim3A_1275 : vector<16xi1>, vector<16xi32>
        %broadcast_in_dim3A_1303 = vector.shape_cast %select_n3A_1302 : vector<16xi32> to vector<16x1xi32>
        %gather3A_1304 = vector.shape_cast %broadcast_in_dim3A_1303 : vector<16x1xi32> to vector<16xi32>
        %gather3A_1305 = tpu.dynamic_gather %get3A_690[%gather3A_1304] in [0] : vector<16xf32>, vector<16xi32> -> vector<16xf32>
        %add3A_1306 = arith.constant 320 : i32
        %add3A_1307 = arith.addi %mul3A_694, %add3A_1306 : i32
        %add3A_1308 = vector.broadcast %add3A_1307 : i32 to vector<16xi32>
        %add3A_1309 = arith.addi %gather3A_1285, %add3A_1308 : vector<16xi32>
        %add3A_1310 = arith.addi %add3A_1309, %iota3A : vector<16xi32>
        %add3A_1311 = arith.constant 16 : i32
        %add3A_1312 = vector.broadcast %add3A_1311 : i32 to vector<16xi32>
        %add3A_1313 = arith.addi %add3A_1310, %add3A_1312 : vector<16xi32>
        %add3A_1314 = arith.constant 4096 : i32
        %add3A_1315 = vector.broadcast %add3A_1314 : i32 to vector<16xi32>
        %add3A_1316 = arith.addi %add3A_1310, %add3A_1315 : vector<16xi32>
        %add3A_1317 = arith.constant 4096 : i32
        %add3A_1318 = vector.broadcast %add3A_1317 : i32 to vector<16xi32>
        %add3A_1319 = arith.addi %add3A_1313, %add3A_1318 : vector<16xi32>
        %gather3A_1320 = tpu.vector_load_idx %arg7[%add3A_1310] : memref<102400xf32, #tpu.memory_space<vmem>>[vector<16xi32>], vector<16xf32>,
        %gather3A_1321 = tpu.vector_load_idx %arg7[%add3A_1313] : memref<102400xf32, #tpu.memory_space<vmem>>[vector<16xi32>], vector<16xf32>,
        %gather3A_1322 = tpu.vector_load_idx %arg7[%add3A_1316] : memref<102400xf32, #tpu.memory_space<vmem>>[vector<16xi32>], vector<16xf32>,
        %gather3A_1323 = tpu.vector_load_idx %arg7[%add3A_1319] : memref<102400xf32, #tpu.memory_space<vmem>>[vector<16xi32>], vector<16xf32>,
        %mul3A_1324 = arith.mulf %gather3A_1295, %gather3A_1320 : vector<16xf32>
        %add3A_1325 = arith.addf %add3A_1269, %mul3A_1324 : vector<16xf32>
        %mul3A_1326 = arith.mulf %gather3A_1305, %gather3A_1322 : vector<16xf32>
        %add3A_1327 = arith.addf %add3A_1325, %mul3A_1326 : vector<16xf32>
        %mul3A_1328 = arith.mulf %gather3A_1295, %gather3A_1321 : vector<16xf32>
        %add3A_1329 = arith.addf %add3A_1273, %mul3A_1328 : vector<16xf32>
        %mul3A_1330 = arith.mulf %gather3A_1305, %gather3A_1323 : vector<16xf32>
        %add3A_1331 = arith.addf %add3A_1329, %mul3A_1330 : vector<16xf32>
        %broadcast_in_dim3A_1332 = arith.constant 11 : i32
        %broadcast_in_dim3A_1333 = vector.broadcast %broadcast_in_dim3A_1332 : i32 to vector<16xi32>
        %lt3A_1334 = arith.constant 0 : i32
        %lt3A_1335 = vector.broadcast %lt3A_1334 : i32 to vector<16xi32>
        %lt3A_1336 = arith.cmpi slt, %broadcast_in_dim3A_1333, %lt3A_1335 : vector<16xi32>
        %add3A_1337 = arith.constant 16 : i32
        %add3A_1338 = vector.broadcast %add3A_1337 : i32 to vector<16xi32>
        %add3A_1339 = arith.addi %broadcast_in_dim3A_1333, %add3A_1338 : vector<16xi32>
        %select_n3A_1340 = arith.select %lt3A_1336, %add3A_1339, %broadcast_in_dim3A_1333 : vector<16xi1>, vector<16xi32>
        %broadcast_in_dim3A_1341 = vector.shape_cast %select_n3A_1340 : vector<16xi32> to vector<16x1xi32>
        %gather3A_1342 = vector.shape_cast %broadcast_in_dim3A_1341 : vector<16x1xi32> to vector<16xi32>
        %gather3A_1343 = tpu.dynamic_gather %get3A_686[%gather3A_1342] in [0] : vector<16xi32>, vector<16xi32> -> vector<16xi32>
        %lt3A_1344 = arith.constant 0 : i32
        %lt3A_1345 = vector.broadcast %lt3A_1344 : i32 to vector<16xi32>
        %lt3A_1346 = arith.cmpi slt, %broadcast_in_dim3A_1333, %lt3A_1345 : vector<16xi32>
        %add3A_1347 = arith.constant 16 : i32
        %add3A_1348 = vector.broadcast %add3A_1347 : i32 to vector<16xi32>
        %add3A_1349 = arith.addi %broadcast_in_dim3A_1333, %add3A_1348 : vector<16xi32>
        %select_n3A_1350 = arith.select %lt3A_1346, %add3A_1349, %broadcast_in_dim3A_1333 : vector<16xi1>, vector<16xi32>
        %broadcast_in_dim3A_1351 = vector.shape_cast %select_n3A_1350 : vector<16xi32> to vector<16x1xi32>
        %gather3A_1352 = vector.shape_cast %broadcast_in_dim3A_1351 : vector<16x1xi32> to vector<16xi32>
        %gather3A_1353 = tpu.dynamic_gather %get3A_688[%gather3A_1352] in [0] : vector<16xf32>, vector<16xi32> -> vector<16xf32>
        %lt3A_1354 = arith.constant 0 : i32
        %lt3A_1355 = vector.broadcast %lt3A_1354 : i32 to vector<16xi32>
        %lt3A_1356 = arith.cmpi slt, %broadcast_in_dim3A_1333, %lt3A_1355 : vector<16xi32>
        %add3A_1357 = arith.constant 16 : i32
        %add3A_1358 = vector.broadcast %add3A_1357 : i32 to vector<16xi32>
        %add3A_1359 = arith.addi %broadcast_in_dim3A_1333, %add3A_1358 : vector<16xi32>
        %select_n3A_1360 = arith.select %lt3A_1356, %add3A_1359, %broadcast_in_dim3A_1333 : vector<16xi1>, vector<16xi32>
        %broadcast_in_dim3A_1361 = vector.shape_cast %select_n3A_1360 : vector<16xi32> to vector<16x1xi32>
        %gather3A_1362 = vector.shape_cast %broadcast_in_dim3A_1361 : vector<16x1xi32> to vector<16xi32>
        %gather3A_1363 = tpu.dynamic_gather %get3A_690[%gather3A_1362] in [0] : vector<16xf32>, vector<16xi32> -> vector<16xf32>
        %add3A_1364 = arith.constant 352 : i32
        %add3A_1365 = arith.addi %mul3A_694, %add3A_1364 : i32
        %add3A_1366 = vector.broadcast %add3A_1365 : i32 to vector<16xi32>
        %add3A_1367 = arith.addi %gather3A_1343, %add3A_1366 : vector<16xi32>
        %add3A_1368 = arith.addi %add3A_1367, %iota3A : vector<16xi32>
        %add3A_1369 = arith.constant 16 : i32
        %add3A_1370 = vector.broadcast %add3A_1369 : i32 to vector<16xi32>
        %add3A_1371 = arith.addi %add3A_1368, %add3A_1370 : vector<16xi32>
        %add3A_1372 = arith.constant 4096 : i32
        %add3A_1373 = vector.broadcast %add3A_1372 : i32 to vector<16xi32>
        %add3A_1374 = arith.addi %add3A_1368, %add3A_1373 : vector<16xi32>
        %add3A_1375 = arith.constant 4096 : i32
        %add3A_1376 = vector.broadcast %add3A_1375 : i32 to vector<16xi32>
        %add3A_1377 = arith.addi %add3A_1371, %add3A_1376 : vector<16xi32>
        %gather3A_1378 = tpu.vector_load_idx %arg7[%add3A_1368] : memref<102400xf32, #tpu.memory_space<vmem>>[vector<16xi32>], vector<16xf32>,
        %gather3A_1379 = tpu.vector_load_idx %arg7[%add3A_1371] : memref<102400xf32, #tpu.memory_space<vmem>>[vector<16xi32>], vector<16xf32>,
        %gather3A_1380 = tpu.vector_load_idx %arg7[%add3A_1374] : memref<102400xf32, #tpu.memory_space<vmem>>[vector<16xi32>], vector<16xf32>,
        %gather3A_1381 = tpu.vector_load_idx %arg7[%add3A_1377] : memref<102400xf32, #tpu.memory_space<vmem>>[vector<16xi32>], vector<16xf32>,
        %mul3A_1382 = arith.mulf %gather3A_1353, %gather3A_1378 : vector<16xf32>
        %add3A_1383 = arith.addf %add3A_1327, %mul3A_1382 : vector<16xf32>
        %mul3A_1384 = arith.mulf %gather3A_1363, %gather3A_1380 : vector<16xf32>
        %add3A_1385 = arith.addf %add3A_1383, %mul3A_1384 : vector<16xf32>
        %mul3A_1386 = arith.mulf %gather3A_1353, %gather3A_1379 : vector<16xf32>
        %add3A_1387 = arith.addf %add3A_1331, %mul3A_1386 : vector<16xf32>
        %mul3A_1388 = arith.mulf %gather3A_1363, %gather3A_1381 : vector<16xf32>
        %add3A_1389 = arith.addf %add3A_1387, %mul3A_1388 : vector<16xf32>
        %broadcast_in_dim3A_1390 = arith.constant 12 : i32
        %broadcast_in_dim3A_1391 = vector.broadcast %broadcast_in_dim3A_1390 : i32 to vector<16xi32>
        %lt3A_1392 = arith.constant 0 : i32
        %lt3A_1393 = vector.broadcast %lt3A_1392 : i32 to vector<16xi32>
        %lt3A_1394 = arith.cmpi slt, %broadcast_in_dim3A_1391, %lt3A_1393 : vector<16xi32>
        %add3A_1395 = arith.constant 16 : i32
        %add3A_1396 = vector.broadcast %add3A_1395 : i32 to vector<16xi32>
        %add3A_1397 = arith.addi %broadcast_in_dim3A_1391, %add3A_1396 : vector<16xi32>
        %select_n3A_1398 = arith.select %lt3A_1394, %add3A_1397, %broadcast_in_dim3A_1391 : vector<16xi1>, vector<16xi32>
        %broadcast_in_dim3A_1399 = vector.shape_cast %select_n3A_1398 : vector<16xi32> to vector<16x1xi32>
        %gather3A_1400 = vector.shape_cast %broadcast_in_dim3A_1399 : vector<16x1xi32> to vector<16xi32>
        %gather3A_1401 = tpu.dynamic_gather %get3A_686[%gather3A_1400] in [0] : vector<16xi32>, vector<16xi32> -> vector<16xi32>
        %lt3A_1402 = arith.constant 0 : i32
        %lt3A_1403 = vector.broadcast %lt3A_1402 : i32 to vector<16xi32>
        %lt3A_1404 = arith.cmpi slt, %broadcast_in_dim3A_1391, %lt3A_1403 : vector<16xi32>
        %add3A_1405 = arith.constant 16 : i32
        %add3A_1406 = vector.broadcast %add3A_1405 : i32 to vector<16xi32>
        %add3A_1407 = arith.addi %broadcast_in_dim3A_1391, %add3A_1406 : vector<16xi32>
        %select_n3A_1408 = arith.select %lt3A_1404, %add3A_1407, %broadcast_in_dim3A_1391 : vector<16xi1>, vector<16xi32>
        %broadcast_in_dim3A_1409 = vector.shape_cast %select_n3A_1408 : vector<16xi32> to vector<16x1xi32>
        %gather3A_1410 = vector.shape_cast %broadcast_in_dim3A_1409 : vector<16x1xi32> to vector<16xi32>
        %gather3A_1411 = tpu.dynamic_gather %get3A_688[%gather3A_1410] in [0] : vector<16xf32>, vector<16xi32> -> vector<16xf32>
        %lt3A_1412 = arith.constant 0 : i32
        %lt3A_1413 = vector.broadcast %lt3A_1412 : i32 to vector<16xi32>
        %lt3A_1414 = arith.cmpi slt, %broadcast_in_dim3A_1391, %lt3A_1413 : vector<16xi32>
        %add3A_1415 = arith.constant 16 : i32
        %add3A_1416 = vector.broadcast %add3A_1415 : i32 to vector<16xi32>
        %add3A_1417 = arith.addi %broadcast_in_dim3A_1391, %add3A_1416 : vector<16xi32>
        %select_n3A_1418 = arith.select %lt3A_1414, %add3A_1417, %broadcast_in_dim3A_1391 : vector<16xi1>, vector<16xi32>
        %broadcast_in_dim3A_1419 = vector.shape_cast %select_n3A_1418 : vector<16xi32> to vector<16x1xi32>
        %gather3A_1420 = vector.shape_cast %broadcast_in_dim3A_1419 : vector<16x1xi32> to vector<16xi32>
        %gather3A_1421 = tpu.dynamic_gather %get3A_690[%gather3A_1420] in [0] : vector<16xf32>, vector<16xi32> -> vector<16xf32>
        %add3A_1422 = arith.constant 384 : i32
        %add3A_1423 = arith.addi %mul3A_694, %add3A_1422 : i32
        %add3A_1424 = vector.broadcast %add3A_1423 : i32 to vector<16xi32>
        %add3A_1425 = arith.addi %gather3A_1401, %add3A_1424 : vector<16xi32>
        %add3A_1426 = arith.addi %add3A_1425, %iota3A : vector<16xi32>
        %add3A_1427 = arith.constant 16 : i32
        %add3A_1428 = vector.broadcast %add3A_1427 : i32 to vector<16xi32>
        %add3A_1429 = arith.addi %add3A_1426, %add3A_1428 : vector<16xi32>
        %add3A_1430 = arith.constant 4096 : i32
        %add3A_1431 = vector.broadcast %add3A_1430 : i32 to vector<16xi32>
        %add3A_1432 = arith.addi %add3A_1426, %add3A_1431 : vector<16xi32>
        %add3A_1433 = arith.constant 4096 : i32
        %add3A_1434 = vector.broadcast %add3A_1433 : i32 to vector<16xi32>
        %add3A_1435 = arith.addi %add3A_1429, %add3A_1434 : vector<16xi32>
        %gather3A_1436 = tpu.vector_load_idx %arg7[%add3A_1426] : memref<102400xf32, #tpu.memory_space<vmem>>[vector<16xi32>], vector<16xf32>,
        %gather3A_1437 = tpu.vector_load_idx %arg7[%add3A_1429] : memref<102400xf32, #tpu.memory_space<vmem>>[vector<16xi32>], vector<16xf32>,
        %gather3A_1438 = tpu.vector_load_idx %arg7[%add3A_1432] : memref<102400xf32, #tpu.memory_space<vmem>>[vector<16xi32>], vector<16xf32>,
        %gather3A_1439 = tpu.vector_load_idx %arg7[%add3A_1435] : memref<102400xf32, #tpu.memory_space<vmem>>[vector<16xi32>], vector<16xf32>,
        %mul3A_1440 = arith.mulf %gather3A_1411, %gather3A_1436 : vector<16xf32>
        %add3A_1441 = arith.addf %add3A_1385, %mul3A_1440 : vector<16xf32>
        %mul3A_1442 = arith.mulf %gather3A_1421, %gather3A_1438 : vector<16xf32>
        %add3A_1443 = arith.addf %add3A_1441, %mul3A_1442 : vector<16xf32>
        %mul3A_1444 = arith.mulf %gather3A_1411, %gather3A_1437 : vector<16xf32>
        %add3A_1445 = arith.addf %add3A_1389, %mul3A_1444 : vector<16xf32>
        %mul3A_1446 = arith.mulf %gather3A_1421, %gather3A_1439 : vector<16xf32>
        %add3A_1447 = arith.addf %add3A_1445, %mul3A_1446 : vector<16xf32>
        %broadcast_in_dim3A_1448 = arith.constant 13 : i32
        %broadcast_in_dim3A_1449 = vector.broadcast %broadcast_in_dim3A_1448 : i32 to vector<16xi32>
        %lt3A_1450 = arith.constant 0 : i32
        %lt3A_1451 = vector.broadcast %lt3A_1450 : i32 to vector<16xi32>
        %lt3A_1452 = arith.cmpi slt, %broadcast_in_dim3A_1449, %lt3A_1451 : vector<16xi32>
        %add3A_1453 = arith.constant 16 : i32
        %add3A_1454 = vector.broadcast %add3A_1453 : i32 to vector<16xi32>
        %add3A_1455 = arith.addi %broadcast_in_dim3A_1449, %add3A_1454 : vector<16xi32>
        %select_n3A_1456 = arith.select %lt3A_1452, %add3A_1455, %broadcast_in_dim3A_1449 : vector<16xi1>, vector<16xi32>
        %broadcast_in_dim3A_1457 = vector.shape_cast %select_n3A_1456 : vector<16xi32> to vector<16x1xi32>
        %gather3A_1458 = vector.shape_cast %broadcast_in_dim3A_1457 : vector<16x1xi32> to vector<16xi32>
        %gather3A_1459 = tpu.dynamic_gather %get3A_686[%gather3A_1458] in [0] : vector<16xi32>, vector<16xi32> -> vector<16xi32>
        %lt3A_1460 = arith.constant 0 : i32
        %lt3A_1461 = vector.broadcast %lt3A_1460 : i32 to vector<16xi32>
        %lt3A_1462 = arith.cmpi slt, %broadcast_in_dim3A_1449, %lt3A_1461 : vector<16xi32>
        %add3A_1463 = arith.constant 16 : i32
        %add3A_1464 = vector.broadcast %add3A_1463 : i32 to vector<16xi32>
        %add3A_1465 = arith.addi %broadcast_in_dim3A_1449, %add3A_1464 : vector<16xi32>
        %select_n3A_1466 = arith.select %lt3A_1462, %add3A_1465, %broadcast_in_dim3A_1449 : vector<16xi1>, vector<16xi32>
        %broadcast_in_dim3A_1467 = vector.shape_cast %select_n3A_1466 : vector<16xi32> to vector<16x1xi32>
        %gather3A_1468 = vector.shape_cast %broadcast_in_dim3A_1467 : vector<16x1xi32> to vector<16xi32>
        %gather3A_1469 = tpu.dynamic_gather %get3A_688[%gather3A_1468] in [0] : vector<16xf32>, vector<16xi32> -> vector<16xf32>
        %lt3A_1470 = arith.constant 0 : i32
        %lt3A_1471 = vector.broadcast %lt3A_1470 : i32 to vector<16xi32>
        %lt3A_1472 = arith.cmpi slt, %broadcast_in_dim3A_1449, %lt3A_1471 : vector<16xi32>
        %add3A_1473 = arith.constant 16 : i32
        %add3A_1474 = vector.broadcast %add3A_1473 : i32 to vector<16xi32>
        %add3A_1475 = arith.addi %broadcast_in_dim3A_1449, %add3A_1474 : vector<16xi32>
        %select_n3A_1476 = arith.select %lt3A_1472, %add3A_1475, %broadcast_in_dim3A_1449 : vector<16xi1>, vector<16xi32>
        %broadcast_in_dim3A_1477 = vector.shape_cast %select_n3A_1476 : vector<16xi32> to vector<16x1xi32>
        %gather3A_1478 = vector.shape_cast %broadcast_in_dim3A_1477 : vector<16x1xi32> to vector<16xi32>
        %gather3A_1479 = tpu.dynamic_gather %get3A_690[%gather3A_1478] in [0] : vector<16xf32>, vector<16xi32> -> vector<16xf32>
        %add3A_1480 = arith.constant 416 : i32
        %add3A_1481 = arith.addi %mul3A_694, %add3A_1480 : i32
        %add3A_1482 = vector.broadcast %add3A_1481 : i32 to vector<16xi32>
        %add3A_1483 = arith.addi %gather3A_1459, %add3A_1482 : vector<16xi32>
        %add3A_1484 = arith.addi %add3A_1483, %iota3A : vector<16xi32>
        %add3A_1485 = arith.constant 16 : i32
        %add3A_1486 = vector.broadcast %add3A_1485 : i32 to vector<16xi32>
        %add3A_1487 = arith.addi %add3A_1484, %add3A_1486 : vector<16xi32>
        %add3A_1488 = arith.constant 4096 : i32
        %add3A_1489 = vector.broadcast %add3A_1488 : i32 to vector<16xi32>
        %add3A_1490 = arith.addi %add3A_1484, %add3A_1489 : vector<16xi32>
        %add3A_1491 = arith.constant 4096 : i32
        %add3A_1492 = vector.broadcast %add3A_1491 : i32 to vector<16xi32>
        %add3A_1493 = arith.addi %add3A_1487, %add3A_1492 : vector<16xi32>
        %gather3A_1494 = tpu.vector_load_idx %arg7[%add3A_1484] : memref<102400xf32, #tpu.memory_space<vmem>>[vector<16xi32>], vector<16xf32>,
        %gather3A_1495 = tpu.vector_load_idx %arg7[%add3A_1487] : memref<102400xf32, #tpu.memory_space<vmem>>[vector<16xi32>], vector<16xf32>,
        %gather3A_1496 = tpu.vector_load_idx %arg7[%add3A_1490] : memref<102400xf32, #tpu.memory_space<vmem>>[vector<16xi32>], vector<16xf32>,
        %gather3A_1497 = tpu.vector_load_idx %arg7[%add3A_1493] : memref<102400xf32, #tpu.memory_space<vmem>>[vector<16xi32>], vector<16xf32>,
        %mul3A_1498 = arith.mulf %gather3A_1469, %gather3A_1494 : vector<16xf32>
        %add3A_1499 = arith.addf %add3A_1443, %mul3A_1498 : vector<16xf32>
        %mul3A_1500 = arith.mulf %gather3A_1479, %gather3A_1496 : vector<16xf32>
        %add3A_1501 = arith.addf %add3A_1499, %mul3A_1500 : vector<16xf32>
        %mul3A_1502 = arith.mulf %gather3A_1469, %gather3A_1495 : vector<16xf32>
        %add3A_1503 = arith.addf %add3A_1447, %mul3A_1502 : vector<16xf32>
        %mul3A_1504 = arith.mulf %gather3A_1479, %gather3A_1497 : vector<16xf32>
        %add3A_1505 = arith.addf %add3A_1503, %mul3A_1504 : vector<16xf32>
        %broadcast_in_dim3A_1506 = arith.constant 14 : i32
        %broadcast_in_dim3A_1507 = vector.broadcast %broadcast_in_dim3A_1506 : i32 to vector<16xi32>
        %lt3A_1508 = arith.constant 0 : i32
        %lt3A_1509 = vector.broadcast %lt3A_1508 : i32 to vector<16xi32>
        %lt3A_1510 = arith.cmpi slt, %broadcast_in_dim3A_1507, %lt3A_1509 : vector<16xi32>
        %add3A_1511 = arith.constant 16 : i32
        %add3A_1512 = vector.broadcast %add3A_1511 : i32 to vector<16xi32>
        %add3A_1513 = arith.addi %broadcast_in_dim3A_1507, %add3A_1512 : vector<16xi32>
        %select_n3A_1514 = arith.select %lt3A_1510, %add3A_1513, %broadcast_in_dim3A_1507 : vector<16xi1>, vector<16xi32>
        %broadcast_in_dim3A_1515 = vector.shape_cast %select_n3A_1514 : vector<16xi32> to vector<16x1xi32>
        %gather3A_1516 = vector.shape_cast %broadcast_in_dim3A_1515 : vector<16x1xi32> to vector<16xi32>
        %gather3A_1517 = tpu.dynamic_gather %get3A_686[%gather3A_1516] in [0] : vector<16xi32>, vector<16xi32> -> vector<16xi32>
        %lt3A_1518 = arith.constant 0 : i32
        %lt3A_1519 = vector.broadcast %lt3A_1518 : i32 to vector<16xi32>
        %lt3A_1520 = arith.cmpi slt, %broadcast_in_dim3A_1507, %lt3A_1519 : vector<16xi32>
        %add3A_1521 = arith.constant 16 : i32
        %add3A_1522 = vector.broadcast %add3A_1521 : i32 to vector<16xi32>
        %add3A_1523 = arith.addi %broadcast_in_dim3A_1507, %add3A_1522 : vector<16xi32>
        %select_n3A_1524 = arith.select %lt3A_1520, %add3A_1523, %broadcast_in_dim3A_1507 : vector<16xi1>, vector<16xi32>
        %broadcast_in_dim3A_1525 = vector.shape_cast %select_n3A_1524 : vector<16xi32> to vector<16x1xi32>
        %gather3A_1526 = vector.shape_cast %broadcast_in_dim3A_1525 : vector<16x1xi32> to vector<16xi32>
        %gather3A_1527 = tpu.dynamic_gather %get3A_688[%gather3A_1526] in [0] : vector<16xf32>, vector<16xi32> -> vector<16xf32>
        %lt3A_1528 = arith.constant 0 : i32
        %lt3A_1529 = vector.broadcast %lt3A_1528 : i32 to vector<16xi32>
        %lt3A_1530 = arith.cmpi slt, %broadcast_in_dim3A_1507, %lt3A_1529 : vector<16xi32>
        %add3A_1531 = arith.constant 16 : i32
        %add3A_1532 = vector.broadcast %add3A_1531 : i32 to vector<16xi32>
        %add3A_1533 = arith.addi %broadcast_in_dim3A_1507, %add3A_1532 : vector<16xi32>
        %select_n3A_1534 = arith.select %lt3A_1530, %add3A_1533, %broadcast_in_dim3A_1507 : vector<16xi1>, vector<16xi32>
        %broadcast_in_dim3A_1535 = vector.shape_cast %select_n3A_1534 : vector<16xi32> to vector<16x1xi32>
        %gather3A_1536 = vector.shape_cast %broadcast_in_dim3A_1535 : vector<16x1xi32> to vector<16xi32>
        %gather3A_1537 = tpu.dynamic_gather %get3A_690[%gather3A_1536] in [0] : vector<16xf32>, vector<16xi32> -> vector<16xf32>
        %add3A_1538 = arith.constant 448 : i32
        %add3A_1539 = arith.addi %mul3A_694, %add3A_1538 : i32
        %add3A_1540 = vector.broadcast %add3A_1539 : i32 to vector<16xi32>
        %add3A_1541 = arith.addi %gather3A_1517, %add3A_1540 : vector<16xi32>
        %add3A_1542 = arith.addi %add3A_1541, %iota3A : vector<16xi32>
        %add3A_1543 = arith.constant 16 : i32
        %add3A_1544 = vector.broadcast %add3A_1543 : i32 to vector<16xi32>
        %add3A_1545 = arith.addi %add3A_1542, %add3A_1544 : vector<16xi32>
        %add3A_1546 = arith.constant 4096 : i32
        %add3A_1547 = vector.broadcast %add3A_1546 : i32 to vector<16xi32>
        %add3A_1548 = arith.addi %add3A_1542, %add3A_1547 : vector<16xi32>
        %add3A_1549 = arith.constant 4096 : i32
        %add3A_1550 = vector.broadcast %add3A_1549 : i32 to vector<16xi32>
        %add3A_1551 = arith.addi %add3A_1545, %add3A_1550 : vector<16xi32>
        %gather3A_1552 = tpu.vector_load_idx %arg7[%add3A_1542] : memref<102400xf32, #tpu.memory_space<vmem>>[vector<16xi32>], vector<16xf32>,
        %gather3A_1553 = tpu.vector_load_idx %arg7[%add3A_1545] : memref<102400xf32, #tpu.memory_space<vmem>>[vector<16xi32>], vector<16xf32>,
        %gather3A_1554 = tpu.vector_load_idx %arg7[%add3A_1548] : memref<102400xf32, #tpu.memory_space<vmem>>[vector<16xi32>], vector<16xf32>,
        %gather3A_1555 = tpu.vector_load_idx %arg7[%add3A_1551] : memref<102400xf32, #tpu.memory_space<vmem>>[vector<16xi32>], vector<16xf32>,
        %mul3A_1556 = arith.mulf %gather3A_1527, %gather3A_1552 : vector<16xf32>
        %add3A_1557 = arith.addf %add3A_1501, %mul3A_1556 : vector<16xf32>
        %mul3A_1558 = arith.mulf %gather3A_1537, %gather3A_1554 : vector<16xf32>
        %add3A_1559 = arith.addf %add3A_1557, %mul3A_1558 : vector<16xf32>
        %mul3A_1560 = arith.mulf %gather3A_1527, %gather3A_1553 : vector<16xf32>
        %add3A_1561 = arith.addf %add3A_1505, %mul3A_1560 : vector<16xf32>
        %mul3A_1562 = arith.mulf %gather3A_1537, %gather3A_1555 : vector<16xf32>
        %add3A_1563 = arith.addf %add3A_1561, %mul3A_1562 : vector<16xf32>
        %broadcast_in_dim3A_1564 = arith.constant 15 : i32
        %broadcast_in_dim3A_1565 = vector.broadcast %broadcast_in_dim3A_1564 : i32 to vector<16xi32>
        %lt3A_1566 = arith.constant 0 : i32
        %lt3A_1567 = vector.broadcast %lt3A_1566 : i32 to vector<16xi32>
        %lt3A_1568 = arith.cmpi slt, %broadcast_in_dim3A_1565, %lt3A_1567 : vector<16xi32>
        %add3A_1569 = arith.constant 16 : i32
        %add3A_1570 = vector.broadcast %add3A_1569 : i32 to vector<16xi32>
        %add3A_1571 = arith.addi %broadcast_in_dim3A_1565, %add3A_1570 : vector<16xi32>
        %select_n3A_1572 = arith.select %lt3A_1568, %add3A_1571, %broadcast_in_dim3A_1565 : vector<16xi1>, vector<16xi32>
        %broadcast_in_dim3A_1573 = vector.shape_cast %select_n3A_1572 : vector<16xi32> to vector<16x1xi32>
        %gather3A_1574 = vector.shape_cast %broadcast_in_dim3A_1573 : vector<16x1xi32> to vector<16xi32>
        %gather3A_1575 = tpu.dynamic_gather %get3A_686[%gather3A_1574] in [0] : vector<16xi32>, vector<16xi32> -> vector<16xi32>
        %lt3A_1576 = arith.constant 0 : i32
        %lt3A_1577 = vector.broadcast %lt3A_1576 : i32 to vector<16xi32>
        %lt3A_1578 = arith.cmpi slt, %broadcast_in_dim3A_1565, %lt3A_1577 : vector<16xi32>
        %add3A_1579 = arith.constant 16 : i32
        %add3A_1580 = vector.broadcast %add3A_1579 : i32 to vector<16xi32>
        %add3A_1581 = arith.addi %broadcast_in_dim3A_1565, %add3A_1580 : vector<16xi32>
        %select_n3A_1582 = arith.select %lt3A_1578, %add3A_1581, %broadcast_in_dim3A_1565 : vector<16xi1>, vector<16xi32>
        %broadcast_in_dim3A_1583 = vector.shape_cast %select_n3A_1582 : vector<16xi32> to vector<16x1xi32>
        %gather3A_1584 = vector.shape_cast %broadcast_in_dim3A_1583 : vector<16x1xi32> to vector<16xi32>
        %gather3A_1585 = tpu.dynamic_gather %get3A_688[%gather3A_1584] in [0] : vector<16xf32>, vector<16xi32> -> vector<16xf32>
        %lt3A_1586 = arith.constant 0 : i32
        %lt3A_1587 = vector.broadcast %lt3A_1586 : i32 to vector<16xi32>
        %lt3A_1588 = arith.cmpi slt, %broadcast_in_dim3A_1565, %lt3A_1587 : vector<16xi32>
        %add3A_1589 = arith.constant 16 : i32
        %add3A_1590 = vector.broadcast %add3A_1589 : i32 to vector<16xi32>
        %add3A_1591 = arith.addi %broadcast_in_dim3A_1565, %add3A_1590 : vector<16xi32>
        %select_n3A_1592 = arith.select %lt3A_1588, %add3A_1591, %broadcast_in_dim3A_1565 : vector<16xi1>, vector<16xi32>
        %broadcast_in_dim3A_1593 = vector.shape_cast %select_n3A_1592 : vector<16xi32> to vector<16x1xi32>
        %gather3A_1594 = vector.shape_cast %broadcast_in_dim3A_1593 : vector<16x1xi32> to vector<16xi32>
        %gather3A_1595 = tpu.dynamic_gather %get3A_690[%gather3A_1594] in [0] : vector<16xf32>, vector<16xi32> -> vector<16xf32>
        %add3A_1596 = arith.constant 480 : i32
        %add3A_1597 = arith.addi %mul3A_694, %add3A_1596 : i32
        %add3A_1598 = vector.broadcast %add3A_1597 : i32 to vector<16xi32>
        %add3A_1599 = arith.addi %gather3A_1575, %add3A_1598 : vector<16xi32>
        %add3A_1600 = arith.addi %add3A_1599, %iota3A : vector<16xi32>
        %add3A_1601 = arith.constant 16 : i32
        %add3A_1602 = vector.broadcast %add3A_1601 : i32 to vector<16xi32>
        %add3A_1603 = arith.addi %add3A_1600, %add3A_1602 : vector<16xi32>
        %add3A_1604 = arith.constant 4096 : i32
        %add3A_1605 = vector.broadcast %add3A_1604 : i32 to vector<16xi32>
        %add3A_1606 = arith.addi %add3A_1600, %add3A_1605 : vector<16xi32>
        %add3A_1607 = arith.constant 4096 : i32
        %add3A_1608 = vector.broadcast %add3A_1607 : i32 to vector<16xi32>
        %add3A_1609 = arith.addi %add3A_1603, %add3A_1608 : vector<16xi32>
        %gather3A_1610 = tpu.vector_load_idx %arg7[%add3A_1600] : memref<102400xf32, #tpu.memory_space<vmem>>[vector<16xi32>], vector<16xf32>,
        %gather3A_1611 = tpu.vector_load_idx %arg7[%add3A_1603] : memref<102400xf32, #tpu.memory_space<vmem>>[vector<16xi32>], vector<16xf32>,
        %gather3A_1612 = tpu.vector_load_idx %arg7[%add3A_1606] : memref<102400xf32, #tpu.memory_space<vmem>>[vector<16xi32>], vector<16xf32>,
        %gather3A_1613 = tpu.vector_load_idx %arg7[%add3A_1609] : memref<102400xf32, #tpu.memory_space<vmem>>[vector<16xi32>], vector<16xf32>,
        %mul3A_1614 = arith.mulf %gather3A_1585, %gather3A_1610 : vector<16xf32>
        %add3A_1615 = arith.addf %add3A_1559, %mul3A_1614 : vector<16xf32>
        %mul3A_1616 = arith.mulf %gather3A_1595, %gather3A_1612 : vector<16xf32>
        %add3A_1617 = arith.addf %add3A_1615, %mul3A_1616 : vector<16xf32>
        %mul3A_1618 = arith.mulf %gather3A_1585, %gather3A_1611 : vector<16xf32>
        %add3A_1619 = arith.addf %add3A_1563, %mul3A_1618 : vector<16xf32>
        %mul3A_1620 = arith.mulf %gather3A_1595, %gather3A_1613 : vector<16xf32>
        %add3A_1621 = arith.addf %add3A_1619, %mul3A_1620 : vector<16xf32>
        scf.yield %add3A_1617, %add3A_1621 : vector<16xf32>, vector<16xf32>
      }
      %scan3A_670 = arith.constant 8 : i32
      %mul3A_671 = arith.constant 32 : i32
      %mul3A_672 = arith.muli %scan3A_407, %mul3A_671 : i32
      %swap3A_673 = arith.index_cast %mul3A_672 : i32 to index
      %swap3A_674 = tpu.vector_load %arg15[%swap3A_673] {strides = array<i32>} : memref<1024xf32, #tpu.memory_space<vmem>>, vector<16xf32>,
      tpu.vector_store %arg15[%swap3A_673], %scan3A_669#0 {strides = array<i32>} : memref<1024xf32, #tpu.memory_space<vmem>>, vector<16xf32>,
      %add3A_675 = arith.constant 16 : i32
      %add3A_676 = arith.addi %mul3A_672, %add3A_675 : i32
      %swap3A_677 = arith.index_cast %add3A_676 : i32 to index
      %swap3A_678 = tpu.vector_load %arg15[%swap3A_677] {strides = array<i32>} : memref<1024xf32, #tpu.memory_space<vmem>>, vector<16xf32>,
      tpu.vector_store %arg15[%swap3A_677], %scan3A_669#1 {strides = array<i32>} : memref<1024xf32, #tpu.memory_space<vmem>>, vector<16xf32>,
      %scan3A_679 = arith.constant 0 : i32
      scf.yield %scan3A_679 : i32
    }
    %scan3A_404 = arith.constant 32 : i32
    %mul3A_405 = arith.constant 32 : i32
    %mul3A_406 = arith.muli %mul3A_32, %mul3A_405 : i32
    "tpu.region"() ({
      %run_scoped3A = tpu.sem_alloc : memref<!tpu.dma_semaphore, #tpu.memory_space<semaphore_mem>>
      %dma_start3A_407 = tpu.memref_slice %arg6[%select_n3A, %mul3A_406] : memref<8x4096xf32, #tpu.memory_space<hbm>> -> memref<1x1024xf32, #tpu.memory_space<hbm>>
      %dma_start3A_408 = tpu.memref_squeeze %dma_start3A_407 : memref<1x1024xf32, #tpu.memory_space<hbm>> -> memref<1024xf32, #tpu.memory_space<hbm>>
      %dma_start3A_409 = tpu.memref_slice %arg6[%select_n3A, %mul3A_406] : memref<8x4096xf32, #tpu.memory_space<hbm>> -> memref<1x1024xf32, #tpu.memory_space<hbm>>
      %dma_start3A_410 = tpu.memref_squeeze %dma_start3A_409 : memref<1x1024xf32, #tpu.memory_space<hbm>> -> memref<1024xf32, #tpu.memory_space<hbm>>
      tpu.enqueue_dma source(%arg15 : memref<1024xf32, #tpu.memory_space<vmem>>) target(%dma_start3A_410 : memref<1024xf32, #tpu.memory_space<hbm>>) target_semaphore(%run_scoped3A : memref<!tpu.dma_semaphore, #tpu.memory_space<semaphore_mem>>)
      %dma_wait3A_411 = tpu.memref_slice %arg6[%select_n3A, %mul3A_406] : memref<8x4096xf32, #tpu.memory_space<hbm>> -> memref<1x1024xf32, #tpu.memory_space<hbm>>
      %dma_wait3A_412 = tpu.memref_squeeze %dma_wait3A_411 : memref<1x1024xf32, #tpu.memory_space<hbm>> -> memref<1024xf32, #tpu.memory_space<hbm>>
      %dma_wait3A_413 = tpu.memref_slice %arg6[%select_n3A, %mul3A_406] : memref<8x4096xf32, #tpu.memory_space<hbm>> -> memref<1x1024xf32, #tpu.memory_space<hbm>>
      %dma_wait3A_414 = tpu.memref_squeeze %dma_wait3A_413 : memref<1x1024xf32, #tpu.memory_space<hbm>> -> memref<1024xf32, #tpu.memory_space<hbm>>
      tpu.wait_dma2 semaphore(%run_scoped3A : memref<!tpu.dma_semaphore, #tpu.memory_space<semaphore_mem>>) src(%arg15 : memref<1024xf32, #tpu.memory_space<vmem>>) dst(%dma_wait3A_414 : memref<1024xf32, #tpu.memory_space<hbm>>)
      tpu.yield
    }) : () -> ()
    return
  }
}

module attributes {stable_mosaic.version = 14 : i64} {
  func.func @_tc_body(%arg0: i32, %arg1: memref<1x25x128x32xf32, #tpu.memory_space<vmem>>, %arg2: memref<1x128x128xf32, #tpu.memory_space<vmem>>, %arg3: memref<128x128xf32, #tpu.memory_space<vmem>>, %arg4: memref<1x128x32xf32, #tpu.memory_space<vmem>>) attributes {dimension_semantics = [#tpu.dimension_semantics<arbitrary>], iteration_bounds = array<i64: 24>, scalar_prefetch = 0 : i64, scratch_operands = 0 : i64, tpu.core_type = #tpu.core_type<tc>, window_params = [{transform_indices = @transform_0, window_bounds = array<i64: 1, 25, 128, 32>}, {transform_indices = @transform_1, window_bounds = array<i64: 1, 128, 128>}, {pipeline_mode = #tpu.pipeline_mode<synchronous>, transform_indices = @transform_2, window_bounds = array<i64: 128, 128>}, {transform_indices = @transform_3, window_bounds = array<i64: 1, 128, 32>}]} {
    %get3A = arith.constant 0 : index
    %get3A_0 = arith.constant 21 : index
    %get3A_1 = arith.constant 0 : index
    %get3A_2 = arith.constant 10 : index
    %get3A_3 = vector.load %arg1[%get3A, %get3A_0, %get3A_1, %get3A_2] : memref<1x25x128x32xf32, #tpu.memory_space<vmem>>, vector<1x4x128x1xf32>
    %get3A_4 = vector.shape_cast %get3A_3 : vector<1x4x128x1xf32> to vector<4x128xf32>
    %reduce_sum3A = arith.constant dense<0.000000e+00> : vector<128xf32>
    %reduce_sum3A_5 = vector.multi_reduction <add>, %get3A_4, %reduce_sum3A [0] : vector<4x128xf32> to vector<128xf32>
    %div3A = arith.constant 4.000000e+00 : f32
    %div3A_6 = vector.broadcast %div3A : f32 to vector<128xf32>
    %div3A_7 = arith.divf %reduce_sum3A_5, %div3A_6 : vector<128xf32>
    %mul3A = arith.constant 1.800000e+00 : f32
    %mul3A_8 = vector.broadcast %mul3A : f32 to vector<128xf32>
    %mul3A_9 = arith.mulf %div3A_7, %mul3A_8 : vector<128xf32>
    %add3A = arith.constant 2.500000e+00 : f32
    %add3A_10 = vector.broadcast %add3A : f32 to vector<128xf32>
    %add3A_11 = arith.addf %mul3A_9, %add3A_10 : vector<128xf32>
    %jit3A = arith.constant 0.000000e+00 : f32
    %max3A = vector.broadcast %jit3A : f32 to vector<128xf32>
    %max3A_12 = arith.maximumf %max3A, %add3A_11 : vector<128xf32>
    %mul3A_13 = arith.constant 3.600000e+00 : f32
    %mul3A_14 = vector.broadcast %mul3A_13 : f32 to vector<128xf32>
    %mul3A_15 = arith.mulf %max3A_12, %mul3A_14 : vector<128xf32>
    %add3A_16 = arith.constant 1.000000e-03 : f32
    %add3A_17 = vector.broadcast %add3A_16 : f32 to vector<128xf32>
    %add3A_18 = arith.addf %mul3A_15, %add3A_17 : vector<128xf32>
    %get3A_19 = arith.constant 0 : index
    %get3A_20 = arith.constant 0 : index
    %get3A_21 = vector.load %arg3[%get3A_19, %get3A_20] : memref<128x128xf32, #tpu.memory_space<vmem>>, vector<128x128xf32>
    %broadcast_in_dim3A = vector.shape_cast %add3A_18 : vector<128xf32> to vector<1x128xf32>
    %div3A_22 = vector.broadcast %broadcast_in_dim3A : vector<1x128xf32> to vector<128x128xf32>
    %div3A_23 = arith.divf %get3A_21, %div3A_22 : vector<128x128xf32>
    %jit3A_24 = arith.constant 0.000000e+00 : f32
    %jit3A_25 = arith.constant 2.400000e+01 : f32
    %max3A_26 = vector.broadcast %jit3A_24 : f32 to vector<128x128xf32>
    %max3A_27 = arith.maximumf %max3A_26, %div3A_23 : vector<128x128xf32>
    %min3A = vector.broadcast %jit3A_25 : f32 to vector<128x128xf32>
    %min3A_28 = arith.minimumf %min3A, %max3A_27 : vector<128x128xf32>
    %sub3A = arith.constant 2.400000e+01 : f32
    %sub3A_29 = vector.broadcast %sub3A : f32 to vector<128x128xf32>
    %sub3A_30 = arith.subf %sub3A_29, %min3A_28 : vector<128x128xf32>
    %get3A_31 = arith.constant 0 : index
    %get3A_32 = arith.constant 0 : index
    %get3A_33 = arith.constant 0 : index
    %get3A_34 = vector.load %arg2[%get3A_31, %get3A_32, %get3A_33] : memref<1x128x128xf32, #tpu.memory_space<vmem>>, vector<1x128x128xf32>
    %get3A_35 = vector.shape_cast %get3A_34 : vector<1x128x128xf32> to vector<128x128xf32>
    %broadcast_in_dim3A_36 = arith.constant 0.000000e+00 : f32
    %broadcast_in_dim3A_37 = vector.broadcast %broadcast_in_dim3A_36 : f32 to vector<128x32xf32>
    %sub3A_38 = arith.constant 0.000000e+00 : f32
    %sub3A_39 = vector.broadcast %sub3A_38 : f32 to vector<128x128xf32>
    %sub3A_40 = arith.subf %sub3A_39, %sub3A_30 : vector<128x128xf32>
    %abs3A = math.absf %sub3A_40 : vector<128x128xf32>
    %sub3A_41 = arith.constant 1.000000e+00 : f32
    %sub3A_42 = vector.broadcast %sub3A_41 : f32 to vector<128x128xf32>
    %sub3A_43 = arith.subf %sub3A_42, %abs3A : vector<128x128xf32>
    %max3A_44 = arith.constant 0.000000e+00 : f32
    %max3A_45 = vector.broadcast %max3A_44 : f32 to vector<128x128xf32>
    %max3A_46 = arith.maximumf %max3A_45, %sub3A_43 : vector<128x128xf32>
    %mul3A_47 = arith.mulf %get3A_35, %max3A_46 : vector<128x128xf32>
    %get3A_48 = arith.constant 0 : index
    %get3A_49 = arith.constant 0 : index
    %get3A_50 = arith.constant 0 : index
    %get3A_51 = arith.constant 0 : index
    %get3A_52 = vector.load %arg1[%get3A_48, %get3A_49, %get3A_50, %get3A_51] : memref<1x25x128x32xf32, #tpu.memory_space<vmem>>, vector<1x1x128x32xf32>
    %get3A_53 = vector.shape_cast %get3A_52 : vector<1x1x128x32xf32> to vector<128x32xf32>
    %dot_general3A = arith.constant dense<0.000000e+00> : vector<128x32xf32>
    %dot_general3A_54 = tpu.matmul %mul3A_47, %get3A_53, %dot_general3A {dimension_numbers = #tpu.dot_dimension_numbers<[1], [0], [0], [1], [0, 0, 1, 1], [], []>, transpose_lhs_hint = false} : vector<128x128xf32>, vector<128x32xf32>, vector<128x32xf32> -> vector<128x32xf32>
    %add3A_55 = arith.addf %broadcast_in_dim3A_37, %dot_general3A_54 : vector<128x32xf32>
    %sub3A_56 = arith.constant 1.000000e+00 : f32
    %sub3A_57 = vector.broadcast %sub3A_56 : f32 to vector<128x128xf32>
    %sub3A_58 = arith.subf %sub3A_57, %sub3A_30 : vector<128x128xf32>
    %abs3A_59 = math.absf %sub3A_58 : vector<128x128xf32>
    %sub3A_60 = arith.constant 1.000000e+00 : f32
    %sub3A_61 = vector.broadcast %sub3A_60 : f32 to vector<128x128xf32>
    %sub3A_62 = arith.subf %sub3A_61, %abs3A_59 : vector<128x128xf32>
    %max3A_63 = arith.constant 0.000000e+00 : f32
    %max3A_64 = vector.broadcast %max3A_63 : f32 to vector<128x128xf32>
    %max3A_65 = arith.maximumf %max3A_64, %sub3A_62 : vector<128x128xf32>
    %mul3A_66 = arith.mulf %get3A_35, %max3A_65 : vector<128x128xf32>
    %get3A_67 = arith.constant 0 : index
    %get3A_68 = arith.constant 1 : index
    %get3A_69 = arith.constant 0 : index
    %get3A_70 = arith.constant 0 : index
    %get3A_71 = vector.load %arg1[%get3A_67, %get3A_68, %get3A_69, %get3A_70] : memref<1x25x128x32xf32, #tpu.memory_space<vmem>>, vector<1x1x128x32xf32>
    %get3A_72 = vector.shape_cast %get3A_71 : vector<1x1x128x32xf32> to vector<128x32xf32>
    %dot_general3A_73 = arith.constant dense<0.000000e+00> : vector<128x32xf32>
    %dot_general3A_74 = tpu.matmul %mul3A_66, %get3A_72, %dot_general3A_73 {dimension_numbers = #tpu.dot_dimension_numbers<[1], [0], [0], [1], [0, 0, 1, 1], [], []>, transpose_lhs_hint = false} : vector<128x128xf32>, vector<128x32xf32>, vector<128x32xf32> -> vector<128x32xf32>
    %add3A_75 = arith.addf %add3A_55, %dot_general3A_74 : vector<128x32xf32>
    %sub3A_76 = arith.constant 2.000000e+00 : f32
    %sub3A_77 = vector.broadcast %sub3A_76 : f32 to vector<128x128xf32>
    %sub3A_78 = arith.subf %sub3A_77, %sub3A_30 : vector<128x128xf32>
    %abs3A_79 = math.absf %sub3A_78 : vector<128x128xf32>
    %sub3A_80 = arith.constant 1.000000e+00 : f32
    %sub3A_81 = vector.broadcast %sub3A_80 : f32 to vector<128x128xf32>
    %sub3A_82 = arith.subf %sub3A_81, %abs3A_79 : vector<128x128xf32>
    %max3A_83 = arith.constant 0.000000e+00 : f32
    %max3A_84 = vector.broadcast %max3A_83 : f32 to vector<128x128xf32>
    %max3A_85 = arith.maximumf %max3A_84, %sub3A_82 : vector<128x128xf32>
    %mul3A_86 = arith.mulf %get3A_35, %max3A_85 : vector<128x128xf32>
    %get3A_87 = arith.constant 0 : index
    %get3A_88 = arith.constant 2 : index
    %get3A_89 = arith.constant 0 : index
    %get3A_90 = arith.constant 0 : index
    %get3A_91 = vector.load %arg1[%get3A_87, %get3A_88, %get3A_89, %get3A_90] : memref<1x25x128x32xf32, #tpu.memory_space<vmem>>, vector<1x1x128x32xf32>
    %get3A_92 = vector.shape_cast %get3A_91 : vector<1x1x128x32xf32> to vector<128x32xf32>
    %dot_general3A_93 = arith.constant dense<0.000000e+00> : vector<128x32xf32>
    %dot_general3A_94 = tpu.matmul %mul3A_86, %get3A_92, %dot_general3A_93 {dimension_numbers = #tpu.dot_dimension_numbers<[1], [0], [0], [1], [0, 0, 1, 1], [], []>, transpose_lhs_hint = false} : vector<128x128xf32>, vector<128x32xf32>, vector<128x32xf32> -> vector<128x32xf32>
    %add3A_95 = arith.addf %add3A_75, %dot_general3A_94 : vector<128x32xf32>
    %sub3A_96 = arith.constant 3.000000e+00 : f32
    %sub3A_97 = vector.broadcast %sub3A_96 : f32 to vector<128x128xf32>
    %sub3A_98 = arith.subf %sub3A_97, %sub3A_30 : vector<128x128xf32>
    %abs3A_99 = math.absf %sub3A_98 : vector<128x128xf32>
    %sub3A_100 = arith.constant 1.000000e+00 : f32
    %sub3A_101 = vector.broadcast %sub3A_100 : f32 to vector<128x128xf32>
    %sub3A_102 = arith.subf %sub3A_101, %abs3A_99 : vector<128x128xf32>
    %max3A_103 = arith.constant 0.000000e+00 : f32
    %max3A_104 = vector.broadcast %max3A_103 : f32 to vector<128x128xf32>
    %max3A_105 = arith.maximumf %max3A_104, %sub3A_102 : vector<128x128xf32>
    %mul3A_106 = arith.mulf %get3A_35, %max3A_105 : vector<128x128xf32>
    %get3A_107 = arith.constant 0 : index
    %get3A_108 = arith.constant 3 : index
    %get3A_109 = arith.constant 0 : index
    %get3A_110 = arith.constant 0 : index
    %get3A_111 = vector.load %arg1[%get3A_107, %get3A_108, %get3A_109, %get3A_110] : memref<1x25x128x32xf32, #tpu.memory_space<vmem>>, vector<1x1x128x32xf32>
    %get3A_112 = vector.shape_cast %get3A_111 : vector<1x1x128x32xf32> to vector<128x32xf32>
    %dot_general3A_113 = arith.constant dense<0.000000e+00> : vector<128x32xf32>
    %dot_general3A_114 = tpu.matmul %mul3A_106, %get3A_112, %dot_general3A_113 {dimension_numbers = #tpu.dot_dimension_numbers<[1], [0], [0], [1], [0, 0, 1, 1], [], []>, transpose_lhs_hint = false} : vector<128x128xf32>, vector<128x32xf32>, vector<128x32xf32> -> vector<128x32xf32>
    %add3A_115 = arith.addf %add3A_95, %dot_general3A_114 : vector<128x32xf32>
    %sub3A_116 = arith.constant 4.000000e+00 : f32
    %sub3A_117 = vector.broadcast %sub3A_116 : f32 to vector<128x128xf32>
    %sub3A_118 = arith.subf %sub3A_117, %sub3A_30 : vector<128x128xf32>
    %abs3A_119 = math.absf %sub3A_118 : vector<128x128xf32>
    %sub3A_120 = arith.constant 1.000000e+00 : f32
    %sub3A_121 = vector.broadcast %sub3A_120 : f32 to vector<128x128xf32>
    %sub3A_122 = arith.subf %sub3A_121, %abs3A_119 : vector<128x128xf32>
    %max3A_123 = arith.constant 0.000000e+00 : f32
    %max3A_124 = vector.broadcast %max3A_123 : f32 to vector<128x128xf32>
    %max3A_125 = arith.maximumf %max3A_124, %sub3A_122 : vector<128x128xf32>
    %mul3A_126 = arith.mulf %get3A_35, %max3A_125 : vector<128x128xf32>
    %get3A_127 = arith.constant 0 : index
    %get3A_128 = arith.constant 4 : index
    %get3A_129 = arith.constant 0 : index
    %get3A_130 = arith.constant 0 : index
    %get3A_131 = vector.load %arg1[%get3A_127, %get3A_128, %get3A_129, %get3A_130] : memref<1x25x128x32xf32, #tpu.memory_space<vmem>>, vector<1x1x128x32xf32>
    %get3A_132 = vector.shape_cast %get3A_131 : vector<1x1x128x32xf32> to vector<128x32xf32>
    %dot_general3A_133 = arith.constant dense<0.000000e+00> : vector<128x32xf32>
    %dot_general3A_134 = tpu.matmul %mul3A_126, %get3A_132, %dot_general3A_133 {dimension_numbers = #tpu.dot_dimension_numbers<[1], [0], [0], [1], [0, 0, 1, 1], [], []>, transpose_lhs_hint = false} : vector<128x128xf32>, vector<128x32xf32>, vector<128x32xf32> -> vector<128x32xf32>
    %add3A_135 = arith.addf %add3A_115, %dot_general3A_134 : vector<128x32xf32>
    %sub3A_136 = arith.constant 5.000000e+00 : f32
    %sub3A_137 = vector.broadcast %sub3A_136 : f32 to vector<128x128xf32>
    %sub3A_138 = arith.subf %sub3A_137, %sub3A_30 : vector<128x128xf32>
    %abs3A_139 = math.absf %sub3A_138 : vector<128x128xf32>
    %sub3A_140 = arith.constant 1.000000e+00 : f32
    %sub3A_141 = vector.broadcast %sub3A_140 : f32 to vector<128x128xf32>
    %sub3A_142 = arith.subf %sub3A_141, %abs3A_139 : vector<128x128xf32>
    %max3A_143 = arith.constant 0.000000e+00 : f32
    %max3A_144 = vector.broadcast %max3A_143 : f32 to vector<128x128xf32>
    %max3A_145 = arith.maximumf %max3A_144, %sub3A_142 : vector<128x128xf32>
    %mul3A_146 = arith.mulf %get3A_35, %max3A_145 : vector<128x128xf32>
    %get3A_147 = arith.constant 0 : index
    %get3A_148 = arith.constant 5 : index
    %get3A_149 = arith.constant 0 : index
    %get3A_150 = arith.constant 0 : index
    %get3A_151 = vector.load %arg1[%get3A_147, %get3A_148, %get3A_149, %get3A_150] : memref<1x25x128x32xf32, #tpu.memory_space<vmem>>, vector<1x1x128x32xf32>
    %get3A_152 = vector.shape_cast %get3A_151 : vector<1x1x128x32xf32> to vector<128x32xf32>
    %dot_general3A_153 = arith.constant dense<0.000000e+00> : vector<128x32xf32>
    %dot_general3A_154 = tpu.matmul %mul3A_146, %get3A_152, %dot_general3A_153 {dimension_numbers = #tpu.dot_dimension_numbers<[1], [0], [0], [1], [0, 0, 1, 1], [], []>, transpose_lhs_hint = false} : vector<128x128xf32>, vector<128x32xf32>, vector<128x32xf32> -> vector<128x32xf32>
    %add3A_155 = arith.addf %add3A_135, %dot_general3A_154 : vector<128x32xf32>
    %sub3A_156 = arith.constant 6.000000e+00 : f32
    %sub3A_157 = vector.broadcast %sub3A_156 : f32 to vector<128x128xf32>
    %sub3A_158 = arith.subf %sub3A_157, %sub3A_30 : vector<128x128xf32>
    %abs3A_159 = math.absf %sub3A_158 : vector<128x128xf32>
    %sub3A_160 = arith.constant 1.000000e+00 : f32
    %sub3A_161 = vector.broadcast %sub3A_160 : f32 to vector<128x128xf32>
    %sub3A_162 = arith.subf %sub3A_161, %abs3A_159 : vector<128x128xf32>
    %max3A_163 = arith.constant 0.000000e+00 : f32
    %max3A_164 = vector.broadcast %max3A_163 : f32 to vector<128x128xf32>
    %max3A_165 = arith.maximumf %max3A_164, %sub3A_162 : vector<128x128xf32>
    %mul3A_166 = arith.mulf %get3A_35, %max3A_165 : vector<128x128xf32>
    %get3A_167 = arith.constant 0 : index
    %get3A_168 = arith.constant 6 : index
    %get3A_169 = arith.constant 0 : index
    %get3A_170 = arith.constant 0 : index
    %get3A_171 = vector.load %arg1[%get3A_167, %get3A_168, %get3A_169, %get3A_170] : memref<1x25x128x32xf32, #tpu.memory_space<vmem>>, vector<1x1x128x32xf32>
    %get3A_172 = vector.shape_cast %get3A_171 : vector<1x1x128x32xf32> to vector<128x32xf32>
    %dot_general3A_173 = arith.constant dense<0.000000e+00> : vector<128x32xf32>
    %dot_general3A_174 = tpu.matmul %mul3A_166, %get3A_172, %dot_general3A_173 {dimension_numbers = #tpu.dot_dimension_numbers<[1], [0], [0], [1], [0, 0, 1, 1], [], []>, transpose_lhs_hint = false} : vector<128x128xf32>, vector<128x32xf32>, vector<128x32xf32> -> vector<128x32xf32>
    %add3A_175 = arith.addf %add3A_155, %dot_general3A_174 : vector<128x32xf32>
    %sub3A_176 = arith.constant 7.000000e+00 : f32
    %sub3A_177 = vector.broadcast %sub3A_176 : f32 to vector<128x128xf32>
    %sub3A_178 = arith.subf %sub3A_177, %sub3A_30 : vector<128x128xf32>
    %abs3A_179 = math.absf %sub3A_178 : vector<128x128xf32>
    %sub3A_180 = arith.constant 1.000000e+00 : f32
    %sub3A_181 = vector.broadcast %sub3A_180 : f32 to vector<128x128xf32>
    %sub3A_182 = arith.subf %sub3A_181, %abs3A_179 : vector<128x128xf32>
    %max3A_183 = arith.constant 0.000000e+00 : f32
    %max3A_184 = vector.broadcast %max3A_183 : f32 to vector<128x128xf32>
    %max3A_185 = arith.maximumf %max3A_184, %sub3A_182 : vector<128x128xf32>
    %mul3A_186 = arith.mulf %get3A_35, %max3A_185 : vector<128x128xf32>
    %get3A_187 = arith.constant 0 : index
    %get3A_188 = arith.constant 7 : index
    %get3A_189 = arith.constant 0 : index
    %get3A_190 = arith.constant 0 : index
    %get3A_191 = vector.load %arg1[%get3A_187, %get3A_188, %get3A_189, %get3A_190] : memref<1x25x128x32xf32, #tpu.memory_space<vmem>>, vector<1x1x128x32xf32>
    %get3A_192 = vector.shape_cast %get3A_191 : vector<1x1x128x32xf32> to vector<128x32xf32>
    %dot_general3A_193 = arith.constant dense<0.000000e+00> : vector<128x32xf32>
    %dot_general3A_194 = tpu.matmul %mul3A_186, %get3A_192, %dot_general3A_193 {dimension_numbers = #tpu.dot_dimension_numbers<[1], [0], [0], [1], [0, 0, 1, 1], [], []>, transpose_lhs_hint = false} : vector<128x128xf32>, vector<128x32xf32>, vector<128x32xf32> -> vector<128x32xf32>
    %add3A_195 = arith.addf %add3A_175, %dot_general3A_194 : vector<128x32xf32>
    %sub3A_196 = arith.constant 8.000000e+00 : f32
    %sub3A_197 = vector.broadcast %sub3A_196 : f32 to vector<128x128xf32>
    %sub3A_198 = arith.subf %sub3A_197, %sub3A_30 : vector<128x128xf32>
    %abs3A_199 = math.absf %sub3A_198 : vector<128x128xf32>
    %sub3A_200 = arith.constant 1.000000e+00 : f32
    %sub3A_201 = vector.broadcast %sub3A_200 : f32 to vector<128x128xf32>
    %sub3A_202 = arith.subf %sub3A_201, %abs3A_199 : vector<128x128xf32>
    %max3A_203 = arith.constant 0.000000e+00 : f32
    %max3A_204 = vector.broadcast %max3A_203 : f32 to vector<128x128xf32>
    %max3A_205 = arith.maximumf %max3A_204, %sub3A_202 : vector<128x128xf32>
    %mul3A_206 = arith.mulf %get3A_35, %max3A_205 : vector<128x128xf32>
    %get3A_207 = arith.constant 0 : index
    %get3A_208 = arith.constant 8 : index
    %get3A_209 = arith.constant 0 : index
    %get3A_210 = arith.constant 0 : index
    %get3A_211 = vector.load %arg1[%get3A_207, %get3A_208, %get3A_209, %get3A_210] : memref<1x25x128x32xf32, #tpu.memory_space<vmem>>, vector<1x1x128x32xf32>
    %get3A_212 = vector.shape_cast %get3A_211 : vector<1x1x128x32xf32> to vector<128x32xf32>
    %dot_general3A_213 = arith.constant dense<0.000000e+00> : vector<128x32xf32>
    %dot_general3A_214 = tpu.matmul %mul3A_206, %get3A_212, %dot_general3A_213 {dimension_numbers = #tpu.dot_dimension_numbers<[1], [0], [0], [1], [0, 0, 1, 1], [], []>, transpose_lhs_hint = false} : vector<128x128xf32>, vector<128x32xf32>, vector<128x32xf32> -> vector<128x32xf32>
    %add3A_215 = arith.addf %add3A_195, %dot_general3A_214 : vector<128x32xf32>
    %sub3A_216 = arith.constant 9.000000e+00 : f32
    %sub3A_217 = vector.broadcast %sub3A_216 : f32 to vector<128x128xf32>
    %sub3A_218 = arith.subf %sub3A_217, %sub3A_30 : vector<128x128xf32>
    %abs3A_219 = math.absf %sub3A_218 : vector<128x128xf32>
    %sub3A_220 = arith.constant 1.000000e+00 : f32
    %sub3A_221 = vector.broadcast %sub3A_220 : f32 to vector<128x128xf32>
    %sub3A_222 = arith.subf %sub3A_221, %abs3A_219 : vector<128x128xf32>
    %max3A_223 = arith.constant 0.000000e+00 : f32
    %max3A_224 = vector.broadcast %max3A_223 : f32 to vector<128x128xf32>
    %max3A_225 = arith.maximumf %max3A_224, %sub3A_222 : vector<128x128xf32>
    %mul3A_226 = arith.mulf %get3A_35, %max3A_225 : vector<128x128xf32>
    %get3A_227 = arith.constant 0 : index
    %get3A_228 = arith.constant 9 : index
    %get3A_229 = arith.constant 0 : index
    %get3A_230 = arith.constant 0 : index
    %get3A_231 = vector.load %arg1[%get3A_227, %get3A_228, %get3A_229, %get3A_230] : memref<1x25x128x32xf32, #tpu.memory_space<vmem>>, vector<1x1x128x32xf32>
    %get3A_232 = vector.shape_cast %get3A_231 : vector<1x1x128x32xf32> to vector<128x32xf32>
    %dot_general3A_233 = arith.constant dense<0.000000e+00> : vector<128x32xf32>
    %dot_general3A_234 = tpu.matmul %mul3A_226, %get3A_232, %dot_general3A_233 {dimension_numbers = #tpu.dot_dimension_numbers<[1], [0], [0], [1], [0, 0, 1, 1], [], []>, transpose_lhs_hint = false} : vector<128x128xf32>, vector<128x32xf32>, vector<128x32xf32> -> vector<128x32xf32>
    %add3A_235 = arith.addf %add3A_215, %dot_general3A_234 : vector<128x32xf32>
    %sub3A_236 = arith.constant 1.000000e+01 : f32
    %sub3A_237 = vector.broadcast %sub3A_236 : f32 to vector<128x128xf32>
    %sub3A_238 = arith.subf %sub3A_237, %sub3A_30 : vector<128x128xf32>
    %abs3A_239 = math.absf %sub3A_238 : vector<128x128xf32>
    %sub3A_240 = arith.constant 1.000000e+00 : f32
    %sub3A_241 = vector.broadcast %sub3A_240 : f32 to vector<128x128xf32>
    %sub3A_242 = arith.subf %sub3A_241, %abs3A_239 : vector<128x128xf32>
    %max3A_243 = arith.constant 0.000000e+00 : f32
    %max3A_244 = vector.broadcast %max3A_243 : f32 to vector<128x128xf32>
    %max3A_245 = arith.maximumf %max3A_244, %sub3A_242 : vector<128x128xf32>
    %mul3A_246 = arith.mulf %get3A_35, %max3A_245 : vector<128x128xf32>
    %get3A_247 = arith.constant 0 : index
    %get3A_248 = arith.constant 10 : index
    %get3A_249 = arith.constant 0 : index
    %get3A_250 = arith.constant 0 : index
    %get3A_251 = vector.load %arg1[%get3A_247, %get3A_248, %get3A_249, %get3A_250] : memref<1x25x128x32xf32, #tpu.memory_space<vmem>>, vector<1x1x128x32xf32>
    %get3A_252 = vector.shape_cast %get3A_251 : vector<1x1x128x32xf32> to vector<128x32xf32>
    %dot_general3A_253 = arith.constant dense<0.000000e+00> : vector<128x32xf32>
    %dot_general3A_254 = tpu.matmul %mul3A_246, %get3A_252, %dot_general3A_253 {dimension_numbers = #tpu.dot_dimension_numbers<[1], [0], [0], [1], [0, 0, 1, 1], [], []>, transpose_lhs_hint = false} : vector<128x128xf32>, vector<128x32xf32>, vector<128x32xf32> -> vector<128x32xf32>
    %add3A_255 = arith.addf %add3A_235, %dot_general3A_254 : vector<128x32xf32>
    %sub3A_256 = arith.constant 1.100000e+01 : f32
    %sub3A_257 = vector.broadcast %sub3A_256 : f32 to vector<128x128xf32>
    %sub3A_258 = arith.subf %sub3A_257, %sub3A_30 : vector<128x128xf32>
    %abs3A_259 = math.absf %sub3A_258 : vector<128x128xf32>
    %sub3A_260 = arith.constant 1.000000e+00 : f32
    %sub3A_261 = vector.broadcast %sub3A_260 : f32 to vector<128x128xf32>
    %sub3A_262 = arith.subf %sub3A_261, %abs3A_259 : vector<128x128xf32>
    %max3A_263 = arith.constant 0.000000e+00 : f32
    %max3A_264 = vector.broadcast %max3A_263 : f32 to vector<128x128xf32>
    %max3A_265 = arith.maximumf %max3A_264, %sub3A_262 : vector<128x128xf32>
    %mul3A_266 = arith.mulf %get3A_35, %max3A_265 : vector<128x128xf32>
    %get3A_267 = arith.constant 0 : index
    %get3A_268 = arith.constant 11 : index
    %get3A_269 = arith.constant 0 : index
    %get3A_270 = arith.constant 0 : index
    %get3A_271 = vector.load %arg1[%get3A_267, %get3A_268, %get3A_269, %get3A_270] : memref<1x25x128x32xf32, #tpu.memory_space<vmem>>, vector<1x1x128x32xf32>
    %get3A_272 = vector.shape_cast %get3A_271 : vector<1x1x128x32xf32> to vector<128x32xf32>
    %dot_general3A_273 = arith.constant dense<0.000000e+00> : vector<128x32xf32>
    %dot_general3A_274 = tpu.matmul %mul3A_266, %get3A_272, %dot_general3A_273 {dimension_numbers = #tpu.dot_dimension_numbers<[1], [0], [0], [1], [0, 0, 1, 1], [], []>, transpose_lhs_hint = false} : vector<128x128xf32>, vector<128x32xf32>, vector<128x32xf32> -> vector<128x32xf32>
    %add3A_275 = arith.addf %add3A_255, %dot_general3A_274 : vector<128x32xf32>
    %sub3A_276 = arith.constant 1.200000e+01 : f32
    %sub3A_277 = vector.broadcast %sub3A_276 : f32 to vector<128x128xf32>
    %sub3A_278 = arith.subf %sub3A_277, %sub3A_30 : vector<128x128xf32>
    %abs3A_279 = math.absf %sub3A_278 : vector<128x128xf32>
    %sub3A_280 = arith.constant 1.000000e+00 : f32
    %sub3A_281 = vector.broadcast %sub3A_280 : f32 to vector<128x128xf32>
    %sub3A_282 = arith.subf %sub3A_281, %abs3A_279 : vector<128x128xf32>
    %max3A_283 = arith.constant 0.000000e+00 : f32
    %max3A_284 = vector.broadcast %max3A_283 : f32 to vector<128x128xf32>
    %max3A_285 = arith.maximumf %max3A_284, %sub3A_282 : vector<128x128xf32>
    %mul3A_286 = arith.mulf %get3A_35, %max3A_285 : vector<128x128xf32>
    %get3A_287 = arith.constant 0 : index
    %get3A_288 = arith.constant 12 : index
    %get3A_289 = arith.constant 0 : index
    %get3A_290 = arith.constant 0 : index
    %get3A_291 = vector.load %arg1[%get3A_287, %get3A_288, %get3A_289, %get3A_290] : memref<1x25x128x32xf32, #tpu.memory_space<vmem>>, vector<1x1x128x32xf32>
    %get3A_292 = vector.shape_cast %get3A_291 : vector<1x1x128x32xf32> to vector<128x32xf32>
    %dot_general3A_293 = arith.constant dense<0.000000e+00> : vector<128x32xf32>
    %dot_general3A_294 = tpu.matmul %mul3A_286, %get3A_292, %dot_general3A_293 {dimension_numbers = #tpu.dot_dimension_numbers<[1], [0], [0], [1], [0, 0, 1, 1], [], []>, transpose_lhs_hint = false} : vector<128x128xf32>, vector<128x32xf32>, vector<128x32xf32> -> vector<128x32xf32>
    %add3A_295 = arith.addf %add3A_275, %dot_general3A_294 : vector<128x32xf32>
    %sub3A_296 = arith.constant 1.300000e+01 : f32
    %sub3A_297 = vector.broadcast %sub3A_296 : f32 to vector<128x128xf32>
    %sub3A_298 = arith.subf %sub3A_297, %sub3A_30 : vector<128x128xf32>
    %abs3A_299 = math.absf %sub3A_298 : vector<128x128xf32>
    %sub3A_300 = arith.constant 1.000000e+00 : f32
    %sub3A_301 = vector.broadcast %sub3A_300 : f32 to vector<128x128xf32>
    %sub3A_302 = arith.subf %sub3A_301, %abs3A_299 : vector<128x128xf32>
    %max3A_303 = arith.constant 0.000000e+00 : f32
    %max3A_304 = vector.broadcast %max3A_303 : f32 to vector<128x128xf32>
    %max3A_305 = arith.maximumf %max3A_304, %sub3A_302 : vector<128x128xf32>
    %mul3A_306 = arith.mulf %get3A_35, %max3A_305 : vector<128x128xf32>
    %get3A_307 = arith.constant 0 : index
    %get3A_308 = arith.constant 13 : index
    %get3A_309 = arith.constant 0 : index
    %get3A_310 = arith.constant 0 : index
    %get3A_311 = vector.load %arg1[%get3A_307, %get3A_308, %get3A_309, %get3A_310] : memref<1x25x128x32xf32, #tpu.memory_space<vmem>>, vector<1x1x128x32xf32>
    %get3A_312 = vector.shape_cast %get3A_311 : vector<1x1x128x32xf32> to vector<128x32xf32>
    %dot_general3A_313 = arith.constant dense<0.000000e+00> : vector<128x32xf32>
    %dot_general3A_314 = tpu.matmul %mul3A_306, %get3A_312, %dot_general3A_313 {dimension_numbers = #tpu.dot_dimension_numbers<[1], [0], [0], [1], [0, 0, 1, 1], [], []>, transpose_lhs_hint = false} : vector<128x128xf32>, vector<128x32xf32>, vector<128x32xf32> -> vector<128x32xf32>
    %add3A_315 = arith.addf %add3A_295, %dot_general3A_314 : vector<128x32xf32>
    %sub3A_316 = arith.constant 1.400000e+01 : f32
    %sub3A_317 = vector.broadcast %sub3A_316 : f32 to vector<128x128xf32>
    %sub3A_318 = arith.subf %sub3A_317, %sub3A_30 : vector<128x128xf32>
    %abs3A_319 = math.absf %sub3A_318 : vector<128x128xf32>
    %sub3A_320 = arith.constant 1.000000e+00 : f32
    %sub3A_321 = vector.broadcast %sub3A_320 : f32 to vector<128x128xf32>
    %sub3A_322 = arith.subf %sub3A_321, %abs3A_319 : vector<128x128xf32>
    %max3A_323 = arith.constant 0.000000e+00 : f32
    %max3A_324 = vector.broadcast %max3A_323 : f32 to vector<128x128xf32>
    %max3A_325 = arith.maximumf %max3A_324, %sub3A_322 : vector<128x128xf32>
    %mul3A_326 = arith.mulf %get3A_35, %max3A_325 : vector<128x128xf32>
    %get3A_327 = arith.constant 0 : index
    %get3A_328 = arith.constant 14 : index
    %get3A_329 = arith.constant 0 : index
    %get3A_330 = arith.constant 0 : index
    %get3A_331 = vector.load %arg1[%get3A_327, %get3A_328, %get3A_329, %get3A_330] : memref<1x25x128x32xf32, #tpu.memory_space<vmem>>, vector<1x1x128x32xf32>
    %get3A_332 = vector.shape_cast %get3A_331 : vector<1x1x128x32xf32> to vector<128x32xf32>
    %dot_general3A_333 = arith.constant dense<0.000000e+00> : vector<128x32xf32>
    %dot_general3A_334 = tpu.matmul %mul3A_326, %get3A_332, %dot_general3A_333 {dimension_numbers = #tpu.dot_dimension_numbers<[1], [0], [0], [1], [0, 0, 1, 1], [], []>, transpose_lhs_hint = false} : vector<128x128xf32>, vector<128x32xf32>, vector<128x32xf32> -> vector<128x32xf32>
    %add3A_335 = arith.addf %add3A_315, %dot_general3A_334 : vector<128x32xf32>
    %sub3A_336 = arith.constant 1.500000e+01 : f32
    %sub3A_337 = vector.broadcast %sub3A_336 : f32 to vector<128x128xf32>
    %sub3A_338 = arith.subf %sub3A_337, %sub3A_30 : vector<128x128xf32>
    %abs3A_339 = math.absf %sub3A_338 : vector<128x128xf32>
    %sub3A_340 = arith.constant 1.000000e+00 : f32
    %sub3A_341 = vector.broadcast %sub3A_340 : f32 to vector<128x128xf32>
    %sub3A_342 = arith.subf %sub3A_341, %abs3A_339 : vector<128x128xf32>
    %max3A_343 = arith.constant 0.000000e+00 : f32
    %max3A_344 = vector.broadcast %max3A_343 : f32 to vector<128x128xf32>
    %max3A_345 = arith.maximumf %max3A_344, %sub3A_342 : vector<128x128xf32>
    %mul3A_346 = arith.mulf %get3A_35, %max3A_345 : vector<128x128xf32>
    %get3A_347 = arith.constant 0 : index
    %get3A_348 = arith.constant 15 : index
    %get3A_349 = arith.constant 0 : index
    %get3A_350 = arith.constant 0 : index
    %get3A_351 = vector.load %arg1[%get3A_347, %get3A_348, %get3A_349, %get3A_350] : memref<1x25x128x32xf32, #tpu.memory_space<vmem>>, vector<1x1x128x32xf32>
    %get3A_352 = vector.shape_cast %get3A_351 : vector<1x1x128x32xf32> to vector<128x32xf32>
    %dot_general3A_353 = arith.constant dense<0.000000e+00> : vector<128x32xf32>
    %dot_general3A_354 = tpu.matmul %mul3A_346, %get3A_352, %dot_general3A_353 {dimension_numbers = #tpu.dot_dimension_numbers<[1], [0], [0], [1], [0, 0, 1, 1], [], []>, transpose_lhs_hint = false} : vector<128x128xf32>, vector<128x32xf32>, vector<128x32xf32> -> vector<128x32xf32>
    %add3A_355 = arith.addf %add3A_335, %dot_general3A_354 : vector<128x32xf32>
    %sub3A_356 = arith.constant 1.600000e+01 : f32
    %sub3A_357 = vector.broadcast %sub3A_356 : f32 to vector<128x128xf32>
    %sub3A_358 = arith.subf %sub3A_357, %sub3A_30 : vector<128x128xf32>
    %abs3A_359 = math.absf %sub3A_358 : vector<128x128xf32>
    %sub3A_360 = arith.constant 1.000000e+00 : f32
    %sub3A_361 = vector.broadcast %sub3A_360 : f32 to vector<128x128xf32>
    %sub3A_362 = arith.subf %sub3A_361, %abs3A_359 : vector<128x128xf32>
    %max3A_363 = arith.constant 0.000000e+00 : f32
    %max3A_364 = vector.broadcast %max3A_363 : f32 to vector<128x128xf32>
    %max3A_365 = arith.maximumf %max3A_364, %sub3A_362 : vector<128x128xf32>
    %mul3A_366 = arith.mulf %get3A_35, %max3A_365 : vector<128x128xf32>
    %get3A_367 = arith.constant 0 : index
    %get3A_368 = arith.constant 16 : index
    %get3A_369 = arith.constant 0 : index
    %get3A_370 = arith.constant 0 : index
    %get3A_371 = vector.load %arg1[%get3A_367, %get3A_368, %get3A_369, %get3A_370] : memref<1x25x128x32xf32, #tpu.memory_space<vmem>>, vector<1x1x128x32xf32>
    %get3A_372 = vector.shape_cast %get3A_371 : vector<1x1x128x32xf32> to vector<128x32xf32>
    %dot_general3A_373 = arith.constant dense<0.000000e+00> : vector<128x32xf32>
    %dot_general3A_374 = tpu.matmul %mul3A_366, %get3A_372, %dot_general3A_373 {dimension_numbers = #tpu.dot_dimension_numbers<[1], [0], [0], [1], [0, 0, 1, 1], [], []>, transpose_lhs_hint = false} : vector<128x128xf32>, vector<128x32xf32>, vector<128x32xf32> -> vector<128x32xf32>
    %add3A_375 = arith.addf %add3A_355, %dot_general3A_374 : vector<128x32xf32>
    %sub3A_376 = arith.constant 1.700000e+01 : f32
    %sub3A_377 = vector.broadcast %sub3A_376 : f32 to vector<128x128xf32>
    %sub3A_378 = arith.subf %sub3A_377, %sub3A_30 : vector<128x128xf32>
    %abs3A_379 = math.absf %sub3A_378 : vector<128x128xf32>
    %sub3A_380 = arith.constant 1.000000e+00 : f32
    %sub3A_381 = vector.broadcast %sub3A_380 : f32 to vector<128x128xf32>
    %sub3A_382 = arith.subf %sub3A_381, %abs3A_379 : vector<128x128xf32>
    %max3A_383 = arith.constant 0.000000e+00 : f32
    %max3A_384 = vector.broadcast %max3A_383 : f32 to vector<128x128xf32>
    %max3A_385 = arith.maximumf %max3A_384, %sub3A_382 : vector<128x128xf32>
    %mul3A_386 = arith.mulf %get3A_35, %max3A_385 : vector<128x128xf32>
    %get3A_387 = arith.constant 0 : index
    %get3A_388 = arith.constant 17 : index
    %get3A_389 = arith.constant 0 : index
    %get3A_390 = arith.constant 0 : index
    %get3A_391 = vector.load %arg1[%get3A_387, %get3A_388, %get3A_389, %get3A_390] : memref<1x25x128x32xf32, #tpu.memory_space<vmem>>, vector<1x1x128x32xf32>
    %get3A_392 = vector.shape_cast %get3A_391 : vector<1x1x128x32xf32> to vector<128x32xf32>
    %dot_general3A_393 = arith.constant dense<0.000000e+00> : vector<128x32xf32>
    %dot_general3A_394 = tpu.matmul %mul3A_386, %get3A_392, %dot_general3A_393 {dimension_numbers = #tpu.dot_dimension_numbers<[1], [0], [0], [1], [0, 0, 1, 1], [], []>, transpose_lhs_hint = false} : vector<128x128xf32>, vector<128x32xf32>, vector<128x32xf32> -> vector<128x32xf32>
    %add3A_395 = arith.addf %add3A_375, %dot_general3A_394 : vector<128x32xf32>
    %sub3A_396 = arith.constant 1.800000e+01 : f32
    %sub3A_397 = vector.broadcast %sub3A_396 : f32 to vector<128x128xf32>
    %sub3A_398 = arith.subf %sub3A_397, %sub3A_30 : vector<128x128xf32>
    %abs3A_399 = math.absf %sub3A_398 : vector<128x128xf32>
    %sub3A_400 = arith.constant 1.000000e+00 : f32
    %sub3A_401 = vector.broadcast %sub3A_400 : f32 to vector<128x128xf32>
    %sub3A_402 = arith.subf %sub3A_401, %abs3A_399 : vector<128x128xf32>
    %max3A_403 = arith.constant 0.000000e+00 : f32
    %max3A_404 = vector.broadcast %max3A_403 : f32 to vector<128x128xf32>
    %max3A_405 = arith.maximumf %max3A_404, %sub3A_402 : vector<128x128xf32>
    %mul3A_406 = arith.mulf %get3A_35, %max3A_405 : vector<128x128xf32>
    %get3A_407 = arith.constant 0 : index
    %get3A_408 = arith.constant 18 : index
    %get3A_409 = arith.constant 0 : index
    %get3A_410 = arith.constant 0 : index
    %get3A_411 = vector.load %arg1[%get3A_407, %get3A_408, %get3A_409, %get3A_410] : memref<1x25x128x32xf32, #tpu.memory_space<vmem>>, vector<1x1x128x32xf32>
    %get3A_412 = vector.shape_cast %get3A_411 : vector<1x1x128x32xf32> to vector<128x32xf32>
    %dot_general3A_413 = arith.constant dense<0.000000e+00> : vector<128x32xf32>
    %dot_general3A_414 = tpu.matmul %mul3A_406, %get3A_412, %dot_general3A_413 {dimension_numbers = #tpu.dot_dimension_numbers<[1], [0], [0], [1], [0, 0, 1, 1], [], []>, transpose_lhs_hint = false} : vector<128x128xf32>, vector<128x32xf32>, vector<128x32xf32> -> vector<128x32xf32>
    %add3A_415 = arith.addf %add3A_395, %dot_general3A_414 : vector<128x32xf32>
    %sub3A_416 = arith.constant 1.900000e+01 : f32
    %sub3A_417 = vector.broadcast %sub3A_416 : f32 to vector<128x128xf32>
    %sub3A_418 = arith.subf %sub3A_417, %sub3A_30 : vector<128x128xf32>
    %abs3A_419 = math.absf %sub3A_418 : vector<128x128xf32>
    %sub3A_420 = arith.constant 1.000000e+00 : f32
    %sub3A_421 = vector.broadcast %sub3A_420 : f32 to vector<128x128xf32>
    %sub3A_422 = arith.subf %sub3A_421, %abs3A_419 : vector<128x128xf32>
    %max3A_423 = arith.constant 0.000000e+00 : f32
    %max3A_424 = vector.broadcast %max3A_423 : f32 to vector<128x128xf32>
    %max3A_425 = arith.maximumf %max3A_424, %sub3A_422 : vector<128x128xf32>
    %mul3A_426 = arith.mulf %get3A_35, %max3A_425 : vector<128x128xf32>
    %get3A_427 = arith.constant 0 : index
    %get3A_428 = arith.constant 19 : index
    %get3A_429 = arith.constant 0 : index
    %get3A_430 = arith.constant 0 : index
    %get3A_431 = vector.load %arg1[%get3A_427, %get3A_428, %get3A_429, %get3A_430] : memref<1x25x128x32xf32, #tpu.memory_space<vmem>>, vector<1x1x128x32xf32>
    %get3A_432 = vector.shape_cast %get3A_431 : vector<1x1x128x32xf32> to vector<128x32xf32>
    %dot_general3A_433 = arith.constant dense<0.000000e+00> : vector<128x32xf32>
    %dot_general3A_434 = tpu.matmul %mul3A_426, %get3A_432, %dot_general3A_433 {dimension_numbers = #tpu.dot_dimension_numbers<[1], [0], [0], [1], [0, 0, 1, 1], [], []>, transpose_lhs_hint = false} : vector<128x128xf32>, vector<128x32xf32>, vector<128x32xf32> -> vector<128x32xf32>
    %add3A_435 = arith.addf %add3A_415, %dot_general3A_434 : vector<128x32xf32>
    %sub3A_436 = arith.constant 2.000000e+01 : f32
    %sub3A_437 = vector.broadcast %sub3A_436 : f32 to vector<128x128xf32>
    %sub3A_438 = arith.subf %sub3A_437, %sub3A_30 : vector<128x128xf32>
    %abs3A_439 = math.absf %sub3A_438 : vector<128x128xf32>
    %sub3A_440 = arith.constant 1.000000e+00 : f32
    %sub3A_441 = vector.broadcast %sub3A_440 : f32 to vector<128x128xf32>
    %sub3A_442 = arith.subf %sub3A_441, %abs3A_439 : vector<128x128xf32>
    %max3A_443 = arith.constant 0.000000e+00 : f32
    %max3A_444 = vector.broadcast %max3A_443 : f32 to vector<128x128xf32>
    %max3A_445 = arith.maximumf %max3A_444, %sub3A_442 : vector<128x128xf32>
    %mul3A_446 = arith.mulf %get3A_35, %max3A_445 : vector<128x128xf32>
    %get3A_447 = arith.constant 0 : index
    %get3A_448 = arith.constant 20 : index
    %get3A_449 = arith.constant 0 : index
    %get3A_450 = arith.constant 0 : index
    %get3A_451 = vector.load %arg1[%get3A_447, %get3A_448, %get3A_449, %get3A_450] : memref<1x25x128x32xf32, #tpu.memory_space<vmem>>, vector<1x1x128x32xf32>
    %get3A_452 = vector.shape_cast %get3A_451 : vector<1x1x128x32xf32> to vector<128x32xf32>
    %dot_general3A_453 = arith.constant dense<0.000000e+00> : vector<128x32xf32>
    %dot_general3A_454 = tpu.matmul %mul3A_446, %get3A_452, %dot_general3A_453 {dimension_numbers = #tpu.dot_dimension_numbers<[1], [0], [0], [1], [0, 0, 1, 1], [], []>, transpose_lhs_hint = false} : vector<128x128xf32>, vector<128x32xf32>, vector<128x32xf32> -> vector<128x32xf32>
    %add3A_455 = arith.addf %add3A_435, %dot_general3A_454 : vector<128x32xf32>
    %sub3A_456 = arith.constant 2.100000e+01 : f32
    %sub3A_457 = vector.broadcast %sub3A_456 : f32 to vector<128x128xf32>
    %sub3A_458 = arith.subf %sub3A_457, %sub3A_30 : vector<128x128xf32>
    %abs3A_459 = math.absf %sub3A_458 : vector<128x128xf32>
    %sub3A_460 = arith.constant 1.000000e+00 : f32
    %sub3A_461 = vector.broadcast %sub3A_460 : f32 to vector<128x128xf32>
    %sub3A_462 = arith.subf %sub3A_461, %abs3A_459 : vector<128x128xf32>
    %max3A_463 = arith.constant 0.000000e+00 : f32
    %max3A_464 = vector.broadcast %max3A_463 : f32 to vector<128x128xf32>
    %max3A_465 = arith.maximumf %max3A_464, %sub3A_462 : vector<128x128xf32>
    %mul3A_466 = arith.mulf %get3A_35, %max3A_465 : vector<128x128xf32>
    %get3A_467 = arith.constant 0 : index
    %get3A_468 = arith.constant 21 : index
    %get3A_469 = arith.constant 0 : index
    %get3A_470 = arith.constant 0 : index
    %get3A_471 = vector.load %arg1[%get3A_467, %get3A_468, %get3A_469, %get3A_470] : memref<1x25x128x32xf32, #tpu.memory_space<vmem>>, vector<1x1x128x32xf32>
    %get3A_472 = vector.shape_cast %get3A_471 : vector<1x1x128x32xf32> to vector<128x32xf32>
    %dot_general3A_473 = arith.constant dense<0.000000e+00> : vector<128x32xf32>
    %dot_general3A_474 = tpu.matmul %mul3A_466, %get3A_472, %dot_general3A_473 {dimension_numbers = #tpu.dot_dimension_numbers<[1], [0], [0], [1], [0, 0, 1, 1], [], []>, transpose_lhs_hint = false} : vector<128x128xf32>, vector<128x32xf32>, vector<128x32xf32> -> vector<128x32xf32>
    %add3A_475 = arith.addf %add3A_455, %dot_general3A_474 : vector<128x32xf32>
    %sub3A_476 = arith.constant 2.200000e+01 : f32
    %sub3A_477 = vector.broadcast %sub3A_476 : f32 to vector<128x128xf32>
    %sub3A_478 = arith.subf %sub3A_477, %sub3A_30 : vector<128x128xf32>
    %abs3A_479 = math.absf %sub3A_478 : vector<128x128xf32>
    %sub3A_480 = arith.constant 1.000000e+00 : f32
    %sub3A_481 = vector.broadcast %sub3A_480 : f32 to vector<128x128xf32>
    %sub3A_482 = arith.subf %sub3A_481, %abs3A_479 : vector<128x128xf32>
    %max3A_483 = arith.constant 0.000000e+00 : f32
    %max3A_484 = vector.broadcast %max3A_483 : f32 to vector<128x128xf32>
    %max3A_485 = arith.maximumf %max3A_484, %sub3A_482 : vector<128x128xf32>
    %mul3A_486 = arith.mulf %get3A_35, %max3A_485 : vector<128x128xf32>
    %get3A_487 = arith.constant 0 : index
    %get3A_488 = arith.constant 22 : index
    %get3A_489 = arith.constant 0 : index
    %get3A_490 = arith.constant 0 : index
    %get3A_491 = vector.load %arg1[%get3A_487, %get3A_488, %get3A_489, %get3A_490] : memref<1x25x128x32xf32, #tpu.memory_space<vmem>>, vector<1x1x128x32xf32>
    %get3A_492 = vector.shape_cast %get3A_491 : vector<1x1x128x32xf32> to vector<128x32xf32>
    %dot_general3A_493 = arith.constant dense<0.000000e+00> : vector<128x32xf32>
    %dot_general3A_494 = tpu.matmul %mul3A_486, %get3A_492, %dot_general3A_493 {dimension_numbers = #tpu.dot_dimension_numbers<[1], [0], [0], [1], [0, 0, 1, 1], [], []>, transpose_lhs_hint = false} : vector<128x128xf32>, vector<128x32xf32>, vector<128x32xf32> -> vector<128x32xf32>
    %add3A_495 = arith.addf %add3A_475, %dot_general3A_494 : vector<128x32xf32>
    %sub3A_496 = arith.constant 2.300000e+01 : f32
    %sub3A_497 = vector.broadcast %sub3A_496 : f32 to vector<128x128xf32>
    %sub3A_498 = arith.subf %sub3A_497, %sub3A_30 : vector<128x128xf32>
    %abs3A_499 = math.absf %sub3A_498 : vector<128x128xf32>
    %sub3A_500 = arith.constant 1.000000e+00 : f32
    %sub3A_501 = vector.broadcast %sub3A_500 : f32 to vector<128x128xf32>
    %sub3A_502 = arith.subf %sub3A_501, %abs3A_499 : vector<128x128xf32>
    %max3A_503 = arith.constant 0.000000e+00 : f32
    %max3A_504 = vector.broadcast %max3A_503 : f32 to vector<128x128xf32>
    %max3A_505 = arith.maximumf %max3A_504, %sub3A_502 : vector<128x128xf32>
    %mul3A_506 = arith.mulf %get3A_35, %max3A_505 : vector<128x128xf32>
    %get3A_507 = arith.constant 0 : index
    %get3A_508 = arith.constant 23 : index
    %get3A_509 = arith.constant 0 : index
    %get3A_510 = arith.constant 0 : index
    %get3A_511 = vector.load %arg1[%get3A_507, %get3A_508, %get3A_509, %get3A_510] : memref<1x25x128x32xf32, #tpu.memory_space<vmem>>, vector<1x1x128x32xf32>
    %get3A_512 = vector.shape_cast %get3A_511 : vector<1x1x128x32xf32> to vector<128x32xf32>
    %dot_general3A_513 = arith.constant dense<0.000000e+00> : vector<128x32xf32>
    %dot_general3A_514 = tpu.matmul %mul3A_506, %get3A_512, %dot_general3A_513 {dimension_numbers = #tpu.dot_dimension_numbers<[1], [0], [0], [1], [0, 0, 1, 1], [], []>, transpose_lhs_hint = false} : vector<128x128xf32>, vector<128x32xf32>, vector<128x32xf32> -> vector<128x32xf32>
    %add3A_515 = arith.addf %add3A_495, %dot_general3A_514 : vector<128x32xf32>
    %sub3A_516 = arith.constant 2.400000e+01 : f32
    %sub3A_517 = vector.broadcast %sub3A_516 : f32 to vector<128x128xf32>
    %sub3A_518 = arith.subf %sub3A_517, %sub3A_30 : vector<128x128xf32>
    %abs3A_519 = math.absf %sub3A_518 : vector<128x128xf32>
    %sub3A_520 = arith.constant 1.000000e+00 : f32
    %sub3A_521 = vector.broadcast %sub3A_520 : f32 to vector<128x128xf32>
    %sub3A_522 = arith.subf %sub3A_521, %abs3A_519 : vector<128x128xf32>
    %max3A_523 = arith.constant 0.000000e+00 : f32
    %max3A_524 = vector.broadcast %max3A_523 : f32 to vector<128x128xf32>
    %max3A_525 = arith.maximumf %max3A_524, %sub3A_522 : vector<128x128xf32>
    %mul3A_526 = arith.mulf %get3A_35, %max3A_525 : vector<128x128xf32>
    %get3A_527 = arith.constant 0 : index
    %get3A_528 = arith.constant 24 : index
    %get3A_529 = arith.constant 0 : index
    %get3A_530 = arith.constant 0 : index
    %get3A_531 = vector.load %arg1[%get3A_527, %get3A_528, %get3A_529, %get3A_530] : memref<1x25x128x32xf32, #tpu.memory_space<vmem>>, vector<1x1x128x32xf32>
    %get3A_532 = vector.shape_cast %get3A_531 : vector<1x1x128x32xf32> to vector<128x32xf32>
    %dot_general3A_533 = arith.constant dense<0.000000e+00> : vector<128x32xf32>
    %dot_general3A_534 = tpu.matmul %mul3A_526, %get3A_532, %dot_general3A_533 {dimension_numbers = #tpu.dot_dimension_numbers<[1], [0], [0], [1], [0, 0, 1, 1], [], []>, transpose_lhs_hint = false} : vector<128x128xf32>, vector<128x32xf32>, vector<128x32xf32> -> vector<128x32xf32>
    %add3A_535 = arith.addf %add3A_515, %dot_general3A_534 : vector<128x32xf32>
    %swap3A = arith.constant 0 : index
    %swap3A_536 = arith.constant 0 : index
    %swap3A_537 = arith.constant 0 : index
    %swap3A_538 = vector.load %arg4[%swap3A, %swap3A_536, %swap3A_537] : memref<1x128x32xf32, #tpu.memory_space<vmem>>, vector<1x128x32xf32>
    %swap3A_539 = vector.shape_cast %swap3A_538 : vector<1x128x32xf32> to vector<128x32xf32>
    %swap3A_540 = vector.shape_cast %add3A_535 : vector<128x32xf32> to vector<1x128x32xf32>
    tpu.vector_store %arg4[%swap3A, %swap3A_536, %swap3A_537], %swap3A_540 {strides = array<i32>} : memref<1x128x32xf32, #tpu.memory_space<vmem>>, vector<1x128x32xf32>,
    return
  }
  func.func @transform_0(%arg0: i32) -> (i32, i32, i32, i32) {
    %c0_i32 = arith.constant 0 : i32
    %c0_i32_0 = arith.constant 0 : i32
    %c0_i32_1 = arith.constant 0 : i32
    %c0_i32_2 = arith.constant 0 : i32
    return %arg0, %c0_i32, %c0_i32_0, %c0_i32_1 : i32, i32, i32, i32
  }
  func.func @transform_1(%arg0: i32) -> (i32, i32, i32) {
    %c0_i32 = arith.constant 0 : i32
    %c0_i32_0 = arith.constant 0 : i32
    %c0_i32_1 = arith.constant 0 : i32
    return %arg0, %c0_i32, %c0_i32_0 : i32, i32, i32
  }
  func.func @transform_2(%arg0: i32) -> (i32, i32) {
    %c0_i32 = arith.constant 0 : i32
    %c0_i32_0 = arith.constant 0 : i32
    %c0_i32_1 = arith.constant 0 : i32
    return %c0_i32, %c0_i32_0 : i32, i32
  }
  func.func @transform_3(%arg0: i32) -> (i32, i32, i32) {
    %c0_i32 = arith.constant 0 : i32
    %c0_i32_0 = arith.constant 0 : i32
    %c0_i32_1 = arith.constant 0 : i32
    return %arg0, %c0_i32, %c0_i32_0 : i32, i32, i32
  }
}

</mosaic_0001>

<sc_bundles>
// kernel: kernel.4.cloned.1.call-start
scs
__scs_entry_jumppad:
0x0: {  	(pc) =	sbr.rel $0x88, $3  }
0x1: {  	(tag) =	ssettag $0x0;
	lr =	simm.s32 $0x1  }
0x2: {  	[smem:$0x3F9E] =	sst lr;
	_ =	strace $0xD0000000  }
0x3: {  	_ = 	snop  }
0x4: {  	_ = 	snop  }
0x5: {  	_ = 	snop  }
0x6: {  	_ = 	snop  }
0x7: {  	_ = 	snop  }
__scs_overlays_trampoline_lowered:
0x8: {  	[smem:$0x3FAD] =	sst s0  }
0x9: {  	[smem:$0x3FAE] =	sst s1  }
0xa: {  	[smem:$0x3FAF] =	sst s2  }
0xb: {  	[smem:$0x3FB0] =	sst s3  }
0xc: {  	[smem:$0x3FB1] =	sst s4  }
0xd: {  	[smem:$0x3FB2] =	sst s5  }
0xe: {  	[smem:$0x3FB3] =	sst s6  }
0xf: {  	[smem:$0x3FB4] =	sst s7  }
0x10: {  	[smem:$0x3FB5] =	sst s8  }
0x11: {  	[smem:$0x3FB6] =	sst s9;
	s0 =	simm.s32 @!p0 $0x0  }
0x12: {  	s1 =	sld [smem:$0x3F9C];
	s0 =	simm.s32 @p0 $0x1  }
0x13: {  	[smem:$0x3FB7] =	sst s0;
	s0 =	simm.s32 @!p1 $0x0  }
0x14: {  	s2 =	sld [smem:$0x3F9B];
	s0 =	simm.s32 @p1 $0x1  }
0x15: {  	[smem:$0x3FB8] =	sst s0;
	s0 =	simm.s32 @!p2 $0x0  }
0x16: {  	s3 =	sld [smem:$0x3FDB];
	s0 =	simm.s32 @p2 $0x1  }
0x17: {  	s4 =	simm.s32 $0x1BF5;
	[smem:$0x3FBA] =	sst s0  }
0x18: {  	s0 =	sld [smem:$0x3F9D];
	_ =	swait.ge [sflag:s4], $0x0  }
0x19: {  	s7 =	sld [smem:$0x3F9E]  }
0x1a: {  	s8 =	sadd.s32 $0xFFFFE003, lr  }
0x1b: {  	s9 =	sadd.s32 $0xFFFFFEF7, lr;
	s5 =	simm.s32 $0xFFFFFFFF;
	p2 =	slt.u32 s8, $0xFFFFF086  }
0x1c: {  	p1 =	slt.u32 s9, $0xF7A;
	s5 =	simm.s32 @!p2 $0x0  }
0x1d: {  	s5 =	simm.s32 @p1 $0x1;
	p0 =	seq.s32 s7, s2  }
0x1e: {  	s7 =	smul.u32 @!p0 $0xF7A, s2;
	p2 =	seq.s32 @!p0 s5, $0x0  }
0x1f: {  	s9 =	smul.u32 $0xF7A, s1;
	s8 =	simm.s32 @!p0 $0x1BF5;
	p2 =	por !p2, p0  }
0x20: {  	[sflag:s8] =	ssyncset.s32 @!p0 $0xFFFFF086;
	s6 =	sadd.s32 @!p0 s3, s7;
	s7 =	simm.s32 @!p0 $0x108  }
0x21: {  	s3 =	sadd.s32 s3, s9;
	s6 =	sadd.s32 @!p0 $0x88, s6;
	s7 =	simm.s32 @p2 $0x1082  }
0x22: {  	[simem:s7], [sflag:s8] =	dma.local @!p0 [hbm:s6], $0xF7A  }
0x23: {  	s9 =	sor.u32 $0xD0000000, s2;
	s6 =	simm.s32 $0x108;
	_ =	swait.ge @!p0 [sflag:s8], $0x0  }
0x24: {  	s3 =	sadd.s32 $0x88, s3;
	s6 =	simm.s32 @!p1 $0x1082;
	[sflag:s4] =	ssyncset.s32 $0xFFFFF086  }
0x25: {  	[simem:s6], [sflag:s4] =	dma.local [hbm:s3], $0xF7A  }
0x26: {  	[smem:$0x3F9E] =	sst s1;
	(tag) =	ssettag s2;
	_ =	strace s9  }
0x27: {  	s1 =	sld [smem:$0x3FAE]  }
0x28: {  	s2 =	sld [smem:$0x3FAF]  }
0x29: {  	s4 =	sld [smem:$0x3FB1]  }
0x2a: {  	p0 =	seq.s32 s5, $0x0;
	s5 =	sld [smem:$0x3FB2]  }
0x2b: {  	s6 =	sld [smem:$0x3FB3]  }
0x2c: {  	s7 =	sld [smem:$0x3FB4]  }
0x2d: {  	s3 =	simm.s32 $0x108;
	s8 =	sld [smem:$0x3FB5]  }
0x2e: {  	s3 =	simm.s32 @!p0 $0x1082;
	s9 =	sld [smem:$0x3FB6]  }
0x2f: {  	lr =	sadd.s32 s0, s3;
	s0 =	sld [smem:$0x3FAD]  }
0x30: {  	s3 =	sld [smem:$0x3FB0]  }
0x31: {  	[smem:$0x3FB9] =	sst s10  }
0x32: {  	s10 =	sld [smem:$0x3FB7];
	_ =	sdelay $0x3  }
0x33: {  	p0 =	seq.s32 s10, $0x1;
	s10 =	sld [smem:$0x3FB9];
	_ =	sdelay $0x3  }
0x34: {  	[smem:$0x3FB9] =	sst s10  }
0x35: {  	s10 =	sld [smem:$0x3FB8];
	_ =	sdelay $0x3  }
0x36: {  	p1 =	seq.s32 s10, $0x1;
	s10 =	sld [smem:$0x3FB9];
	_ =	sdelay $0x3  }
0x37: {  	[smem:$0x3FB9] =	sst s10  }
0x38: {  	s10 =	sld [smem:$0x3FBA]  }
0x39: {  	_ = 	snop;
	(pc) =	sbr.ind lr, $3  }
0x3a: {  	_ = 	snop  }
0x3b: {  	_ = 	snop  }
0x3c: {  	p2 =	seq.s32 s10, $0x1;
	s10 =	sld [smem:$0x3FB9]  }
0x3d: {  	_ =	shalt  }
0x3e: {  	_ =	shalt  }
0x3f: {  	_ =	shalt  }
0x40: {  	_ =	shalt  }
0x41: {  	_ =	shalt  }
0x42: {  	_ =	shalt  }
0x43: {  	_ =	shalt  }
0x44: {  	_ =	shalt  }
0x45: {  	_ =	shalt  }
0x46: {  	_ =	shalt  }
0x47: {  	_ =	shalt  }
0x48: {  	_ =	shalt  }
0x49: {  	_ =	shalt  }
0x4a: {  	_ =	shalt  }
0x4b: {  	_ =	shalt  }
0x4c: {  	_ =	shalt  }
0x4d: {  	_ =	shalt  }
0x4e: {  	_ =	shalt  }
0x4f: {  	_ =	shalt  }
0x50: {  	_ =	shalt  }
0x51: {  	_ =	shalt  }
0x52: {  	_ =	shalt  }
0x53: {  	_ =	shalt  }
0x54: {  	_ =	shalt  }
0x55: {  	_ =	shalt  }
0x56: {  	_ =	shalt  }
0x57: {  	_ =	shalt  }
0x58: {  	_ =	shalt  }
0x59: {  	_ =	shalt  }
0x5a: {  	_ =	shalt  }
0x5b: {  	_ =	shalt  }
0x5c: {  	_ =	shalt  }
0x5d: {  	_ =	shalt  }
0x5e: {  	_ =	shalt  }
0x5f: {  	_ =	shalt  }
0x60: {  	_ =	shalt  }
0x61: {  	_ =	shalt  }
0x62: {  	_ =	shalt  }
0x63: {  	_ =	shalt  }
0x64: {  	_ =	shalt  }
0x65: {  	_ =	shalt  }
0x66: {  	_ =	shalt  }
0x67: {  	_ =	shalt  }
0x68: {  	_ =	shalt  }
0x69: {  	_ =	shalt  }
0x6a: {  	_ =	shalt  }
0x6b: {  	_ =	shalt  }
0x6c: {  	_ =	shalt  }
0x6d: {  	_ =	shalt  }
0x6e: {  	_ =	shalt  }
0x6f: {  	_ =	shalt  }
0x70: {  	_ =	shalt  }
0x71: {  	_ =	shalt  }
0x72: {  	_ =	shalt  }
0x73: {  	_ =	shalt  }
0x74: {  	_ =	shalt  }
0x75: {  	_ =	shalt  }
0x76: {  	_ =	shalt  }
0x77: {  	_ =	shalt  }
0x78: {  	_ =	shalt  }
0x79: {  	_ =	shalt  }
0x7a: {  	_ =	shalt  }
0x7b: {  	_ =	shalt  }
0x7c: {  	_ =	shalt  }
0x7d: {  	_ =	shalt  }
0x7e: {  	_ =	shalt  }
0x7f: {  	_ =	shalt  }
0x80: {  	_ =	shalt  }
0x81: {  	_ =	shalt  }
0x82: {  	_ =	shalt  }
0x83: {  	_ =	shalt  }
0x84: {  	_ =	shalt  }
0x85: {  	_ =	shalt  }
0x86: {  	_ =	shalt  }
0x87: {  	_ =	shalt  }
.Lfunc_end0:
.L_simem_size_0:
called_computation_lowered:
.L_overlay_start_0:
0x88: {  	s2 =	sld [smem:$0x3FD9]  }
0x89: {  	s3 =	sld [smem:$0x3FFE];
	_ =	sdelay $0x1  }
0x8a: {  	s1 =	srdreg.scid  }
0x8b: {  	s0 =	sand.u32 $0x1, s1  }
0x8c: {  	s17 =	sshll.u32 s0, $0xA;
	s2 =	sadd.s32 s3, s2  }
0x8d: {  	s2 =	sadd.s32 s2, s17  }
0x8e: {  	[smem:$0x3FC5] =	sst s2  }
0x8f: {  	_ = 	snop  }
0x90: {  	s2 =	sld [smem:$0x3FC7]  }
0x91: {  	s18 =	sld [smem:$0x3FD0];
	(tm) =	ssettm $0x1  }
0x92: {  	s4 =	sld [smem:$0x3FFB];
	_ =	sdelay $0x3  }
0x93: {  	_ =	strace s4  }
0x94: {  	s4 =	sld [smem:$0x3FFC];
	_ =	sdelay $0x3  }
0x95: {  	_ =	strace s4  }
0x96: {  	s4 =	sld [smem:$0x3FFD];
	_ =	sdelay $0x3  }
0x97: {  	_ =	strace s4  }
0x98: {  	_ =	strace $0x8FFFFFFF  }
0x99: {  	s19 =	sld [smem:$0x3FDB];
	_ =	sdelay $0x1  }
0x9a: {  	s5 =	simm.s32 $_scs_section_size  }
0x9b: {  	s6 =	simm.s32 $_size__tile_overlayer_lowered;
	s7 =	simm.s32 $_tile_overlayer_lowered  }
0x9c: {  	s22 =	simm.s32 $0x1BFF;
	s21 =	sshll.u32 s7, $0x1;
	s4 =	sadd.s32 s5, s19  }
0x9d: {  	s8 =	simm.s32 $0x0;
	s20 =	sshll.u32 s6, $0x1;
	s6 =	sadd.s32 s21, s4  }
0x9e: {  	[timem:s8], [sflag:s22] =	dma.local [hbm:s6], s20  }
0x9f: {  	_ =	swait.ge [sflag:s22], s20  }
0xa0: {  	s5 =	ssub.s32 $0x0, s20;
	[sflag:s22] =	ssyncset.done $0x0  }
0xa1: {  	[sflag:s22] =	ssyncadd.s32 s5;
	_ =	sdelay $0x1  }
0xa2: {  	s23 =	simm.s32 $0x1B8B  }
0xa3: {  	_ =	swait.ge [sflag:s23], $0x1  }
0xa4: {  	[sflag:s23] =	ssyncset.done $0x0  }
0xa5: {  	s25 =	simm.s32 $0x1B8E;
	s24 =	sld [smem:$0x3FFE];
	[sflag:s23] =	ssyncadd.s32 $0xFFFFFFFF  }
0xa6: {  	s26 =	simm.s32 $execute0_lowered;
	[smem:$0x3FD2] =	sst s25  }
0xa7: {  	s6 =	sshll.u32 s26, $0x1;
	_ =	strace $0x80000046;
	[dreg:$0x1] =	wrdreg $0xFFFFFFFF  }
0xa8: {  	s28 =	simm.s32 $_size_execute0_lowered;
	s4 =	sadd.s32 s4, s6;
	[dreg:$0x0] =	wrdreg $0x0  }
0xa9: {  	s6 =	sshll.u32 s28, $0x1;
	[dreg:$0x2] =	wrdreg s4  }
0xaa: {  	[dreg:$0x3] =	wrdreg s6  }
0xab: {  	[dreg:$0x4] =	wrdreg $0xC0  }
0xac: {  	_ =	task [dreg:s8], $0x5FFFF  }
0xad: {  	[dreg:$0x1] =	wrdreg $0xFFFFFFFF  }
0xae: {  	[dreg:$0x0] =	wrdreg $0x60  }
0xaf: {  	[dreg:$0x2] =	wrdreg s24  }
0xb0: {  	[dreg:$0x3] =	wrdreg s18  }
0xb1: {  	[dreg:$0x4] =	wrdreg s2  }
0xb2: {  	[dreg:$0x5] =	wrdreg $0x9  }
0xb3: {  	_ =	task.clear_ibuf [dreg:s8], $0x6FFFF;
	_ =	strace $0x90000046  }
0xb4: {  	s29 =	simm.s32 $0x9;
	_ =	strace $0x80000048  }
0xb5: {  	_ =	swait.ge [sflag:s29], $0x1  }
0xb6: {  	[sflag:s29] =	ssyncadd.s32 $0xFFFFFFFF  }
0xb7: {  	_ =	strace $0x90000048  }
0xb8: {  	_ =	sfence  }
0xb9: {  	s30 =	sld [smem:$0x0];
	_ =	sdelay $0x2  }
0xba: {  	s31 =	sshll.u32 s1, $0xD;
	s1 =	sshrl.u32 s1, $0x2  }
0xbb: {  	s3 =	sand.u32 $0x4000, s31;
	s1 =	sadd.s32 s1, s30  }
0xbc: {  	s0 =	sor.u32 s3, s0;
	s1 =	sshll.u32 s1, $0x11  }
0xbd: {  	s0 =	sor.u32 s1, s0  }
0xbe: {  	s0 =	sadd.s32 $0x8F2B, s0  }
0xbf: {  	[sflag:s0] =	ssyncadd.remote.s32 $0x1  }
0xc0: {  	_ =	sfence.sel $0xFFFF  }
0xc1: {  	[dreg:$0x0] =	wrdreg $0xFFFFFFFF;
	(pc) =	sbr.abs _section_cstart, $3  }
0xc2: {  	[dreg:$0x1] =	wrdreg $0xFFFFFFFF  }
0xc3: {  	_ =	task.clear_ibuf [dreg:s8], $0x2FFFF;
	_ =	strace $0x9FFFFFFF  }
0xc4: {  	(tm) =	ssettm $0x7FFFFFFF  }
0xc5: {  	_ =	shalt  }
tec
execute0_lowered:
.L_overlay_start_1:
0x0: {  	(tag) =	ssettag $0x1  }
0x1: {  	s3 =	rddreg [dreg:$0x0]  }
0x2: {  	s5 =	rddreg [dreg:$0x1]  }
0x3: {  	s6 =	rddreg [dreg:$0x2]  }
0x4: {  	s1 =	stileid.u32;
	s0 =	rddreg [dreg:$0x3]  }
0x5: {  	s2 =	simm.s32 $0x0;
	s8 =	srdreg.scid;
	s14 =	simm.s32 $0x1B400  }
0x6: {  	s15 =	simm.s32 $0x0;
	s7 =	sshrl.u32 s1, $0x1;
	[smem:$0x7FF] =	sst s2  }
0x7: {  	s8 =	sand.u32 $0x1, s8;
	s11 =	sshll.u32 s1, $0x1;
	s4 =	smul.u32 $0x3200, s7  }
0x8: {  	_ =	strace $0x80000047;
	s9 =	sshll.u32 s7, $0x6;
	s10 =	ssub.s32 $0x2, s8  }
0x9: {  	v0 =	vimm.s32 $0x0;
	v1 =	vlaneseq.u32;
	s12 =	sshll.u32 s7, $0x9;
	s11 =	sand.u32 $0x2, s11;
	s7 =	sshll.u32 s7, $0xB  }
0xa: {  	v61 =	vimm.s32 $0x1;
	v62 =	vimm.s32 $0x2;
	v5 =	vimm.s32 $0x3;
	s9 =	sadd.s32 s9, s3;
	s13 =	sshrl.u32 s10, $0x1;
	s12 =	sadd.s32 s12, s3  }
0xb: {  	v6 =	vimm.s32 $0x4;
	v55 =	vimm.s32 $0x5;
	v10 =	vimm.s32 $0x6;
	s8 =	sor.u32 s8, s11;
	s5 =	sadd.s32 s5, s7;
	s11 =	simm.s32 $0x19280  }
0xc: {  	v11 =	vimm.s32 $0x7;
	v12 =	vimm.s32 $0x8;
	v13 =	vimm.s32 $0x9;
	s4 =	sadd.s32 s4, s3;
	s10 =	ssub.s32 s10, s13;
	s30 =	sshll.u32 s8, $0x9  }
0xd: {  	v14 =	vimm.s32 $0xA;
	v15 =	vimm.s32 $0xB;
	v16 =	vimm.s32 $0xC;
	s31 =	sshll.u32 s8, $0x7;
	s13 =	simm.s32 $0x1;
	s3 =	sadd.s32 $0xA00, s4  }
0xe: {  	v17 =	vimm.s32 $0xD;
	v18 =	vimm.s32 $0xE;
	v19 =	vimm.s32 $0xF;
	s4 =	sadd.s32 $0x800, s9;
	s5 =	sadd.s32 s30, s5;
	s6 =	sadd.s32 s6, s30  }
0xf: {  	v8 =	vimm.s32 $0x3;
	v9 =	vimm.s32 $0x4;
	v7 =	vimm.s32 $0x0;
	s7 =	sadd.s32 s31, s12;
	s8 =	smax.u32 s10, $0x1;
	s9 =	simm.s32 $0x19000  }
0x10: {  	v2 =	vor.u32 $0x10, v1;
	v3 =	vor.u32 $0x1000, v1;
	v4 =	vor.u32 $0x1010, v1;
	s10 =	simm.s32 $0x2;
	s12 =	simm.s32 $0x1A280;
	s7 =	sadd.s32 $0x19A00, s7  }
.LBB2_1:
0x11: {  	[tilespmem:s2], [sflag:$0x1] =	stream.linear.gather [hbm4b:s3+s2], $0x19000, $0x38;
	[tilespmem:$0x1B800] =	vst v63  }
0x12: {  	_ = 	snop  }
0x13: {  	[tilespmem:s9], [sflag:$0x2] =	stream.linear.gather [hbm4b:s4+s2], $0x200, $0x38;
	[tilespmem:$0x1B800] =	vst v63  }
0x14: {  	_ =	swait.ge [sflag:s10], $0x200  }
0x15: {  	[sflag:s10] =	ssyncset.done $0x0  }
0x16: {  	[sflag:s10] =	ssyncadd.s32 $0xFFFFFE00  }
0x17: {  	v20 =	vld [tilespmem:$0x19000]  }
0x18: {  	v21 =	vld [tilespmem:$0x19080]  }
0x19: {  	v22 =	vld [tilespmem:$0x19100]  }
0x1a: {  	v23 =	vld [tilespmem:$0x19180]  }
0x1b: {  	v24 =	vld [tilespmem:$0x19010]  }
0x1c: {  	v25 =	vld [tilespmem:$0x19090]  }
0x1d: {  	v26 =	vld [tilespmem:$0x19110]  }
0x1e: {  	v27 =	vld [tilespmem:$0x19190]  }
0x1f: {  	v28 =	vld [tilespmem:$0x19020]  }
0x20: {  	v29 =	vld [tilespmem:$0x190A0]  }
0x21: {  	v30 =	vld [tilespmem:$0x19120]  }
0x22: {  	v59 =	vld [tilespmem:$0x191A0]  }
0x23: {  	v31 =	vld [tilespmem:$0x19030]  }
0x24: {  	v63 =	vld [tilespmem:$0x190B0]  }
0x25: {  	v41 =	vld [tilespmem:$0x19050];
	v20 =	vadd.f32 $0.0e+00, v20  }
0x26: {  	v32 =	vld [tilespmem:$0x19130]  }
0x27: {  	v44 =	vld [tilespmem:$0x19060];
	v20 =	vadd.f32 v21, v20  }
0x28: {  	v36 =	vld [tilespmem:$0x191B0];
	v60 =	vadd.f32 $0.0e+00, v24;
	v28 =	vadd.f32 $0.0e+00, v28  }
0x29: {  	v37 =	vld [tilespmem:$0x19040];
	v40 =	vadd.f32 $0.0e+00, v31;
	v20 =	vadd.f32 v22, v20  }
0x2a: {  	v38 =	vld [tilespmem:$0x190C0];
	v46 =	vadd.f32 $0.0e+00, v41;
	v28 =	vadd.f32 v29, v28  }
0x2b: {  	v33 =	vld [tilespmem:$0x19140];
	v22 =	vadd.f32 v25, v60;
	v20 =	vadd.f32 v23, v20  }
0x2c: {  	v34 =	vld [tilespmem:$0x190D0];
	v50 =	vadd.f32 $0.0e+00, v44;
	v24 =	vadd.f32 v63, v40  }
0x2d: {  	v45 =	vld [tilespmem:$0x19070];
	v28 =	vadd.f32 v30, v28;
	v22 =	vadd.f32 v26, v22;
	v20 =	vmul.f32 $2.500000000e-01, v20  }
0x2e: {  	v42 =	vld [tilespmem:$0x19150];
	v25 =	vadd.f32 $0.0e+00, v37;
	v24 =	vadd.f32 v32, v24  }
0x2f: {  	v47 =	vld [tilespmem:$0x190E0];
	v21 =	vadd.f32 v59, v28;
	v22 =	vadd.f32 v27, v22;
	v20 =	vmul.f32 $1.799999950e+00, v20  }
0x30: {  	v39 =	vld [tilespmem:$0x191C0];
	v25 =	vadd.f32 v38, v25;
	v23 =	vadd.f32 v36, v24  }
0x31: {  	v43 =	vld [tilespmem:$0x191D0];
	v24 =	vadd.f32 v34, v46;
	v22 =	vmul.f32 $2.500000000e-01, v22;
	v20 =	vadd.f32 $2.500000000e+00, v20  }
0x32: {  	v49 =	vld [tilespmem:$0x19160];
	v26 =	vadd.f32 $0.0e+00, v45;
	v25 =	vadd.f32 v33, v25  }
0x33: {  	v48 =	vld [tilespmem:$0x190F0];
	v21 =	vmul.f32 $2.500000000e-01, v21;
	v22 =	vmul.f32 $1.799999950e+00, v22;
	v20 =	vmax.f32 v20, $0.0e+00  }
0x34: {  	v52 =	vld [tilespmem:$0x191E0];
	v24 =	vadd.f32 v42, v24;
	v27 =	vadd.f32 v47, v50;
	v20 =	vmul.f32 $3.599999900e+00, v20  }
0x35: {  	v51 =	vld [tilespmem:$0x19170];
	v23 =	vmul.f32 $2.500000000e-01, v23;
	v25 =	vadd.f32 v39, v25;
	v22 =	vadd.f32 $2.500000000e+00, v22  }
0x36: {  	v21 =	vmul.f32 $1.799999950e+00, v21;
	v54 =	vadd.f32 v43, v24;
	v20 =	vadd.f32 $1.000000050e-03, v20  }
0x37: {  	v53 =	vld [tilespmem:$0x191F0];
	v56 =	vadd.f32 v49, v27;
	v23 =	vmul.f32 $1.799999950e+00, v23;
	v22 =	vmax.f32 v22, $0.0e+00  }
0x38: {  	v22 =	vmul.f32 $3.599999900e+00, v22;
	(erf) = vrcp.f32 v20;
	v20 =	vadd.f32 v48, v26  }
0x39: {  	v21 =	vadd.f32 $2.500000000e+00, v21;
	v24 =	vadd.f32 v52, v56;
	v25 =	vmul.f32 $2.500000000e-01, v25  }
0x3a: {  	v22 =	vadd.f32 $1.000000050e-03, v22;
	v20 =	vadd.f32 v51, v20  }
0x3b: {  	v23 =	vadd.f32 $2.500000000e+00, v23;
	v21 =	vmax.f32 v21, $0.0e+00;
	v25 =	vmul.f32 $1.799999950e+00, v25  }
0x3c: {  	(erf) = vrcp.f32 v22;
	v22 =	vmul.f32 $2.500000000e-01, v54;
	v20 =	vadd.f32 v53, v20  }
0x3d: {  	v24 =	vmul.f32 $2.500000000e-01, v24;
	v21 =	vmul.f32 $3.599999900e+00, v21  }
0x3e: {  	v23 =	vmax.f32 v23, $0.0e+00;
	v22 =	vmul.f32 $1.799999950e+00, v22;
	v20 =	vmul.f32 $2.500000000e-01, v20  }
0x3f: {  	v57 =	vadd.f32 $2.500000000e+00, v25;
	v24 =	vmul.f32 $1.799999950e+00, v24;
	v21 =	vadd.f32 $1.000000050e-03, v21  }
0x40: {  	v23 =	vmul.f32 $3.599999900e+00, v23;
	v22 =	vadd.f32 $2.500000000e+00, v22;
	v20 =	vmul.f32 $1.799999950e+00, v20  }
0x41: {  	v24 =	vadd.f32 $2.500000000e+00, v24;
	(erf) = vrcp.f32 v21;
	v21 =	vmax.f32 v57, $0.0e+00  }
0x42: {  	v21 =	vmul.f32 $3.599999900e+00, v21;
	v22 =	vmax.f32 v22, $0.0e+00;
	v20 =	vadd.f32 $2.500000000e+00, v20  }
0x43: {  	v23 =	vadd.f32 $1.000000050e-03, v23;
	v24 =	vmax.f32 v24, $0.0e+00;
	v22 =	vmul.f32 $3.599999900e+00, v22  }
0x44: {  	v24 =	vmul.f32 $3.599999900e+00, v24;
	v21 =	vadd.f32 $1.000000050e-03, v21;
	v20 =	vmax.f32 v20, $0.0e+00  }
0x45: {  	(erf) = vrcp.f32 v23;
	v22 =	vadd.f32 $1.000000050e-03, v22;
	v20 =	vmul.f32 $3.599999900e+00, v20  }
0x46: {  	v58 =	vadd.f32 $1.000000050e-03, v24;
	(erf) = vrcp.f32 v21  }
0x47: {  	(erf) = vrcp.f32 v22;
	v20 =	vadd.f32 $1.000000050e-03, v20  }
0x48: {  	(erf) = vrcp.f32 v58  }
0x49: {  	(erf) = vrcp.f32 v20;
	_ =	sdelay $0x1  }
0x4a: {  	v20 =	vpop (erf)  }
0x4b: {  	v59 =	vpop (erf);
	[tilespmem:$0x19200] =	vst v20  }
0x4c: {  	v20 =	vpop (erf);
	[tilespmem:$0x19210] =	vst v59  }
0x4d: {  	v60 =	vpop (erf);
	[tilespmem:$0x19220] =	vst v20  }
0x4e: {  	v20 =	vpop (erf);
	[tilespmem:$0x19230] =	vst v60  }
0x4f: {  	v63 =	vpop (erf);
	[tilespmem:$0x19240] =	vst v20  }
0x50: {  	v20 =	vpop (erf);
	[tilespmem:$0x19250] =	vst v63  }
0x51: {  	[tilespmem:$0x19260] =	vst v20;
	v20 =	vpop (erf)  }
0x52: {  	[tilespmem:$0x19270] =	vst v20  }
0x53: {  	[tilespmem:s11], [sflag:$0x2] =	stream.linear.gather [hbm4b:s5+s2], $0x1000, $0x38;
	[tilespmem:$0x1B800] =	vst v63  }
0x54: {  	_ =	swait.ge [sflag:s10], $0x1000  }
0x55: {  	[sflag:s10] =	ssyncset.done $0x0  }
0x56: {  	[sflag:s10] =	ssyncadd.s32 $0xFFFFF000  }
0x57: {  	[tilespmem:s12], [sflag:$0x2] =	stream.linear.gather [hbm4b:s6+s2], $0x1000, $0x38;
	[tilespmem:$0x1B800] =	vst v63  }
0x58: {  	_ =	swait.ge [sflag:s10], $0x1000  }
0x59: {  	[sflag:s10] =	ssyncset.done $0x0  }
0x5a: {  	[sflag:s10] =	ssyncadd.s32 $0xFFFFF000  }
0x5b: {  	_ =	swait.ge [sflag:s13], $0x19000  }
0x5c: {  	[sflag:s13] =	ssyncset.done $0x0  }
0x5d: {  	s16 =	simm.s32 $0x0;
	[sflag:s13] =	ssyncadd.s32 $0xFFFE7000  }
.LBB2_2:
0x5e: {  	s17 =	sshll.u32 s16, $0x7;
	v21 =	vld [tilespmem:$0x19200]  }
0x5f: {  	v20 =	vld [tilespmem:s17+$0x1A280];
	_ =	sdelay $0x4  }
0x60: {  	v20 =	vmul.f32 v21, v20;
	_ =	sdelay $0x1  }
0x61: {  	v20 =	vmin.f32 v20, $2.400000000e+01  }
0x62: {  	v20 =	vsub.f32 $2.400000000e+01, v20;
	_ =	sdelay $0x1  }
0x63: {  	v21 =	vtrunc.f32 v20  }
0x64: {  	v21 =	vcvt.f32.s32 v21;
	_ =	sdelay $0x1  }
0x65: {  	vm0 =	vlt.s32 v21, $0x17  }
0x66: {  	v22 =	vld [tilespmem:s17+$0x19280];
	v21 =	vnsel vm0, $0x17, v21  }
0x67: {  	v23 =	vcvt.s32.f32 v21;
	_ =	sdelay $0x1  }
0x68: {  	v20 =	vsub.f32 v20, v23;
	_ =	sdelay $0x1  }
0x69: {  	v20 =	vmul.f32 v20, v22  }
0x6a: {  	v21 =	vshll.u32 v21, $0xC  }
0x6b: {  	[tilespmem:$0x1B280] =	vst v21;
	v22 =	vsub.f32 v22, v20  }
0x6c: {  	[tilespmem:$0x1B380] =	vst v20  }
0x6d: {  	v21 =	vld [tilespmem:$0x19210];
	[tilespmem:$0x1B300] =	vst v22  }
0x6e: {  	v20 =	vld [tilespmem:s17+$0x1A290];
	_ =	sdelay $0x4  }
0x6f: {  	v20 =	vmul.f32 v21, v20;
	_ =	sdelay $0x1  }
0x70: {  	v20 =	vmin.f32 v20, $2.400000000e+01  }
0x71: {  	v20 =	vsub.f32 $2.400000000e+01, v20;
	_ =	sdelay $0x1  }
0x72: {  	v21 =	vtrunc.f32 v20  }
0x73: {  	v21 =	vcvt.f32.s32 v21;
	_ =	sdelay $0x1  }
0x74: {  	vm9 =	vlt.s32 v21, $0x17  }
0x75: {  	v22 =	vld [tilespmem:s17+$0x19290];
	v21 =	vnsel vm9, $0x17, v21  }
0x76: {  	v23 =	vcvt.s32.f32 v21;
	_ =	sdelay $0x1  }
0x77: {  	v20 =	vsub.f32 v20, v23;
	_ =	sdelay $0x1  }
0x78: {  	v20 =	vmul.f32 v20, v22  }
0x79: {  	v21 =	vshll.u32 v21, $0xC  }
0x7a: {  	[tilespmem:$0x1B290] =	vst v21;
	v22 =	vsub.f32 v22, v20  }
0x7b: {  	[tilespmem:$0x1B390] =	vst v20  }
0x7c: {  	v21 =	vld [tilespmem:$0x19220];
	[tilespmem:$0x1B310] =	vst v22  }
0x7d: {  	v20 =	vld [tilespmem:s17+$0x1A2A0];
	_ =	sdelay $0x4  }
0x7e: {  	v20 =	vmul.f32 v21, v20;
	_ =	sdelay $0x1  }
0x7f: {  	v20 =	vmin.f32 v20, $2.400000000e+01  }
0x80: {  	v20 =	vsub.f32 $2.400000000e+01, v20;
	_ =	sdelay $0x1  }
0x81: {  	v21 =	vtrunc.f32 v20  }
0x82: {  	v21 =	vcvt.f32.s32 v21;
	_ =	sdelay $0x1  }
0x83: {  	vm10 =	vlt.s32 v21, $0x17  }
0x84: {  	v22 =	vld [tilespmem:s17+$0x192A0];
	v21 =	vnsel vm10, $0x17, v21  }
0x85: {  	v23 =	vcvt.s32.f32 v21;
	_ =	sdelay $0x1  }
0x86: {  	v20 =	vsub.f32 v20, v23;
	_ =	sdelay $0x1  }
0x87: {  	v20 =	vmul.f32 v20, v22  }
0x88: {  	v21 =	vshll.u32 v21, $0xC  }
0x89: {  	[tilespmem:$0x1B2A0] =	vst v21;
	v22 =	vsub.f32 v22, v20  }
0x8a: {  	[tilespmem:$0x1B3A0] =	vst v20  }
0x8b: {  	v21 =	vld [tilespmem:$0x19230];
	[tilespmem:$0x1B320] =	vst v22  }
0x8c: {  	v20 =	vld [tilespmem:s17+$0x1A2B0];
	_ =	sdelay $0x4  }
0x8d: {  	v20 =	vmul.f32 v21, v20;
	_ =	sdelay $0x1  }
0x8e: {  	v20 =	vmin.f32 v20, $2.400000000e+01  }
0x8f: {  	v20 =	vsub.f32 $2.400000000e+01, v20;
	_ =	sdelay $0x1  }
0x90: {  	v21 =	vtrunc.f32 v20  }
0x91: {  	v21 =	vcvt.f32.s32 v21;
	_ =	sdelay $0x1  }
0x92: {  	vm11 =	vlt.s32 v21, $0x17  }
0x93: {  	v22 =	vld [tilespmem:s17+$0x192B0];
	v21 =	vnsel vm11, $0x17, v21  }
0x94: {  	v23 =	vcvt.s32.f32 v21;
	_ =	sdelay $0x1  }
0x95: {  	v20 =	vsub.f32 v20, v23;
	_ =	sdelay $0x1  }
0x96: {  	v20 =	vmul.f32 v20, v22  }
0x97: {  	v21 =	vshll.u32 v21, $0xC  }
0x98: {  	[tilespmem:$0x1B2B0] =	vst v21;
	v22 =	vsub.f32 v22, v20  }
0x99: {  	[tilespmem:$0x1B3B0] =	vst v20  }
0x9a: {  	v21 =	vld [tilespmem:$0x19240];
	[tilespmem:$0x1B330] =	vst v22  }
0x9b: {  	v20 =	vld [tilespmem:s17+$0x1A2C0];
	_ =	sdelay $0x4  }
0x9c: {  	v20 =	vmul.f32 v21, v20;
	_ =	sdelay $0x1  }
0x9d: {  	v20 =	vmin.f32 v20, $2.400000000e+01  }
0x9e: {  	v20 =	vsub.f32 $2.400000000e+01, v20;
	_ =	sdelay $0x1  }
0x9f: {  	v21 =	vtrunc.f32 v20  }
0xa0: {  	v21 =	vcvt.f32.s32 v21;
	_ =	sdelay $0x1  }
0xa1: {  	vm12 =	vlt.s32 v21, $0x17  }
0xa2: {  	v22 =	vld [tilespmem:s17+$0x192C0];
	v21 =	vnsel vm12, $0x17, v21  }
0xa3: {  	v23 =	vcvt.s32.f32 v21;
	_ =	sdelay $0x1  }
0xa4: {  	v20 =	vsub.f32 v20, v23;
	_ =	sdelay $0x1  }
0xa5: {  	v20 =	vmul.f32 v20, v22  }
0xa6: {  	v21 =	vshll.u32 v21, $0xC  }
0xa7: {  	[tilespmem:$0x1B2C0] =	vst v21;
	v22 =	vsub.f32 v22, v20  }
0xa8: {  	[tilespmem:$0x1B3C0] =	vst v20  }
0xa9: {  	v21 =	vld [tilespmem:$0x19250];
	[tilespmem:$0x1B340] =	vst v22  }
0xaa: {  	v20 =	vld [tilespmem:s17+$0x1A2D0];
	_ =	sdelay $0x4  }
0xab: {  	v20 =	vmul.f32 v21, v20;
	_ =	sdelay $0x1  }
0xac: {  	v20 =	vmin.f32 v20, $2.400000000e+01  }
0xad: {  	v20 =	vsub.f32 $2.400000000e+01, v20;
	_ =	sdelay $0x1  }
0xae: {  	v21 =	vtrunc.f32 v20  }
0xaf: {  	v21 =	vcvt.f32.s32 v21;
	_ =	sdelay $0x1  }
0xb0: {  	vm13 =	vlt.s32 v21, $0x17  }
0xb1: {  	v22 =	vld [tilespmem:s17+$0x192D0];
	v21 =	vnsel vm13, $0x17, v21  }
0xb2: {  	v23 =	vcvt.s32.f32 v21;
	_ =	sdelay $0x1  }
0xb3: {  	v20 =	vsub.f32 v20, v23;
	_ =	sdelay $0x1  }
0xb4: {  	v20 =	vmul.f32 v20, v22  }
0xb5: {  	v21 =	vshll.u32 v21, $0xC  }
0xb6: {  	[tilespmem:$0x1B2D0] =	vst v21;
	v22 =	vsub.f32 v22, v20  }
0xb7: {  	[tilespmem:$0x1B3D0] =	vst v20  }
0xb8: {  	v21 =	vld [tilespmem:$0x19260];
	[tilespmem:$0x1B350] =	vst v22  }
0xb9: {  	v20 =	vld [tilespmem:s17+$0x1A2E0];
	_ =	sdelay $0x4  }
0xba: {  	v20 =	vmul.f32 v21, v20;
	_ =	sdelay $0x1  }
0xbb: {  	v20 =	vmin.f32 v20, $2.400000000e+01  }
0xbc: {  	v20 =	vsub.f32 $2.400000000e+01, v20;
	_ =	sdelay $0x1  }
0xbd: {  	v21 =	vtrunc.f32 v20  }
0xbe: {  	v21 =	vcvt.f32.s32 v21;
	_ =	sdelay $0x1  }
0xbf: {  	vm14 =	vlt.s32 v21, $0x17  }
0xc0: {  	v22 =	vld [tilespmem:s17+$0x192E0];
	v21 =	vnsel vm14, $0x17, v21  }
0xc1: {  	v23 =	vcvt.s32.f32 v21;
	_ =	sdelay $0x1  }
0xc2: {  	v20 =	vsub.f32 v20, v23;
	_ =	sdelay $0x1  }
0xc3: {  	v20 =	vmul.f32 v20, v22  }
0xc4: {  	v21 =	vshll.u32 v21, $0xC  }
0xc5: {  	[tilespmem:$0x1B2E0] =	vst v21;
	v22 =	vsub.f32 v22, v20  }
0xc6: {  	[tilespmem:$0x1B3E0] =	vst v20  }
0xc7: {  	v21 =	vld [tilespmem:$0x19270];
	[tilespmem:$0x1B360] =	vst v22  }
0xc8: {  	v20 =	vld [tilespmem:s17+$0x1A2F0];
	_ =	sdelay $0x4  }
0xc9: {  	v20 =	vmul.f32 v21, v20;
	_ =	sdelay $0x1  }
0xca: {  	v20 =	vmin.f32 v20, $2.400000000e+01  }
0xcb: {  	v20 =	vsub.f32 $2.400000000e+01, v20;
	_ =	sdelay $0x1  }
0xcc: {  	v21 =	vtrunc.f32 v20  }
0xcd: {  	v21 =	vcvt.f32.s32 v21;
	_ =	sdelay $0x1  }
0xce: {  	vm15 =	vlt.s32 v21, $0x17  }
0xcf: {  	v22 =	vld [tilespmem:s17+$0x192F0];
	v21 =	vnsel vm15, $0x17, v21  }
0xd0: {  	v23 =	vcvt.s32.f32 v21;
	_ =	sdelay $0x1  }
0xd1: {  	v20 =	vsub.f32 v20, v23;
	_ =	sdelay $0x1  }
0xd2: {  	v20 =	vmul.f32 v20, v22  }
0xd3: {  	v21 =	vshll.u32 v21, $0xC  }
0xd4: {  	[tilespmem:$0x1B2F0] =	vst v21;
	v22 =	vsub.f32 v22, v20  }
0xd5: {  	[tilespmem:$0x1B3F0] =	vst v20  }
0xd6: {  	s18 =	simm.s32 $0x1B280;
	[tilespmem:$0x1B370] =	vst v22  }
0xd7: {  	v22 =	vld [tilespmem:s18+$0x0];
	_ =	sdelay $0x4  }
0xd8: {  	v20 =	vperm.xlane v22, v0  }
0xd9: {  	s28 =	simm.s32 $0x0  }
0xda: {  	s18 =	simm.s32 $0x1B300;
	v20 =	vadd.s32 s28, v20  }
0xdb: {  	v21 =	vld [tilespmem:s18+$0x0];
	v23 =	vadd.s32 v2, v20  }
0xdc: {  	v25 =	vperm.xlane v22, v61;
	v24 =	vadd.s32 v1, v20  }
0xdd: {  	s20 =	simm.s32 $0x20;
	v26 =	vperm.xlane v22, v62;
	v33 =	vperm.xlane v22, v55;
	v27 =	vadd.s32 v3, v20  }
0xde: {  	s19 =	simm.s32 $0x1B380;
	v34 =	vperm.xlane v22, v6;
	v25 =	vadd.s32 s20, v25;
	v28 =	vadd.s32 v4, v20  }
0xdf: {  	v36 =	vperm.xlane v22, v5;
	v58 =	vperm.xlane v22, v12;
	v20 =	vld [tilespmem:s19+$0x0];
	v35 =	vadd.s32 v3, v25  }
0xe0: {  	s21 =	simm.s32 $0x40;
	v40 =	vperm.xlane v21, v0;
	v43 =	vperm.xlane v21, v61;
	v37 =	vadd.s32 v2, v25;
	v30 =	vld.idx.msk [tilespmem:v23+s2+$0x0], $0xffff  }
0xe1: {  	s30 =	simm.s32 $0x80;
	v26 =	vadd.s32 s21, v26;
	v29 =	vadd.s32 v1, v25;
	v25 =	vadd.s32 v4, v25;
	v24 =	vld.idx.msk [tilespmem:v24+s2+$0x0], $0xffff  }
0xe2: {  	v34 =	vadd.s32 s30, v34;
	v32 =	vadd.s32 v2, v26;
	v39 =	vadd.s32 v4, v26;
	v27 =	vld.idx.msk [tilespmem:v27+s2+$0x0], $0xffff  }
0xe3: {  	v38 =	vadd.s32 v1, v26;
	v26 =	vadd.s32 v3, v26;
	v56 =	vadd.s32 v1, v34;
	v28 =	vld.idx.msk [tilespmem:v28+s2+$0x0], $0xffff  }
0xe4: {  	v59 =	vadd.s32 v2, v34;
	v60 =	vadd.s32 v4, v34;
	v34 =	vadd.s32 v3, v34;
	v35 =	vld.idx.msk [tilespmem:v35+s2+$0x0], $0xffff  }
0xe5: {  	s29 =	simm.s32 $0x60;
	v63 =	vperm.xlane v21, v5;
	v48 =	vperm.xlane v21, v6;
	v37 =	vld.idx.msk [tilespmem:v37+s2+$0x0], $0xffff  }
0xe6: {  	v52 =	vperm.xlane v21, v55;
	v36 =	vadd.s32 s29, v36;
	v23 =	vperm.xlane v22, v13;
	v25 =	vld.idx.msk [tilespmem:v25+s2+$0x0], $0xffff  }
0xe7: {  	v53 =	vadd.s32 v1, v36;
	v41 =	vperm.xlane v20, v0;
	v54 =	vperm.xlane v20, v61;
	v39 =	vld.idx.msk [tilespmem:v39+s2+$0x0], $0xffff  }
0xe8: {  	v26 =	vld.idx.msk [tilespmem:v26+s2+$0x0], $0xffff;
	v57 =	vperm.xlane v20, v62;
	v45 =	vperm.xlane v20, v5  }
0xe9: {  	v31 =	vimm.f32 $0.0e+00;
	s31 =	simm.s32 $0xA0;
	v34 =	vld.idx.msk [tilespmem:v34+s2+$0x0], $0xffff;
	v50 =	vperm.xlane v20, v6;
	v24 =	vmul.f32 v24, v40  }
0xea: {  	v33 =	vadd.s32 s31, v33;
	v29 =	vld.idx.msk [tilespmem:v29+s2+$0x0], $0xffff;
	v30 =	vmul.f32 v30, v40;
	v27 =	vmul.f32 v27, v41  }
0xeb: {  	s24 =	simm.s32 $0x120;
	v42 =	vadd.s32 v2, v36;
	v28 =	vmul.f32 v28, v41;
	v35 =	vmul.f32 v35, v54  }
0xec: {  	v23 =	vadd.s32 s24, v23;
	v37 =	vmul.f32 v37, v43;
	v40 =	vld.idx.msk [tilespmem:v53+s2+$0x0], $0xffff;
	v25 =	vmul.f32 v25, v54  }
0xed: {  	v39 =	vmul.f32 v39, v57;
	v26 =	vmul.f32 v26, v57;
	v41 =	vld.idx.msk [tilespmem:v60+s2+$0x0], $0xffff;
	v24 =	vadd.f32 v24, v31  }
0xee: {  	v34 =	vmul.f32 v34, v50;
	v54 =	vperm.xlane v20, v55;
	v30 =	vadd.f32 v30, v31  }
0xef: {  	v32 =	vld.idx.msk [tilespmem:v32+s2+$0x0], $0xffff;
	v31 =	vadd.s32 v3, v36;
	v24 =	vadd.f32 v27, v24;
	v27 =	vmul.f32 v29, v43  }
0xf0: {  	v38 =	vld.idx.msk [tilespmem:v38+s2+$0x0], $0xffff;
	v29 =	vperm.xlane v22, v10;
	v28 =	vadd.f32 v28, v30;
	v30 =	vperm.xlane v21, v62  }
0xf1: {  	s21 =	simm.s32 $0xC0;
	v36 =	vadd.s32 v4, v36;
	v43 =	vld.idx.msk [tilespmem:v56+s2+$0x0], $0xffff;
	v56 =	vperm.xlane v21, v10;
	v40 =	vmul.f32 v40, v63  }
0xf2: {  	v41 =	vmul.f32 v41, v50;
	v24 =	vadd.f32 v27, v24;
	v29 =	vadd.s32 s21, v29  }
0xf3: {  	v27 =	vperm.xlane v22, v11;
	v28 =	vadd.f32 v37, v28;
	v46 =	vadd.s32 v1, v29  }
0xf4: {  	v42 =	vld.idx.msk [tilespmem:v42+s2+$0x0], $0xffff;
	v47 =	vadd.s32 v2, v29;
	v49 =	vadd.s32 v4, v29;
	v29 =	vadd.s32 v3, v29  }
0xf5: {  	s22 =	simm.s32 $0xE0;
	v32 =	vmul.f32 v32, v30;
	v30 =	vmul.f32 v38, v30;
	v37 =	vld.idx.msk [tilespmem:v59+s2+$0x0], $0xffff;
	v24 =	vadd.f32 v35, v24  }
0xf6: {  	s23 =	simm.s32 $0x100;
	v31 =	vld.idx.msk [tilespmem:v31+s2+$0x0], $0xffff;
	v25 =	vadd.f32 v25, v28;
	v28 =	vadd.s32 v2, v33;
	v27 =	vadd.s32 s22, v27  }
0xf7: {  	v50 =	vperm.xlane v20, v12;
	v36 =	vld.idx.msk [tilespmem:v36+s2+$0x0], $0xffff;
	v35 =	vadd.s32 s23, v58;
	v51 =	vadd.s32 v1, v27  }
0xf8: {  	v53 =	vadd.s32 v2, v27;
	v24 =	vadd.f32 v30, v24;
	v25 =	vadd.f32 v32, v25;
	v32 =	vld.idx.msk [tilespmem:v46+s2+$0x0], $0xffff  }
0xf9: {  	v57 =	vadd.s32 v4, v35;
	v58 =	vadd.s32 v1, v35;
	v60 =	vadd.s32 v2, v35;
	v29 =	vld.idx.msk [tilespmem:v29+s2+$0x0], $0xffff  }
0xfa: {  	v35 =	vadd.s32 v3, v35;
	v24 =	vadd.f32 v26, v24;
	v25 =	vadd.f32 v39, v25;
	v39 =	vld.idx.msk [tilespmem:v49+s2+$0x0], $0xffff  }
0xfb: {  	v38 =	vmul.f32 v42, v63;
	v59 =	vperm.xlane v20, v10;
	v30 =	vadd.s32 v1, v33;
	v28 =	vld.idx.msk [tilespmem:v28+s2+$0x0], $0xffff  }
0xfc: {  	v63 =	vperm.xlane v22, v14;
	v43 =	vmul.f32 v43, v48;
	v24 =	vadd.f32 v40, v24;
	v40 =	vld.idx.msk [tilespmem:v47+s2+$0x0], $0xffff  }
0xfd: {  	v37 =	vmul.f32 v37, v48;
	v26 =	vadd.s32 v3, v33;
	v25 =	vadd.f32 v38, v25;
	v38 =	vld.idx.msk [tilespmem:v51+s2+$0x0], $0xffff  }
0xfe: {  	v33 =	vadd.s32 v4, v33;
	v31 =	vmul.f32 v31, v45;
	v36 =	vmul.f32 v36, v45;
	v42 =	vld.idx.msk [tilespmem:v53+s2+$0x0], $0xffff  }
0xff: {  	v45 =	vperm.xlane v21, v11;
	v46 =	vadd.s32 v2, v23;
	v49 =	vperm.xlane v22, v15;
	v35 =	vld.idx.msk [tilespmem:v35+s2+$0x0], $0xffff  }
0x100: {  	v47 =	vperm.xlane v21, v12;
	v51 =	vperm.xlane v21, v13;
	v30 =	vld.idx.msk [tilespmem:v30+s2+$0x0], $0xffff;
	v24 =	vadd.f32 v31, v24  }
0x101: {  	v31 =	vadd.s32 v3, v27;
	v25 =	vadd.f32 v36, v25;
	v36 =	vld.idx.msk [tilespmem:v57+s2+$0x0], $0xffff;
	v57 =	vperm.xlane v20, v14  }
0x102: {  	v27 =	vadd.s32 v4, v27;
	v26 =	vld.idx.msk [tilespmem:v26+s2+$0x0], $0xffff;
	v32 =	vmul.f32 v32, v56;
	v29 =	vmul.f32 v29, v59  }
0x103: {  	v33 =	vld.idx.msk [tilespmem:v33+s2+$0x0], $0xffff;
	v39 =	vmul.f32 v39, v59;
	v24 =	vadd.f32 v43, v24;
	v28 =	vmul.f32 v28, v52  }
0x104: {  	v25 =	vadd.f32 v37, v25;
	v37 =	vld.idx.msk [tilespmem:v58+s2+$0x0], $0xffff;
	v40 =	vmul.f32 v40, v56;
	v38 =	vmul.f32 v38, v45  }
0x105: {  	v42 =	vmul.f32 v42, v45;
	v35 =	vmul.f32 v35, v50;
	v24 =	vadd.f32 v34, v24;
	v34 =	vld.idx.msk [tilespmem:v60+s2+$0x0], $0xffff  }
0x106: {  	s25 =	simm.s32 $0x140;
	v56 =	vperm.xlane v20, v13;
	v30 =	vmul.f32 v30, v52;
	v25 =	vadd.f32 v41, v25;
	v31 =	vld.idx.msk [tilespmem:v31+s2+$0x0], $0xffff  }
0x107: {  	v45 =	vperm.xlane v21, v15;
	v41 =	vadd.s32 s25, v63;
	v27 =	vld.idx.msk [tilespmem:v27+s2+$0x0], $0xffff;
	v26 =	vmul.f32 v26, v54  }
0x108: {  	v24 =	vadd.f32 v30, v24;
	v25 =	vadd.f32 v28, v25;
	v28 =	vadd.s32 v1, v23  }
0x109: {  	v48 =	vadd.s32 v2, v41;
	v33 =	vmul.f32 v33, v54;
	v30 =	vperm.xlane v20, v11  }
0x10a: {  	v37 =	vmul.f32 v37, v47;
	v24 =	vadd.f32 v26, v24;
	v26 =	vadd.s32 v3, v23  }
0x10b: {  	v23 =	vadd.s32 v4, v23;
	v25 =	vadd.f32 v33, v25;
	v33 =	vmul.f32 v34, v47  }
0x10c: {  	s26 =	simm.s32 $0x160;
	v43 =	vld.idx.msk [tilespmem:v46+s2+$0x0], $0xffff;
	v31 =	vmul.f32 v31, v30;
	v27 =	vmul.f32 v27, v30;
	v24 =	vadd.f32 v32, v24  }
0x10d: {  	v30 =	vadd.s32 v1, v41;
	v25 =	vadd.f32 v40, v25;
	v40 =	vadd.s32 s26, v49;
	v28 =	vld.idx.msk [tilespmem:v28+s2+$0x0], $0xffff  }
0x10e: {  	v34 =	vmul.f32 v36, v50;
	v52 =	vadd.s32 v1, v40;
	v24 =	vadd.f32 v29, v24  }
0x10f: {  	v47 =	vperm.xlane v20, v15;
	v53 =	vadd.s32 v3, v40;
	v25 =	vadd.f32 v39, v25;
	v26 =	vld.idx.msk [tilespmem:v26+s2+$0x0], $0xffff  }
0x110: {  	v49 =	vperm.xlane v20, v16;
	v54 =	vadd.s32 v2, v40;
	v23 =	vld.idx.msk [tilespmem:v23+s2+$0x0], $0xffff;
	v24 =	vadd.f32 v38, v24  }
0x111: {  	v32 =	vld.idx.msk [tilespmem:v48+s2+$0x0], $0xffff;
	v40 =	vadd.s32 v4, v40;
	v29 =	vadd.s32 v3, v41;
	v25 =	vadd.f32 v42, v25  }
0x112: {  	v39 =	vmul.f32 v43, v51;
	v30 =	vld.idx.msk [tilespmem:v30+s2+$0x0], $0xffff;
	v28 =	vmul.f32 v28, v51;
	v24 =	vadd.f32 v31, v24  }
0x113: {  	v31 =	vperm.xlane v22, v16;
	v25 =	vadd.f32 v27, v25;
	v27 =	vperm.xlane v21, v14;
	v36 =	vld.idx.msk [tilespmem:v52+s2+$0x0], $0xffff  }
0x114: {  	s28 =	simm.s32 $0x180;
	v41 =	vadd.s32 v4, v41;
	v63 =	vld.idx.msk [tilespmem:v53+s2+$0x0], $0xffff;
	v53 =	vperm.xlane v21, v17;
	v26 =	vmul.f32 v26, v56  }
0x115: {  	v59 =	vld.idx.msk [tilespmem:v54+s2+$0x0], $0xffff;
	v23 =	vmul.f32 v23, v56;
	v24 =	vadd.f32 v37, v24;
	v31 =	vadd.s32 s28, v31  }
0x116: {  	v25 =	vadd.f32 v33, v25;
	v56 =	vperm.xlane v20, v17;
	v58 =	vadd.s32 v1, v31  }
0x117: {  	v29 =	vld.idx.msk [tilespmem:v29+s2+$0x0], $0xffff;
	v60 =	vadd.s32 v2, v31;
	v46 =	vadd.s32 v4, v31;
	v24 =	vadd.f32 v35, v24  }
0x118: {  	v31 =	vadd.s32 v3, v31;
	v30 =	vmul.f32 v30, v27;
	v25 =	vadd.f32 v34, v25  }
0x119: {  	v41 =	vld.idx.msk [tilespmem:v41+s2+$0x0], $0xffff;
	v27 =	vmul.f32 v32, v27;
	v24 =	vadd.f32 v28, v24;
	v28 =	vperm.xlane v22, v17  }
0x11a: {  	s29 =	simm.s32 $0x1A0;
	v36 =	vmul.f32 v36, v45;
	v35 =	vmul.f32 v59, v45;
	v25 =	vadd.f32 v39, v25  }
0x11b: {  	v44 =	vld.idx.msk [tilespmem:v40+s2+$0x0], $0xffff;
	v37 =	vmul.f32 v63, v47;
	v24 =	vadd.f32 v26, v24;
	v28 =	vadd.s32 s29, v28  }
0x11c: {  	v29 =	vmul.f32 v29, v57;
	v23 =	vadd.f32 v23, v25;
	v25 =	vadd.s32 v1, v28  }
0x11d: {  	v32 =	vld.idx.msk [tilespmem:v58+s2+$0x0], $0xffff;
	v26 =	vperm.xlane v22, v18;
	v48 =	vadd.s32 v2, v28;
	v24 =	vadd.f32 v30, v24  }
0x11e: {  	s30 =	simm.s32 $0x1C0;
	v33 =	vmul.f32 v41, v57;
	v34 =	vld.idx.msk [tilespmem:v60+s2+$0x0], $0xffff;
	v23 =	vadd.f32 v27, v23;
	v27 =	vadd.s32 v3, v28  }
0x11f: {  	v31 =	vld.idx.msk [tilespmem:v31+s2+$0x0], $0xffff;
	v26 =	vadd.s32 s30, v26;
	v28 =	vadd.s32 v4, v28;
	v24 =	vadd.f32 v29, v24  }
0x120: {  	v38 =	vmul.f32 v44, v47;
	v39 =	vld.idx.msk [tilespmem:v46+s2+$0x0], $0xffff;
	v50 =	vadd.s32 v2, v26;
	v23 =	vadd.f32 v33, v23  }
0x121: {  	v30 =	vperm.xlane v21, v16;
	v29 =	vadd.s32 v1, v26;
	v24 =	vadd.f32 v36, v24;
	v25 =	vld.idx.msk [tilespmem:v25+s2+$0x0], $0xffff  }
0x122: {  	v22 =	vperm.xlane v22, v19;
	v51 =	vadd.s32 v4, v26;
	v23 =	vadd.f32 v35, v23;
	v52 =	vld.idx.msk [tilespmem:v48+s2+$0x0], $0xffff  }
0x123: {  	s31 =	simm.s32 $0x1E0;
	v26 =	vadd.s32 v3, v26;
	v32 =	vmul.f32 v32, v30;
	v27 =	vld.idx.msk [tilespmem:v27+s2+$0x0], $0xffff;
	v24 =	vadd.f32 v37, v24  }
0x124: {  	v22 =	vadd.s32 s31, v22;
	v30 =	vmul.f32 v34, v30;
	v28 =	vld.idx.msk [tilespmem:v28+s2+$0x0], $0xffff;
	v23 =	vadd.f32 v38, v23  }
0x125: {  	v54 =	vadd.s32 v1, v22;
	v31 =	vmul.f32 v31, v49;
	v34 =	vld.idx.msk [tilespmem:v50+s2+$0x0], $0xffff;
	v24 =	vadd.f32 v32, v24  }
0x126: {  	v33 =	vmul.f32 v39, v49;
	v29 =	vld.idx.msk [tilespmem:v29+s2+$0x0], $0xffff;
	v23 =	vadd.f32 v30, v23;
	v30 =	vadd.s32 v4, v22  }
0x127: {  	v35 =	vld.idx.msk [tilespmem:v51+s2+$0x0], $0xffff;
	v25 =	vmul.f32 v25, v53;
	v24 =	vadd.f32 v31, v24;
	v31 =	vadd.s32 v2, v22  }
0x128: {  	v26 =	vld.idx.msk [tilespmem:v26+s2+$0x0], $0xffff;
	v57 =	vmul.f32 v52, v53;
	v23 =	vadd.f32 v33, v23;
	v22 =	vadd.s32 v3, v22  }
0x129: {  	v58 =	vperm.xlane v21, v18;
	v27 =	vmul.f32 v27, v56;
	v25 =	vadd.f32 v25, v24  }
0x12a: {  	v32 =	vmul.f32 v28, v56;
	v33 =	vadd.f32 v57, v23;
	v24 =	vld.idx.msk [tilespmem:v54+s2+$0x0], $0xffff  }
0x12b: {  	v59 =	vperm.xlane v20, v18;
	v63 =	vmul.f32 v29, v58;
	v23 =	vld.idx.msk [tilespmem:v30+s2+$0x0], $0xffff;
	v60 =	vadd.f32 v27, v25  }
0x12c: {  	v21 =	vperm.xlane v21, v19;
	v28 =	vmul.f32 v34, v58;
	v29 =	vadd.f32 v32, v33;
	v25 =	vld.idx.msk [tilespmem:v31+s2+$0x0], $0xffff  }
0x12d: {  	s20 =	simm.s32 $0x3E0;
	s21 =	simm.s32 $0x1B290;
	v27 =	vmul.f32 v35, v59;
	v31 =	vmul.f32 v26, v59;
	v26 =	vld.idx.msk [tilespmem:v22+s2+$0x0], $0xffff;
	v30 =	vadd.f32 v63, v60  }
.LBB2_3:
0x12e: {  	v22 =	vld [tilespmem:s21+$0x0];
	p0 =	sne.s32 s20, $0xFE0;
	s18 =	sadd.s32 $0x10, s18;
	s19 =	sadd.s32 $0x10, s19  }
0x12f: {  	v28 =	vadd.f32 v28, v29;
	s22 =	smov.u32 s20;
	s20 =	sadd.s32 $0x200, s20;
	v30 =	vadd.f32 v31, v30;
	v24 =	vmul.f32 v24, v21  }
0x130: {  	v20 =	vperm.xlane v20, v19  }
0x131: {  	v27 =	vadd.f32 v27, v28;
	v21 =	vmul.f32 v25, v21;
	v28 =	vadd.f32 v24, v30  }
0x132: {  	v0 =	vimm.s32 $0x1;
	v25 =	vmul.f32 v26, v20;
	v20 =	vmul.f32 v23, v20  }
0x133: {  	v21 =	vadd.f32 v21, v27;
	v23 =	vperm.xlane v22, v7;
	v24 =	vperm.xlane v22, v18  }
0x134: {  	s23 =	sadd.s32 $0xFFFFFE20, s22;
	s24 =	sadd.s32 $0xFFFFFE40, s22;
	v26 =	vperm.xlane v22, v62;
	v27 =	vperm.xlane v22, v55;
	v28 =	vadd.f32 v25, v28  }
0x135: {  	v25 =	vperm.xlane v22, v9;
	v29 =	vadd.f32 v20, v21;
	v23 =	vadd.s32 s23, v23  }
0x136: {  	v32 =	vperm.xlane v22, v8;
	s23 =	sadd.s32 $0xFFFFFFC0, s22;
	v30 =	vadd.s32 v1, v23;
	v31 =	vadd.s32 v2, v23  }
0x137: {  	s25 =	sadd.s32 $0xFFFFFE60, s22;
	v34 =	vperm.xlane v22, v61;
	v35 =	vperm.xlane v22, v17;
	v33 =	vadd.s32 v4, v23  }
0x138: {  	v36 =	vadd.s32 v3, v23;
	v23 =	vadd.s32 s25, v26;
	v26 =	vperm.xlane v22, v13  }
0x139: {  	s26 =	sadd.s32 $0xFFFFFEA0, s22;
	s25 =	sadd.s32 $0xFFFFFE80, s22;
	v37 =	vadd.s32 v1, v23;
	v38 =	vadd.s32 v2, v23;
	v39 =	vadd.s32 v4, v23;
	v21 =	vld [tilespmem:s18+$0x0]  }
0x13a: {  	v34 =	vadd.s32 s24, v34;
	v40 =	vadd.s32 v3, v23;
	v32 =	vadd.s32 s25, v32;
	v20 =	vld [tilespmem:s19+$0x0]  }
0x13b: {  	v23 =	vadd.s32 s23, v35;
	v41 =	vadd.s32 v1, v32;
	v42 =	vadd.s32 v2, v32  }
0x13c: {  	v35 =	vadd.s32 v1, v34;
	v43 =	vadd.s32 v3, v32;
	v32 =	vadd.s32 v4, v32  }
0x13d: {  	v46 =	vadd.s32 s26, v25;
	v44 =	vadd.s32 v2, v34;
	v45 =	vadd.s32 v3, v34;
	v36 =	vld.idx.msk [tilespmem:v36+s2+$0x0], $0xffff  }
0x13e: {  	v48 =	vperm.xlane v22, v11;
	v25 =	vperm.xlane v22, v10;
	v47 =	vadd.s32 v1, v46;
	s23 =	sadd.s32 $0xFFFFFEC0, s22;
	v38 =	vld.idx.msk [tilespmem:v38+s2+$0x0], $0xffff  }
0x13f: {  	v50 =	vperm.xlane v22, v12;
	v27 =	vadd.s32 s23, v27;
	v31 =	vld.idx.msk [tilespmem:v31+s2+$0x0], $0xffff;
	v49 =	vperm.xlane v20, v62  }
0x140: {  	s24 =	sadd.s32 $0xFFFFFF00, s22;
	v51 =	vadd.s32 v4, v46;
	s23 =	sadd.s32 $0xFFFFFEE0, s22;
	v52 =	vadd.s32 v1, v27;
	v53 =	vadd.s32 v2, v27  }
0x141: {  	v54 =	vadd.s32 v3, v46;
	v55 =	vadd.s32 v4, v27;
	v56 =	vadd.s32 s23, v25;
	v30 =	vld.idx.msk [tilespmem:v30+s2+$0x0], $0xffff  }
0x142: {  	v58 =	vadd.s32 v3, v27;
	v59 =	vadd.s32 v1, v56;
	v57 =	vperm.xlane v20, v7  }
0x143: {  	v48 =	vadd.s32 s24, v48;
	v60 =	vperm.xlane v21, v61;
	v61 =	vperm.xlane v21, v62;
	v45 =	vld.idx.msk [tilespmem:v45+s2+$0x0], $0xffff  }
0x144: {  	v63 =	vadd.s32 v4, v56;
	v62 =	vperm.xlane v20, v0;
	v36 =	vmul.f32 v36, v57;
	v33 =	vld.idx.msk [tilespmem:v33+s2+$0x0], $0xffff  }
0x145: {  	v25 =	vadd.s32 v3, v48;
	v5 =	vadd.s32 v3, v56;
	v0 =	vperm.xlane v21, v7;
	v39 =	vld.idx.msk [tilespmem:v39+s2+$0x0], $0xffff  }
0x146: {  	v34 =	vadd.s32 v4, v34;
	v27 =	vadd.s32 v4, v48;
	v56 =	vadd.s32 v2, v56;
	v35 =	vld.idx.msk [tilespmem:v35+s2+$0x0], $0xffff  }
0x147: {  	v46 =	vadd.s32 v2, v46;
	v6 =	vadd.s32 v1, v48;
	s23 =	sadd.s32 $0xFFFFFF20, s22;
	v30 =	vmul.f32 v30, v0  }
0x148: {  	v48 =	vadd.s32 v2, v48;
	v0 =	vmul.f32 v31, v0;
	v31 =	vld.idx.msk [tilespmem:v44+s2+$0x0], $0xffff;
	v44 =	vperm.xlane v21, v8  }
0x149: {  	v38 =	vmul.f32 v38, v61;
	v28 =	vadd.f32 v30, v28;
	v30 =	vmul.f32 v45, v62;
	v37 =	vld.idx.msk [tilespmem:v37+s2+$0x0], $0xffff  }
0x14a: {  	v0 =	vadd.f32 v0, v29;
	v29 =	vmul.f32 v33, v57;
	v33 =	vld.idx.msk [tilespmem:v40+s2+$0x0], $0xffff;
	v40 =	vadd.s32 s23, v50  }
0x14b: {  	v28 =	vadd.f32 v36, v28;
	v36 =	vmul.f32 v39, v49;
	v50 =	vperm.xlane v22, v14  }
0x14c: {  	s23 =	sadd.s32 $0xFFFFFF40, s22;
	v34 =	vld.idx.msk [tilespmem:v34+s2+$0x0], $0xffff;
	v39 =	vadd.s32 v4, v40;
	v0 =	vadd.f32 v29, v0;
	v29 =	vmul.f32 v35, v60  }
0x14d: {  	v35 =	vadd.s32 v1, v40;
	v45 =	vadd.s32 v2, v40;
	v26 =	vadd.s32 s23, v26  }
0x14e: {  	v57 =	vadd.s32 v2, v26;
	v41 =	vld.idx.msk [tilespmem:v41+s2+$0x0], $0xffff;
	v28 =	vadd.f32 v29, v28;
	v31 =	vmul.f32 v31, v60  }
0x14f: {  	v60 =	vadd.s32 v3, v26;
	v29 =	vld.idx.msk [tilespmem:v42+s2+$0x0], $0xffff;
	v42 =	vadd.s32 v1, v26;
	v37 =	vmul.f32 v37, v61  }
0x150: {  	s23 =	sadd.s32 $0xFFFFFF60, s22;
	v61 =	vimm.s32 $0x1;
	v43 =	vld.idx.msk [tilespmem:v43+s2+$0x0], $0xffff;
	v28 =	vadd.f32 v30, v28;
	v0 =	vadd.f32 v31, v0  }
0x151: {  	v30 =	vld.idx.msk [tilespmem:v32+s2+$0x0], $0xffff;
	v32 =	vadd.s32 v4, v26;
	v26 =	vadd.s32 s23, v50;
	v31 =	vmul.f32 v34, v62  }
0x152: {  	v33 =	vmul.f32 v33, v49;
	v62 =	vimm.s32 $0x2;
	v34 =	vld.idx.msk [tilespmem:v47+s2+$0x0], $0xffff;
	v28 =	vadd.f32 v37, v28  }
0x153: {  	v47 =	vadd.s32 v2, v26;
	v37 =	vld.idx.msk [tilespmem:v46+s2+$0x0], $0xffff;
	v46 =	vadd.s32 v1, v26;
	v0 =	vadd.f32 v31, v0  }
0x154: {  	v31 =	vperm.xlane v20, v8;
	v41 =	vmul.f32 v41, v44;
	v49 =	vld.idx.msk [tilespmem:v51+s2+$0x0], $0xffff;
	v28 =	vadd.f32 v33, v28  }
0x155: {  	v29 =	vmul.f32 v29, v44;
	v44 =	vadd.s32 v3, v26;
	v33 =	vld.idx.msk [tilespmem:v54+s2+$0x0], $0xffff;
	v0 =	vadd.f32 v38, v0  }
0x156: {  	v38 =	vmul.f32 v43, v31;
	v43 =	vperm.xlane v21, v9;
	v50 =	vld.idx.msk [tilespmem:v52+s2+$0x0], $0xffff;
	v28 =	vadd.f32 v41, v28  }
0x157: {  	v30 =	vmul.f32 v30, v31;
	v41 =	vadd.s32 v4, v26;
	v26 =	vperm.xlane v20, v9;
	v31 =	vld.idx.msk [tilespmem:v53+s2+$0x0], $0xffff  }
0x158: {  	v0 =	vadd.f32 v36, v0;
	v34 =	vmul.f32 v34, v43;
	v36 =	vld.idx.msk [tilespmem:v58+s2+$0x0], $0xffff;
	v28 =	vadd.f32 v38, v28  }
0x159: {  	v37 =	vmul.f32 v37, v43;
	v43 =	vperm.xlane v22, v15;
	v38 =	vld.idx.msk [tilespmem:v55+s2+$0x0], $0xffff;
	v55 =	vimm.s32 $0x5  }
0x15a: {  	s23 =	sadd.s32 $0xFFFFFF80, s22;
	v0 =	vadd.f32 v29, v0;
	v29 =	vmul.f32 v49, v26;
	v49 =	vperm.xlane v21, v55;
	v51 =	vld.idx.msk [tilespmem:v59+s2+$0x0], $0xffff  }
0x15b: {  	v28 =	vadd.f32 v34, v28;
	v33 =	vmul.f32 v33, v26;
	v43 =	vadd.s32 s23, v43;
	v34 =	vld.idx.msk [tilespmem:v56+s2+$0x0], $0xffff  }
0x15c: {  	v40 =	vadd.s32 v3, v40;
	v52 =	vperm.xlane v20, v55;
	v50 =	vmul.f32 v50, v49;
	v5 =	vld.idx.msk [tilespmem:v5+s2+$0x0], $0xffff  }
0x15d: {  	s23 =	sadd.s32 $0xFFFFFFE0, s22;
	v0 =	vadd.f32 v30, v0;
	v30 =	vmul.f32 v31, v49;
	v49 =	vadd.s32 v1, v43;
	v31 =	vld.idx.msk [tilespmem:v63+s2+$0x0], $0xffff  }
0x15e: {  	v53 =	vperm.xlane v21, v10;
	v26 =	vadd.s32 s23, v24;
	v36 =	vmul.f32 v36, v52;
	v6 =	vld.idx.msk [tilespmem:v6+s2+$0x0], $0xffff  }
0x15f: {  	v54 =	vadd.s32 v3, v26;
	v38 =	vmul.f32 v38, v52;
	v52 =	vadd.s32 v3, v43;
	v48 =	vld.idx.msk [tilespmem:v48+s2+$0x0], $0xffff  }
0x160: {  	v0 =	vadd.f32 v37, v0;
	v37 =	vperm.xlane v20, v10;
	v51 =	vmul.f32 v51, v53;
	v25 =	vld.idx.msk [tilespmem:v25+s2+$0x0], $0xffff  }
0x161: {  	v24 =	vadd.s32 v4, v26;
	v34 =	vmul.f32 v34, v53;
	v53 =	vadd.s32 v4, v43;
	v27 =	vld.idx.msk [tilespmem:v27+s2+$0x0], $0xffff  }
0x162: {  	v28 =	vadd.f32 v33, v28;
	v33 =	vperm.xlane v21, v11;
	v5 =	vmul.f32 v5, v37;
	v35 =	vld.idx.msk [tilespmem:v35+s2+$0x0], $0xffff  }
0x163: {  	v0 =	vadd.f32 v29, v0;
	v29 =	vmul.f32 v31, v37;
	v37 =	vadd.s32 v2, v43;
	v31 =	vld.idx.msk [tilespmem:v45+s2+$0x0], $0xffff  }
0x164: {  	v28 =	vadd.f32 v50, v28;
	v43 =	vperm.xlane v20, v11;
	v6 =	vmul.f32 v6, v33;
	v40 =	vld.idx.msk [tilespmem:v40+s2+$0x0], $0xffff  }
0x165: {  	v0 =	vadd.f32 v30, v0;
	v30 =	vmul.f32 v48, v33;
	v33 =	vld.idx.msk [tilespmem:v39+s2+$0x0], $0xffff;
	v39 =	vperm.xlane v22, v16  }
0x166: {  	s23 =	sadd.s32 $0xFFFFFFA0, s22;
	v28 =	vadd.f32 v36, v28;
	v36 =	vperm.xlane v21, v12;
	v25 =	vmul.f32 v25, v43;
	v42 =	vld.idx.msk [tilespmem:v42+s2+$0x0], $0xffff  }
0x167: {  	v0 =	vadd.f32 v38, v0;
	v27 =	vmul.f32 v27, v43;
	v38 =	vld.idx.msk [tilespmem:v57+s2+$0x0], $0xffff;
	v39 =	vadd.s32 s23, v39  }
0x168: {  	v28 =	vadd.f32 v51, v28;
	v43 =	vperm.xlane v20, v12;
	v35 =	vmul.f32 v35, v36;
	v45 =	vld.idx.msk [tilespmem:v60+s2+$0x0], $0xffff  }
0x169: {  	v0 =	vadd.f32 v34, v0;
	v31 =	vmul.f32 v31, v36;
	v34 =	vadd.s32 v1, v39;
	v32 =	vld.idx.msk [tilespmem:v32+s2+$0x0], $0xffff  }
0x16a: {  	v5 =	vadd.f32 v5, v28;
	v36 =	vperm.xlane v21, v13;
	v28 =	vmul.f32 v40, v43;
	v40 =	vld.idx.msk [tilespmem:v46+s2+$0x0], $0xffff  }
0x16b: {  	v0 =	vadd.f32 v29, v0;
	v29 =	vmul.f32 v33, v43;
	v43 =	vadd.s32 v2, v39;
	v33 =	vld.idx.msk [tilespmem:v47+s2+$0x0], $0xffff  }
0x16c: {  	v5 =	vadd.f32 v6, v5;
	v6 =	vperm.xlane v20, v13;
	v42 =	vmul.f32 v42, v36;
	v44 =	vld.idx.msk [tilespmem:v44+s2+$0x0], $0xffff  }
0x16d: {  	v0 =	vadd.f32 v30, v0;
	v30 =	vmul.f32 v38, v36;
	v38 =	vadd.s32 v4, v39;
	v36 =	vld.idx.msk [tilespmem:v41+s2+$0x0], $0xffff  }
0x16e: {  	v5 =	vadd.f32 v25, v5;
	v25 =	vmul.f32 v45, v6;
	v41 =	vperm.xlane v21, v14;
	v45 =	vld.idx.msk [tilespmem:v49+s2+$0x0], $0xffff  }
0x16f: {  	v0 =	vadd.f32 v27, v0;
	v6 =	vmul.f32 v32, v6;
	v32 =	vadd.s32 v3, v39;
	v27 =	vld.idx.msk [tilespmem:v37+s2+$0x0], $0xffff  }
0x170: {  	v5 =	vadd.f32 v35, v5;
	v35 =	vperm.xlane v20, v14;
	v37 =	vmul.f32 v40, v41;
	v39 =	vld.idx.msk [tilespmem:v52+s2+$0x0], $0xffff  }
0x171: {  	v0 =	vadd.f32 v31, v0;
	v40 =	vadd.s32 v1, v23;
	v31 =	vmul.f32 v33, v41;
	v33 =	vld.idx.msk [tilespmem:v53+s2+$0x0], $0xffff  }
0x172: {  	v5 =	vadd.f32 v28, v5;
	v41 =	vperm.xlane v21, v15;
	v28 =	vmul.f32 v44, v35;
	v34 =	vld.idx.msk [tilespmem:v34+s2+$0x0], $0xffff  }
0x173: {  	v0 =	vadd.f32 v29, v0;
	v29 =	vmul.f32 v36, v35;
	v36 =	vadd.s32 v2, v23;
	v35 =	vld.idx.msk [tilespmem:v43+s2+$0x0], $0xffff  }
0x174: {  	v5 =	vadd.f32 v42, v5;
	v42 =	vperm.xlane v20, v15;
	v43 =	vmul.f32 v45, v41;
	v32 =	vld.idx.msk [tilespmem:v32+s2+$0x0], $0xffff  }
0x175: {  	v0 =	vadd.f32 v30, v0;
	v27 =	vmul.f32 v27, v41;
	v30 =	vld.idx.msk [tilespmem:v38+s2+$0x0], $0xffff;
	v38 =	vadd.s32 v3, v23  }
0x176: {  	v5 =	vadd.f32 v25, v5;
	v25 =	vmul.f32 v39, v42;
	v39 =	vperm.xlane v21, v16;
	v41 =	vld.idx.msk [tilespmem:v54+s2+$0x0], $0xffff  }
0x177: {  	v0 =	vadd.f32 v6, v0;
	v6 =	vmul.f32 v33, v42;
	v33 =	vadd.s32 v1, v26  }
0x178: {  	v5 =	vadd.f32 v37, v5;
	v37 =	vperm.xlane v20, v16;
	v34 =	vmul.f32 v34, v39  }
0x179: {  	v0 =	vadd.f32 v31, v0;
	v26 =	vadd.s32 v2, v26;
	v31 =	vmul.f32 v35, v39  }
0x17a: {  	v5 =	vadd.f32 v28, v5;
	v23 =	vadd.s32 v4, v23;
	v28 =	vmul.f32 v32, v37;
	v32 =	vld.idx.msk [tilespmem:v40+s2+$0x0], $0xffff  }
0x17b: {  	v22 =	vperm.xlane v22, v19;
	v0 =	vadd.f32 v29, v0;
	v29 =	vmul.f32 v30, v37;
	v30 =	vld.idx.msk [tilespmem:v36+s2+$0x0], $0xffff  }
0x17c: {  	v5 =	vadd.f32 v43, v5;
	v35 =	vperm.xlane v21, v17;
	v36 =	vld.idx.msk [tilespmem:v38+s2+$0x0], $0xffff  }
0x17d: {  	v22 =	vadd.s32 s22, v22;
	v0 =	vadd.f32 v27, v0;
	v27 =	vperm.xlane v20, v17;
	v33 =	vld.idx.msk [tilespmem:v33+s2+$0x0], $0xffff  }
0x17e: {  	v5 =	vadd.f32 v25, v5;
	v37 =	vadd.s32 v2, v22;
	v25 =	vld.idx.msk [tilespmem:v26+s2+$0x0], $0xffff;
	v26 =	vadd.s32 v1, v22  }
0x17f: {  	v0 =	vadd.f32 v6, v0;
	v38 =	vadd.s32 v3, v22;
	v22 =	vadd.s32 v4, v22;
	v6 =	vld.idx.msk [tilespmem:v23+s2+$0x0], $0xffff  }
0x180: {  	v5 =	vadd.f32 v34, v5  }
0x181: {  	v0 =	vadd.f32 v31, v0;
	v31 =	vld.idx.msk [tilespmem:v24+s2+$0x0], $0xffff  }
0x182: {  	v5 =	vadd.f32 v28, v5;
	v28 =	vperm.xlane v21, v18;
	v23 =	vmul.f32 v32, v35  }
0x183: {  	v0 =	vadd.f32 v29, v0;
	v32 =	vperm.xlane v20, v18;
	v29 =	vmul.f32 v30, v35  }
.Ltmp0:
0x184: {  	v5 =	vadd.f32 v23, v5;
	v30 =	vmul.f32 v36, v27;
	v33 =	vmul.f32 v33, v28;
	v24 =	vld.idx.msk [tilespmem:v26+s2+$0x0], $0xffff;
	(pc) =	sbr.rel @p0 .LBB2_3-.Ltmp0, $4  }
0x185: {  	v0 =	vadd.f32 v29, v0;
	v28 =	vmul.f32 v25, v28;
	v6 =	vmul.f32 v6, v27;
	v23 =	vld.idx.msk [tilespmem:v22+s2+$0x0], $0xffff  }
0x186: {  	v5 =	vadd.f32 v30, v5;
	v25 =	vld.idx.msk [tilespmem:v37+s2+$0x0], $0xffff  }
0x187: {  	v29 =	vadd.f32 v6, v0;
	v27 =	vmul.f32 v31, v32;
	v26 =	vld.idx.msk [tilespmem:v38+s2+$0x0], $0xffff  }
0x188: {  	s21 =	sadd.s32 $0x10, s21;
	v21 =	vperm.xlane v21, v19;
	v30 =	vadd.f32 v33, v5;
	v31 =	vmul.f32 v41, v32  }
0x189: {  	v0 =	vadd.f32 v28, v29  }
0x18a: {  	v20 =	vperm.xlane v20, v19;
	v5 =	vadd.f32 v31, v30;
	v6 =	vmul.f32 v24, v21  }
0x18b: {  	s16 =	sadd.s32 $0x1, s16;
	v0 =	vadd.f32 v27, v0;
	v63 =	vmul.f32 v25, v21  }
0x18c: {  	p0 =	sne.s32 s16, $0x20;
	v5 =	vadd.f32 v6, v5;
	v6 =	vmul.f32 v26, v20  }
.Ltmp1:
0x18d: {  	v20 =	vmul.f32 v23, v20;
	v0 =	vadd.f32 v63, v0;
	(pc) =	sbr.rel @p0 .LBB2_2-.Ltmp1, $4  }
0x18e: {  	v5 =	vadd.f32 v6, v5  }
0x18f: {  	s17 =	sshrl.u32 s17, $0x2;
	v0 =	vadd.f32 v20, v0  }
0x190: {  	[tilespmem:s17+$0x1B400] =	vst v5  }
0x191: {  	v6 =	vimm.s32 $0x4;
	v5 =	vimm.s32 $0x3;
	[tilespmem:s17+$0x1B410] =	vst v0;
	v0 =	vimm.s32 $0x0  }
0x192: {  	s15 =	sadd.s32 $0x1, s15  }
0x193: {  	p0 =	sne.s32 s15, s8  }
.Ltmp2:
0x194: {  	_ = 	snop;
	(pc) =	sbr.rel @p0 .LBB2_1-.Ltmp2, $4  }
0x195: {  	[hbm4b:s7+s2] =	stream.linear.scatter [tilespmem:s14], [sflag:$0x2], $0x400, $0x38;
	[tilespmem:$0x1B800] =	vst v63  }
0x196: {  	_ =	swait.ge [sflag:s10], $0x400  }
0x197: {  	[sflag:s10] =	ssyncset.done $0x0  }
0x198: {  	[sflag:s10] =	ssyncadd.s32 $0xFFFFFC00  }
0x199: {  	_ =	sfence.sel $0x180000  }
0x19a: {  	[bflag:$0x0] =	sbarrier.arrive $0xFFFF  }
0x19b: {  	p0 =	sne.s32 s1, $0x0;
	_ =	strace $0x90000047  }
0x19c: {  	s0 =	sadd.s32 @!p0 $0x100000, s0;
	[bflag:$0x2] =	sbarrier.arrive $0xFFFF  }
0x19d: {  	[sflag:s0] =	ssyncadd.tile.s32 @!p0 $0x1;
	_ =	shalt  }
.Lfunc_end2:
_tile_overlayer_lowered:
.L_overlay_start_2:
0x19e: {  	(tag) =	ssettag $0x2  }
0x19f: {  	s0 =	rddreg [dreg:$0x0];
	s2 =	stileid.u32  }
0x1a0: {  	s1 =	rddreg [dreg:$0x1];
	p0 =	sne.s32 s2, $0x0  }
0x1a1: {  	s3 =	rddreg [dreg:$0x2];
	[bflag:$0x3] =	sbarrier.arrive $0xFFFF;
	s2 =	simm.s32 @!p0 $0x1C02  }
0x1a2: {  	[timem:s3], [sflag:s2] =	dma.local @!p0 [hbm:s0], s1  }
0x1a3: {  	s0 =	simm.s32 @!p0 $0x2  }
0x1a4: {  	_ =	swait.ge @!p0 [sflag:s0], s1  }
0x1a5: {  	s1 =	ssub.s32 @!p0 $0x0, s1;
	[sflag:s0] =	ssyncset.done @!p0 $0x0  }
0x1a6: {  	[sflag:s0] =	ssyncadd.s32 @!p0 s1  }
0x1a7: {  	[bflag:$0x3] =	sbarrier.arrive $0xFFFF  }
0x1a8: {  	_ =	shalt  }

</sc_bundles>
